<compile_context>
chip_gen: v7x
topology: tpu7x:2x2x1
jax: 0.10.2.dev20260603
libtpu: 0.0.44.dev20260713+nightly
codegen_flags: <defaults>
</compile_context>

<pallas_src>
import functools

import jax
import jax.numpy as jnp
from jax import lax
from jax.experimental import pallas as pl
from jax.experimental.pallas import tpu as pltpu
from jax.experimental.pallas import tpu_sc as plsc

VOCAB = 100000
EMBED = 64
BATCH = 4096
SEQ = 200

_NC = 2
_NS = 16
_NW = _NC * _NS
_ROWS_PER_W = BATCH // _NW
_CHUNK0 = 128
_CHUNK1 = SEQ - _CHUNK0


_NBUF = 4


def _make_pool_sc(nbatch):
    rows_per_w = nbatch // _NW
    return functools.partial(
        pl.kernel,
        out_type=jax.ShapeDtypeStruct((nbatch, EMBED), jnp.float32),
        mesh=plsc.VectorSubcoreMesh(core_axis_name="c", subcore_axis_name="s"),
        compiler_params=pltpu.CompilerParams(use_tc_tiling_on_sc=False),
        scratch_types=[
            pltpu.VMEM((rows_per_w, SEQ), jnp.int32),
            pltpu.VMEM((_NBUF, SEQ, EMBED), jnp.float32),
            pltpu.VMEM((rows_per_w, EMBED), jnp.float32),
        ] + [pltpu.SemaphoreType.DMA] * _NBUF,
    )(functools.partial(_pool_sc_body, rows_per_w))


def _pool_sc_body(_ROWS_PER_W, x_hbm, table_hbm, pooled_hbm,
                  idx_v, rows_v, pooled_v, *sems):
    wid = lax.axis_index("s") * _NC + lax.axis_index("c")
    base = wid * _ROWS_PER_W

    pltpu.sync_copy(x_hbm.at[pl.ds(base, _ROWS_PER_W)], idx_v)

    def fire(row, buf):
        pltpu.async_copy(
            table_hbm.at[idx_v.at[row, pl.ds(0, _CHUNK0)]],
            rows_v.at[buf, pl.ds(0, _CHUNK0)], sems[buf])
        pltpu.async_copy(
            table_hbm.at[idx_v.at[row, pl.ds(_CHUNK0, _CHUNK1)]],
            rows_v.at[buf, pl.ds(_CHUNK0, _CHUNK1)], sems[buf])

    def drain(buf):
        pltpu.make_async_copy(
            table_hbm.at[pl.ds(0, SEQ)], rows_v.at[buf], sems[buf]).wait()

    for b in range(_NBUF - 1):
        fire(jnp.int32(b), b)

    def quad_body(p, carry):
        r0 = p * _NBUF
        for b in range(_NBUF):
            row = r0 + b
            nxt = row + _NBUF - 1

            @pl.when(nxt < _ROWS_PER_W)
            def _():
                fire(nxt, (b + _NBUF - 1) % _NBUF)

            drain(b)
            zeros = jnp.zeros((16,), jnp.float32)

            def seq_body(r, accs, _b=b):
                a0, a1, a2, a3 = accs
                r2 = 2 * r
                a0 = a0 + rows_v[_b, r2, pl.ds(0, 16)]
                a1 = a1 + rows_v[_b, r2, pl.ds(16, 16)]
                a2 = a2 + rows_v[_b, r2, pl.ds(32, 16)]
                a3 = a3 + rows_v[_b, r2, pl.ds(48, 16)]
                a0 = a0 + rows_v[_b, r2 + 1, pl.ds(0, 16)]
                a1 = a1 + rows_v[_b, r2 + 1, pl.ds(16, 16)]
                a2 = a2 + rows_v[_b, r2 + 1, pl.ds(32, 16)]
                a3 = a3 + rows_v[_b, r2 + 1, pl.ds(48, 16)]
                return (a0, a1, a2, a3)

            a0, a1, a2, a3 = lax.fori_loop(0, SEQ // 2, seq_body,
                                           (zeros, zeros, zeros, zeros))
            scale = jnp.float32(1.0 / SEQ)
            pooled_v[row, pl.ds(0, 16)] = a0 * scale
            pooled_v[row, pl.ds(16, 16)] = a1 * scale
            pooled_v[row, pl.ds(32, 16)] = a2 * scale
            pooled_v[row, pl.ds(48, 16)] = a3 * scale
        return carry

    lax.fori_loop(0, _ROWS_PER_W // _NBUF, quad_body, 0)
    pltpu.sync_copy(pooled_v, pooled_hbm.at[pl.ds(base, _ROWS_PER_W)])



_VC = 20000
_VT = VOCAB // _VC
_BT = 128
_KA = 65


_SBT = 512
_SUB = 5000


def _stats_body(w_ref, p_ref, stats_ref, m_scr, s_scr):
    vc = pl.program_id(0)
    bt = pl.program_id(1)
    sl = pl.ds(bt * _SBT, _SBT)
    first = vc == 0
    p = p_ref[...]
    s_run = None
    for off in range(0, _VC, _SUB):
        lt = lax.dot_general(
            w_ref[pl.ds(off, _SUB), :], p,
            dimension_numbers=(((1,), (0,)), ((), ())),
            preferred_element_type=jnp.float32)
        if off == 0:
            m = jnp.where(first, jnp.max(lt, axis=0, keepdims=True),
                          m_scr[:, sl])
            s_run = jnp.where(first, 0.0, s_scr[:, sl])
        s_run = s_run + jnp.sum(jnp.exp(lt - m), axis=0, keepdims=True)
    m_scr[:, sl] = m
    s_scr[:, sl] = s_run
    stats_ref[0:1, :] = m
    stats_ref[1:2, :] = 1.0 / s_run


def _stats(W_aug, pT_aug):
    nb = pT_aug.shape[1]
    return pl.pallas_call(
        _stats_body,
        grid=(_VT, nb // _SBT),
        in_specs=[
            pl.BlockSpec((_VC, _KA), lambda v, b: (v, 0)),
            pl.BlockSpec((_KA, _SBT), lambda v, b: (0, b)),
        ],
        out_specs=pl.BlockSpec((2, _SBT), lambda v, b: (0, b)),
        out_shape=jax.ShapeDtypeStruct((2, nb), jnp.float32),
        scratch_shapes=[
            pltpu.VMEM((1, nb), jnp.float32),
            pltpu.VMEM((1, nb), jnp.float32),
        ],
    )(W_aug, pT_aug)


def _write_body(w_ref, p_ref, stats_ref, out_ref):
    lt = lax.dot_general(
        w_ref[...], p_ref[...],
        dimension_numbers=(((1,), (0,)), ((), ())),
        preferred_element_type=jnp.float32)
    m = stats_ref[0:1, :]
    inv = stats_ref[1:2, :]
    out_ref[...] = jnp.exp(lt - m) * inv


def _write(W_aug, pT_aug, stats):
    return pl.pallas_call(
        _write_body,
        grid=(_VT, BATCH // _BT),
        in_specs=[
            pl.BlockSpec((_VC, _KA), lambda v, b: (v, 0)),
            pl.BlockSpec((_KA, _BT), lambda v, b: (0, b)),
            pl.BlockSpec((2, _BT), lambda v, b: (0, b)),
        ],
        out_specs=pl.BlockSpec((_VC, _BT), lambda v, b: (v, b)),
        out_shape=jax.ShapeDtypeStruct((VOCAB, BATCH), jnp.float32),
    )(W_aug, pT_aug, stats)


def _augment(pooled_half):
    nb = pooled_half.shape[0]
    return jnp.concatenate(
        [pooled_half.T, jnp.ones((1, nb), jnp.float32)],
        axis=0).astype(jnp.bfloat16)


def kernel(x, embed_table, W, b):
    half = BATCH // 2
    pool = _make_pool_sc(half)
    pooled1 = pool(x[:half], embed_table)
    pooled2 = pool(x[half:], embed_table)
    W_aug = jnp.concatenate([W, b[:, None]], axis=1).astype(jnp.bfloat16)
    pta1 = _augment(pooled1)
    pta2 = _augment(pooled2)
    stats1 = _stats(W_aug, pta1)
    stats2 = _stats(W_aug, pta2)
    stats = jnp.concatenate([stats1, stats2], axis=1)
    pT_aug = jnp.concatenate([pta1, pta2], axis=1)
    outT = _write(W_aug, pT_aug, stats)
    return outT.T

# --- scband reference (transcript-rebuilt; emitter-appended) ---
"""Pipeline reference for scband-toy-lm-13778255085649 (READ-ONLY COPY).

The authoritative reference and input builder live on the scoring server;
editing this copy changes nothing except your own understanding.
"""

import jax, jax.numpy as jnp
import numpy as np

VOCAB = 100000
EMBED = 64
BATCH = 4096
SEQ = 200

def setup_inputs(seed: int = 0) -> dict:
    key = jax.random.key(seed)
    k_idx, k_emb, k_w, k_b = jax.random.split(key, 4)
    x = jax.random.randint(k_idx, (BATCH, SEQ), 0, VOCAB, dtype=jnp.int64 if jax.config.jax_enable_x64 else jnp.int32)
    embed_table = jax.random.normal(k_emb, (VOCAB, EMBED), dtype=jnp.float32)
    W = jax.random.normal(k_w, (VOCAB, EMBED), dtype=jnp.float32) * (1.0 / np.sqrt(EMBED))
    b = jax.random.normal(k_b, (VOCAB,), dtype=jnp.float32) * 0.01
    return {"x": x, "embed_table": embed_table, "W": W, "b": b}

def reference(x, embed_table, W, b):
    # nn.Embedding lookup -> gather rows
    embed = jnp.take(embed_table, x, axis=0)            # [B, S, E]
    pooled = embed.mean(axis=1)                          # [B, E]
    logits = pooled @ W.T + b                            # [B, V]  (nn.Linear: x W^T + b)
    return jax.nn.softmax(logits, axis=-1)

if __name__ == "__main__":
    import jax
    _d = setup_inputs()
    print(jax.jit(kernel)(*tuple(_d.values())))

</pallas_src>

<mosaic_0001>
#map = affine_map<(d0, d1) -> (0, 0)>
module attributes {stable_mosaic.version = 14 : i64} {
  func.func @_pool_sc_body(%arg0: i32, %arg1: i32, %arg2: memref<2048x200xi32, #tpu.memory_space<hbm>>, %arg3: memref<100000x64xf32, #tpu.memory_space<hbm>>, %arg4: memref<2048x64xf32, #tpu.memory_space<hbm>>, %arg5: memref<64x200xi32, #tpu.memory_space<vmem>>, %arg6: memref<4x200x64xf32, #tpu.memory_space<vmem>>, %arg7: memref<64x64xf32, #tpu.memory_space<vmem>>, %arg8: memref<!tpu.dma_semaphore, #tpu.memory_space<semaphore_mem>>, %arg9: memref<!tpu.dma_semaphore, #tpu.memory_space<semaphore_mem>>, %arg10: memref<!tpu.dma_semaphore, #tpu.memory_space<semaphore_mem>>, %arg11: memref<!tpu.dma_semaphore, #tpu.memory_space<semaphore_mem>>) attributes {dimension_semantics = [#tpu.dimension_semantics<core_parallel>, #tpu.dimension_semantics<subcore_parallel>], iteration_bounds = array<i64: 2, 16>, scalar_prefetch = 0 : i64, scratch_operands = 7 : i64, tpu.core_type = #tpu.core_type<sc_vector_subcore>, window_params = [{transform_indices = #map}, {transform_indices = #map}, {transform_indices = #map}]} {
    %mul3A = arith.constant 2 : i32
    %mul3A_0 = arith.muli %arg1, %mul3A : i32
    %add3A = arith.addi %mul3A_0, %arg0 : i32
    %mul3A_1 = arith.constant 64 : i32
    %mul3A_2 = arith.muli %add3A, %mul3A_1 : i32
    "tpu.region"() ({
      %run_scoped3A = tpu.sem_alloc : memref<!tpu.dma_semaphore, #tpu.memory_space<semaphore_mem>>
      %dma_start3A_79 = arith.constant 0 : i32
      %dma_start3A_80 = tpu.memref_slice %arg2[%mul3A_2, %dma_start3A_79] : memref<2048x200xi32, #tpu.memory_space<hbm>> -> memref<64x200xi32, #tpu.memory_space<hbm>>
      %dma_start3A_81 = arith.constant 0 : i32
      %dma_start3A_82 = tpu.memref_slice %arg2[%mul3A_2, %dma_start3A_81] : memref<2048x200xi32, #tpu.memory_space<hbm>> -> memref<64x200xi32, #tpu.memory_space<hbm>>
      tpu.enqueue_dma source(%dma_start3A_82 : memref<64x200xi32, #tpu.memory_space<hbm>>) target(%arg5 : memref<64x200xi32, #tpu.memory_space<vmem>>) target_semaphore(%run_scoped3A : memref<!tpu.dma_semaphore, #tpu.memory_space<semaphore_mem>>)
      %dma_wait3A = arith.constant 0 : i32
      %dma_wait3A_83 = tpu.memref_slice %arg2[%mul3A_2, %dma_wait3A] : memref<2048x200xi32, #tpu.memory_space<hbm>> -> memref<64x200xi32, #tpu.memory_space<hbm>>
      %dma_wait3A_84 = arith.constant 0 : i32
      %dma_wait3A_85 = tpu.memref_slice %arg2[%mul3A_2, %dma_wait3A_84] : memref<2048x200xi32, #tpu.memory_space<hbm>> -> memref<64x200xi32, #tpu.memory_space<hbm>>
      tpu.wait_dma2 semaphore(%run_scoped3A : memref<!tpu.dma_semaphore, #tpu.memory_space<semaphore_mem>>) src(%dma_wait3A_85 : memref<64x200xi32, #tpu.memory_space<hbm>>) dst(%arg5 : memref<64x200xi32, #tpu.memory_space<vmem>>)
      tpu.yield
    }) : () -> ()
    %dma_start3A = arith.constant 0 : i32
    %dma_start3A_3 = arith.constant 0 : i32
    %dma_start3A_4 = arith.constant 0 : i32
    %dma_start3A_5 = arith.constant 0 : i32
    %dma_start3A_6 = tpu.memref_slice %arg6[%dma_start3A_3, %dma_start3A_4, %dma_start3A_5] : memref<4x200x64xf32, #tpu.memory_space<vmem>> -> memref<1x128x64xf32, #tpu.memory_space<vmem>>
    %dma_start3A_7 = tpu.memref_squeeze %dma_start3A_6 : memref<1x128x64xf32, #tpu.memory_space<vmem>> -> memref<128x64xf32, #tpu.memory_space<vmem>>
    %dma_start3A_8 = arith.constant 0 : i32
    %dma_start3A_9 = tpu.memref_slice %arg5[%dma_start3A, %dma_start3A_8] : memref<64x200xi32, #tpu.memory_space<vmem>> -> memref<1x128xi32, #tpu.memory_space<vmem>>
    %dma_start3A_10 = tpu.memref_squeeze %dma_start3A_9 : memref<1x128xi32, #tpu.memory_space<vmem>> -> memref<128xi32, #tpu.memory_space<vmem>>
    %dma_start3A_11 = arith.constant 0 : i32
    %dma_start3A_12 = arith.constant 0 : i32
    %dma_start3A_13 = tpu.memref_slice %arg3[%dma_start3A_11, %dma_start3A_12] : memref<100000x64xf32, #tpu.memory_space<hbm>> -> memref<100000x64xf32, #tpu.memory_space<hbm>>
    tpu.enqueue_indirect_dma source(%dma_start3A_13 : memref<100000x64xf32, #tpu.memory_space<hbm>>) target(%dma_start3A_7 : memref<128x64xf32, #tpu.memory_space<vmem>>) offsets(%dma_start3A_10 : memref<128xi32, #tpu.memory_space<vmem>>) semaphore(%arg8 : memref<!tpu.dma_semaphore, #tpu.memory_space<semaphore_mem>>)
    %dma_start3A_14 = arith.constant 0 : i32
    %dma_start3A_15 = arith.constant 0 : i32
    %dma_start3A_16 = arith.constant 128 : i32
    %dma_start3A_17 = arith.constant 0 : i32
    %dma_start3A_18 = tpu.memref_slice %arg6[%dma_start3A_15, %dma_start3A_16, %dma_start3A_17] : memref<4x200x64xf32, #tpu.memory_space<vmem>> -> memref<1x72x64xf32, #tpu.memory_space<vmem>>
    %dma_start3A_19 = tpu.memref_squeeze %dma_start3A_18 : memref<1x72x64xf32, #tpu.memory_space<vmem>> -> memref<72x64xf32, #tpu.memory_space<vmem>>
    %dma_start3A_20 = arith.constant 128 : i32
    %dma_start3A_21 = tpu.memref_slice %arg5[%dma_start3A_14, %dma_start3A_20] : memref<64x200xi32, #tpu.memory_space<vmem>> -> memref<1x72xi32, #tpu.memory_space<vmem>>
    %dma_start3A_22 = tpu.memref_squeeze %dma_start3A_21 : memref<1x72xi32, #tpu.memory_space<vmem>> -> memref<72xi32, #tpu.memory_space<vmem>>
    %dma_start3A_23 = arith.constant 0 : i32
    %dma_start3A_24 = arith.constant 0 : i32
    %dma_start3A_25 = tpu.memref_slice %arg3[%dma_start3A_23, %dma_start3A_24] : memref<100000x64xf32, #tpu.memory_space<hbm>> -> memref<100000x64xf32, #tpu.memory_space<hbm>>
    tpu.enqueue_indirect_dma source(%dma_start3A_25 : memref<100000x64xf32, #tpu.memory_space<hbm>>) target(%dma_start3A_19 : memref<72x64xf32, #tpu.memory_space<vmem>>) offsets(%dma_start3A_22 : memref<72xi32, #tpu.memory_space<vmem>>) semaphore(%arg8 : memref<!tpu.dma_semaphore, #tpu.memory_space<semaphore_mem>>)
    %dma_start3A_26 = arith.constant 1 : i32
    %dma_start3A_27 = arith.constant 1 : i32
    %dma_start3A_28 = arith.constant 0 : i32
    %dma_start3A_29 = arith.constant 0 : i32
    %dma_start3A_30 = tpu.memref_slice %arg6[%dma_start3A_27, %dma_start3A_28, %dma_start3A_29] : memref<4x200x64xf32, #tpu.memory_space<vmem>> -> memref<1x128x64xf32, #tpu.memory_space<vmem>>
    %dma_start3A_31 = tpu.memref_squeeze %dma_start3A_30 : memref<1x128x64xf32, #tpu.memory_space<vmem>> -> memref<128x64xf32, #tpu.memory_space<vmem>>
    %dma_start3A_32 = arith.constant 0 : i32
    %dma_start3A_33 = tpu.memref_slice %arg5[%dma_start3A_26, %dma_start3A_32] : memref<64x200xi32, #tpu.memory_space<vmem>> -> memref<1x128xi32, #tpu.memory_space<vmem>>
    %dma_start3A_34 = tpu.memref_squeeze %dma_start3A_33 : memref<1x128xi32, #tpu.memory_space<vmem>> -> memref<128xi32, #tpu.memory_space<vmem>>
    %dma_start3A_35 = arith.constant 0 : i32
    %dma_start3A_36 = arith.constant 0 : i32
    %dma_start3A_37 = tpu.memref_slice %arg3[%dma_start3A_35, %dma_start3A_36] : memref<100000x64xf32, #tpu.memory_space<hbm>> -> memref<100000x64xf32, #tpu.memory_space<hbm>>
    tpu.enqueue_indirect_dma source(%dma_start3A_37 : memref<100000x64xf32, #tpu.memory_space<hbm>>) target(%dma_start3A_31 : memref<128x64xf32, #tpu.memory_space<vmem>>) offsets(%dma_start3A_34 : memref<128xi32, #tpu.memory_space<vmem>>) semaphore(%arg9 : memref<!tpu.dma_semaphore, #tpu.memory_space<semaphore_mem>>)
    %dma_start3A_38 = arith.constant 1 : i32
    %dma_start3A_39 = arith.constant 1 : i32
    %dma_start3A_40 = arith.constant 128 : i32
    %dma_start3A_41 = arith.constant 0 : i32
    %dma_start3A_42 = tpu.memref_slice %arg6[%dma_start3A_39, %dma_start3A_40, %dma_start3A_41] : memref<4x200x64xf32, #tpu.memory_space<vmem>> -> memref<1x72x64xf32, #tpu.memory_space<vmem>>
    %dma_start3A_43 = tpu.memref_squeeze %dma_start3A_42 : memref<1x72x64xf32, #tpu.memory_space<vmem>> -> memref<72x64xf32, #tpu.memory_space<vmem>>
    %dma_start3A_44 = arith.constant 128 : i32
    %dma_start3A_45 = tpu.memref_slice %arg5[%dma_start3A_38, %dma_start3A_44] : memref<64x200xi32, #tpu.memory_space<vmem>> -> memref<1x72xi32, #tpu.memory_space<vmem>>
    %dma_start3A_46 = tpu.memref_squeeze %dma_start3A_45 : memref<1x72xi32, #tpu.memory_space<vmem>> -> memref<72xi32, #tpu.memory_space<vmem>>
    %dma_start3A_47 = arith.constant 0 : i32
    %dma_start3A_48 = arith.constant 0 : i32
    %dma_start3A_49 = tpu.memref_slice %arg3[%dma_start3A_47, %dma_start3A_48] : memref<100000x64xf32, #tpu.memory_space<hbm>> -> memref<100000x64xf32, #tpu.memory_space<hbm>>
    tpu.enqueue_indirect_dma source(%dma_start3A_49 : memref<100000x64xf32, #tpu.memory_space<hbm>>) target(%dma_start3A_43 : memref<72x64xf32, #tpu.memory_space<vmem>>) offsets(%dma_start3A_46 : memref<72xi32, #tpu.memory_space<vmem>>) semaphore(%arg9 : memref<!tpu.dma_semaphore, #tpu.memory_space<semaphore_mem>>)
    %dma_start3A_50 = arith.constant 2 : i32
    %dma_start3A_51 = arith.constant 2 : i32
    %dma_start3A_52 = arith.constant 0 : i32
    %dma_start3A_53 = arith.constant 0 : i32
    %dma_start3A_54 = tpu.memref_slice %arg6[%dma_start3A_51, %dma_start3A_52, %dma_start3A_53] : memref<4x200x64xf32, #tpu.memory_space<vmem>> -> memref<1x128x64xf32, #tpu.memory_space<vmem>>
    %dma_start3A_55 = tpu.memref_squeeze %dma_start3A_54 : memref<1x128x64xf32, #tpu.memory_space<vmem>> -> memref<128x64xf32, #tpu.memory_space<vmem>>
    %dma_start3A_56 = arith.constant 0 : i32
    %dma_start3A_57 = tpu.memref_slice %arg5[%dma_start3A_50, %dma_start3A_56] : memref<64x200xi32, #tpu.memory_space<vmem>> -> memref<1x128xi32, #tpu.memory_space<vmem>>
    %dma_start3A_58 = tpu.memref_squeeze %dma_start3A_57 : memref<1x128xi32, #tpu.memory_space<vmem>> -> memref<128xi32, #tpu.memory_space<vmem>>
    %dma_start3A_59 = arith.constant 0 : i32
    %dma_start3A_60 = arith.constant 0 : i32
    %dma_start3A_61 = tpu.memref_slice %arg3[%dma_start3A_59, %dma_start3A_60] : memref<100000x64xf32, #tpu.memory_space<hbm>> -> memref<100000x64xf32, #tpu.memory_space<hbm>>
    tpu.enqueue_indirect_dma source(%dma_start3A_61 : memref<100000x64xf32, #tpu.memory_space<hbm>>) target(%dma_start3A_55 : memref<128x64xf32, #tpu.memory_space<vmem>>) offsets(%dma_start3A_58 : memref<128xi32, #tpu.memory_space<vmem>>) semaphore(%arg10 : memref<!tpu.dma_semaphore, #tpu.memory_space<semaphore_mem>>)
    %dma_start3A_62 = arith.constant 2 : i32
    %dma_start3A_63 = arith.constant 2 : i32
    %dma_start3A_64 = arith.constant 128 : i32
    %dma_start3A_65 = arith.constant 0 : i32
    %dma_start3A_66 = tpu.memref_slice %arg6[%dma_start3A_63, %dma_start3A_64, %dma_start3A_65] : memref<4x200x64xf32, #tpu.memory_space<vmem>> -> memref<1x72x64xf32, #tpu.memory_space<vmem>>
    %dma_start3A_67 = tpu.memref_squeeze %dma_start3A_66 : memref<1x72x64xf32, #tpu.memory_space<vmem>> -> memref<72x64xf32, #tpu.memory_space<vmem>>
    %dma_start3A_68 = arith.constant 128 : i32
    %dma_start3A_69 = tpu.memref_slice %arg5[%dma_start3A_62, %dma_start3A_68] : memref<64x200xi32, #tpu.memory_space<vmem>> -> memref<1x72xi32, #tpu.memory_space<vmem>>
    %dma_start3A_70 = tpu.memref_squeeze %dma_start3A_69 : memref<1x72xi32, #tpu.memory_space<vmem>> -> memref<72xi32, #tpu.memory_space<vmem>>
    %dma_start3A_71 = arith.constant 0 : i32
    %dma_start3A_72 = arith.constant 0 : i32
    %dma_start3A_73 = tpu.memref_slice %arg3[%dma_start3A_71, %dma_start3A_72] : memref<100000x64xf32, #tpu.memory_space<hbm>> -> memref<100000x64xf32, #tpu.memory_space<hbm>>
    tpu.enqueue_indirect_dma source(%dma_start3A_73 : memref<100000x64xf32, #tpu.memory_space<hbm>>) target(%dma_start3A_67 : memref<72x64xf32, #tpu.memory_space<vmem>>) offsets(%dma_start3A_70 : memref<72xi32, #tpu.memory_space<vmem>>) semaphore(%arg10 : memref<!tpu.dma_semaphore, #tpu.memory_space<semaphore_mem>>)
    %scan3A = arith.constant 0 : i32
    %scan3A_74 = arith.constant 0 : i32
    %scan3A_75 = arith.constant 16 : i32
    %scan3A_76 = arith.addi %scan3A_74, %scan3A_75 : i32
    %scan3A_77 = arith.constant 1 : i32
    scf.for %scan3A_79 = %scan3A_74 to %scan3A_76 step %scan3A_77  : i32 {
      %mul3A_80 = arith.constant 4 : i32
      %mul3A_81 = arith.muli %scan3A_79, %mul3A_80 : i32
      %add3A_82 = arith.constant 0 : i32
      %add3A_83 = arith.addi %mul3A_81, %add3A_82 : i32
      %add3A_84 = arith.constant 4 : i32
      %add3A_85 = arith.addi %add3A_83, %add3A_84 : i32
      %sub3A = arith.constant 1 : i32
      %sub3A_86 = arith.subi %add3A_85, %sub3A : i32
      %lt3A = arith.constant 64 : i32
      %lt3A_87 = arith.cmpi slt, %sub3A_86, %lt3A : i32
      %convert_element_type3A = arith.extui %lt3A_87 : i1 to i32
      %cond3A = arith.constant 0 : i32
      %cond3A_88 = arith.cmpi ne, %convert_element_type3A, %cond3A : i32
      scf.if %cond3A_88 {
        %dma_start3A_339 = arith.constant 3 : i32
        %dma_start3A_340 = arith.constant 0 : i32
        %dma_start3A_341 = arith.constant 0 : i32
        %dma_start3A_342 = tpu.memref_slice %arg6[%dma_start3A_339, %dma_start3A_340, %dma_start3A_341] : memref<4x200x64xf32, #tpu.memory_space<vmem>> -> memref<1x128x64xf32, #tpu.memory_space<vmem>>
        %dma_start3A_343 = tpu.memref_squeeze %dma_start3A_342 : memref<1x128x64xf32, #tpu.memory_space<vmem>> -> memref<128x64xf32, #tpu.memory_space<vmem>>
        %dma_start3A_344 = arith.constant 0 : i32
        %dma_start3A_345 = tpu.memref_slice %arg5[%sub3A_86, %dma_start3A_344] : memref<64x200xi32, #tpu.memory_space<vmem>> -> memref<1x128xi32, #tpu.memory_space<vmem>>
        %dma_start3A_346 = tpu.memref_squeeze %dma_start3A_345 : memref<1x128xi32, #tpu.memory_space<vmem>> -> memref<128xi32, #tpu.memory_space<vmem>>
        %dma_start3A_347 = arith.constant 0 : i32
        %dma_start3A_348 = arith.constant 0 : i32
        %dma_start3A_349 = tpu.memref_slice %arg3[%dma_start3A_347, %dma_start3A_348] : memref<100000x64xf32, #tpu.memory_space<hbm>> -> memref<100000x64xf32, #tpu.memory_space<hbm>>
        tpu.enqueue_indirect_dma source(%dma_start3A_349 : memref<100000x64xf32, #tpu.memory_space<hbm>>) target(%dma_start3A_343 : memref<128x64xf32, #tpu.memory_space<vmem>>) offsets(%dma_start3A_346 : memref<128xi32, #tpu.memory_space<vmem>>) semaphore(%arg11 : memref<!tpu.dma_semaphore, #tpu.memory_space<semaphore_mem>>)
        %dma_start3A_350 = arith.constant 3 : i32
        %dma_start3A_351 = arith.constant 128 : i32
        %dma_start3A_352 = arith.constant 0 : i32
        %dma_start3A_353 = tpu.memref_slice %arg6[%dma_start3A_350, %dma_start3A_351, %dma_start3A_352] : memref<4x200x64xf32, #tpu.memory_space<vmem>> -> memref<1x72x64xf32, #tpu.memory_space<vmem>>
        %dma_start3A_354 = tpu.memref_squeeze %dma_start3A_353 : memref<1x72x64xf32, #tpu.memory_space<vmem>> -> memref<72x64xf32, #tpu.memory_space<vmem>>
        %dma_start3A_355 = arith.constant 128 : i32
        %dma_start3A_356 = tpu.memref_slice %arg5[%sub3A_86, %dma_start3A_355] : memref<64x200xi32, #tpu.memory_space<vmem>> -> memref<1x72xi32, #tpu.memory_space<vmem>>
        %dma_start3A_357 = tpu.memref_squeeze %dma_start3A_356 : memref<1x72xi32, #tpu.memory_space<vmem>> -> memref<72xi32, #tpu.memory_space<vmem>>
        %dma_start3A_358 = arith.constant 0 : i32
        %dma_start3A_359 = arith.constant 0 : i32
        %dma_start3A_360 = tpu.memref_slice %arg3[%dma_start3A_358, %dma_start3A_359] : memref<100000x64xf32, #tpu.memory_space<hbm>> -> memref<100000x64xf32, #tpu.memory_space<hbm>>
        tpu.enqueue_indirect_dma source(%dma_start3A_360 : memref<100000x64xf32, #tpu.memory_space<hbm>>) target(%dma_start3A_354 : memref<72x64xf32, #tpu.memory_space<vmem>>) offsets(%dma_start3A_357 : memref<72xi32, #tpu.memory_space<vmem>>) semaphore(%arg11 : memref<!tpu.dma_semaphore, #tpu.memory_space<semaphore_mem>>)
      } else {
      }
      %dma_wait3A = arith.constant 0 : i32
      %dma_wait3A_89 = arith.constant 0 : i32
      %dma_wait3A_90 = arith.constant 0 : i32
      %dma_wait3A_91 = tpu.memref_slice %arg6[%dma_wait3A, %dma_wait3A_89, %dma_wait3A_90] : memref<4x200x64xf32, #tpu.memory_space<vmem>> -> memref<1x200x64xf32, #tpu.memory_space<vmem>>
      %dma_wait3A_92 = tpu.memref_squeeze %dma_wait3A_91 : memref<1x200x64xf32, #tpu.memory_space<vmem>> -> memref<200x64xf32, #tpu.memory_space<vmem>>
      %dma_wait3A_93 = arith.constant 0 : i32
      %dma_wait3A_94 = arith.constant 0 : i32
      %dma_wait3A_95 = tpu.memref_slice %arg3[%dma_wait3A_93, %dma_wait3A_94] : memref<100000x64xf32, #tpu.memory_space<hbm>> -> memref<200x64xf32, #tpu.memory_space<hbm>>
      %dma_wait3A_96 = arith.constant 0 : i32
      %dma_wait3A_97 = arith.constant 0 : i32
      %dma_wait3A_98 = tpu.memref_slice %arg6[%dma_wait3A, %dma_wait3A_96, %dma_wait3A_97] : memref<4x200x64xf32, #tpu.memory_space<vmem>> -> memref<1x200x64xf32, #tpu.memory_space<vmem>>
      %dma_wait3A_99 = tpu.memref_squeeze %dma_wait3A_98 : memref<1x200x64xf32, #tpu.memory_space<vmem>> -> memref<200x64xf32, #tpu.memory_space<vmem>>
      %dma_wait3A_100 = arith.constant 0 : i32
      %dma_wait3A_101 = arith.constant 0 : i32
      %dma_wait3A_102 = tpu.memref_slice %arg3[%dma_wait3A_100, %dma_wait3A_101] : memref<100000x64xf32, #tpu.memory_space<hbm>> -> memref<200x64xf32, #tpu.memory_space<hbm>>
      tpu.wait_dma2 semaphore(%arg8 : memref<!tpu.dma_semaphore, #tpu.memory_space<semaphore_mem>>) src(%dma_wait3A_102 : memref<200x64xf32, #tpu.memory_space<hbm>>) dst(%dma_wait3A_99 : memref<200x64xf32, #tpu.memory_space<vmem>>)
      %broadcast_in_dim3A = arith.constant 0.000000e+00 : f32
      %broadcast_in_dim3A_103 = vector.broadcast %broadcast_in_dim3A : f32 to vector<16xf32>
      %scan3A_104 = arith.constant 0 : i32
      %scan3A_105 = arith.constant 100 : i32
      %scan3A_106 = arith.addi %scan3A_104, %scan3A_105 : i32
      %scan3A_107 = arith.constant 1 : i32
      %scan3A_108:4 = scf.for %scan3A_339 = %scan3A_104 to %scan3A_106 step %scan3A_107 iter_args(%scan3A_340 = %broadcast_in_dim3A_103, %scan3A_341 = %broadcast_in_dim3A_103, %scan3A_342 = %broadcast_in_dim3A_103, %scan3A_343 = %broadcast_in_dim3A_103) -> (vector<16xf32>, vector<16xf32>, vector<16xf32>, vector<16xf32>)  : i32 {
        %mul3A_344 = arith.constant 2 : i32
        %mul3A_345 = arith.muli %mul3A_344, %scan3A_339 : i32
        %get3A = arith.constant 0 : i32
        %get3A_346 = arith.index_cast %get3A : i32 to index
        %get3A_347 = arith.index_cast %mul3A_345 : i32 to index
        %get3A_348 = arith.constant 0 : index
        %get3A_349 = tpu.vector_load %arg6[%get3A_346, %get3A_347, %get3A_348] {strides = array<i32>} : memref<4x200x64xf32, #tpu.memory_space<vmem>>, vector<1x1x16xf32>,
        %get3A_350 = vector.shape_cast %get3A_349 : vector<1x1x16xf32> to vector<16xf32>
        %add3A_351 = arith.addf %scan3A_340, %get3A_350 : vector<16xf32>
        %get3A_352 = arith.constant 0 : i32
        %get3A_353 = arith.index_cast %get3A_352 : i32 to index
        %get3A_354 = arith.index_cast %mul3A_345 : i32 to index
        %get3A_355 = arith.constant 16 : index
        %get3A_356 = tpu.vector_load %arg6[%get3A_353, %get3A_354, %get3A_355] {strides = array<i32>} : memref<4x200x64xf32, #tpu.memory_space<vmem>>, vector<1x1x16xf32>,
        %get3A_357 = vector.shape_cast %get3A_356 : vector<1x1x16xf32> to vector<16xf32>
        %add3A_358 = arith.addf %scan3A_341, %get3A_357 : vector<16xf32>
        %get3A_359 = arith.constant 0 : i32
        %get3A_360 = arith.index_cast %get3A_359 : i32 to index
        %get3A_361 = arith.index_cast %mul3A_345 : i32 to index
        %get3A_362 = arith.constant 32 : index
        %get3A_363 = tpu.vector_load %arg6[%get3A_360, %get3A_361, %get3A_362] {strides = array<i32>} : memref<4x200x64xf32, #tpu.memory_space<vmem>>, vector<1x1x16xf32>,
        %get3A_364 = vector.shape_cast %get3A_363 : vector<1x1x16xf32> to vector<16xf32>
        %add3A_365 = arith.addf %scan3A_342, %get3A_364 : vector<16xf32>
        %get3A_366 = arith.constant 0 : i32
        %get3A_367 = arith.index_cast %get3A_366 : i32 to index
        %get3A_368 = arith.index_cast %mul3A_345 : i32 to index
        %get3A_369 = arith.constant 48 : index
        %get3A_370 = tpu.vector_load %arg6[%get3A_367, %get3A_368, %get3A_369] {strides = array<i32>} : memref<4x200x64xf32, #tpu.memory_space<vmem>>, vector<1x1x16xf32>,
        %get3A_371 = vector.shape_cast %get3A_370 : vector<1x1x16xf32> to vector<16xf32>
        %add3A_372 = arith.addf %scan3A_343, %get3A_371 : vector<16xf32>
        %add3A_373 = arith.constant 1 : i32
        %add3A_374 = arith.addi %mul3A_345, %add3A_373 : i32
        %get3A_375 = arith.constant 0 : i32
        %get3A_376 = arith.index_cast %get3A_375 : i32 to index
        %get3A_377 = arith.index_cast %add3A_374 : i32 to index
        %get3A_378 = arith.constant 0 : index
        %get3A_379 = tpu.vector_load %arg6[%get3A_376, %get3A_377, %get3A_378] {strides = array<i32>} : memref<4x200x64xf32, #tpu.memory_space<vmem>>, vector<1x1x16xf32>,
        %get3A_380 = vector.shape_cast %get3A_379 : vector<1x1x16xf32> to vector<16xf32>
        %add3A_381 = arith.addf %add3A_351, %get3A_380 : vector<16xf32>
        %add3A_382 = arith.constant 1 : i32
        %add3A_383 = arith.addi %mul3A_345, %add3A_382 : i32
        %get3A_384 = arith.constant 0 : i32
        %get3A_385 = arith.index_cast %get3A_384 : i32 to index
        %get3A_386 = arith.index_cast %add3A_383 : i32 to index
        %get3A_387 = arith.constant 16 : index
        %get3A_388 = tpu.vector_load %arg6[%get3A_385, %get3A_386, %get3A_387] {strides = array<i32>} : memref<4x200x64xf32, #tpu.memory_space<vmem>>, vector<1x1x16xf32>,
        %get3A_389 = vector.shape_cast %get3A_388 : vector<1x1x16xf32> to vector<16xf32>
        %add3A_390 = arith.addf %add3A_358, %get3A_389 : vector<16xf32>
        %add3A_391 = arith.constant 1 : i32
        %add3A_392 = arith.addi %mul3A_345, %add3A_391 : i32
        %get3A_393 = arith.constant 0 : i32
        %get3A_394 = arith.index_cast %get3A_393 : i32 to index
        %get3A_395 = arith.index_cast %add3A_392 : i32 to index
        %get3A_396 = arith.constant 32 : index
        %get3A_397 = tpu.vector_load %arg6[%get3A_394, %get3A_395, %get3A_396] {strides = array<i32>} : memref<4x200x64xf32, #tpu.memory_space<vmem>>, vector<1x1x16xf32>,
        %get3A_398 = vector.shape_cast %get3A_397 : vector<1x1x16xf32> to vector<16xf32>
        %add3A_399 = arith.addf %add3A_365, %get3A_398 : vector<16xf32>
        %add3A_400 = arith.constant 1 : i32
        %add3A_401 = arith.addi %mul3A_345, %add3A_400 : i32
        %get3A_402 = arith.constant 0 : i32
        %get3A_403 = arith.index_cast %get3A_402 : i32 to index
        %get3A_404 = arith.index_cast %add3A_401 : i32 to index
        %get3A_405 = arith.constant 48 : index
        %get3A_406 = tpu.vector_load %arg6[%get3A_403, %get3A_404, %get3A_405] {strides = array<i32>} : memref<4x200x64xf32, #tpu.memory_space<vmem>>, vector<1x1x16xf32>,
        %get3A_407 = vector.shape_cast %get3A_406 : vector<1x1x16xf32> to vector<16xf32>
        %add3A_408 = arith.addf %add3A_372, %get3A_407 : vector<16xf32>
        scf.yield %add3A_381, %add3A_390, %add3A_399, %add3A_408 : vector<16xf32>, vector<16xf32>, vector<16xf32>, vector<16xf32>
      }
      %scan3A_109 = arith.constant 100 : i32
      %mul3A_110 = arith.constant 5.000000e-03 : f32
      %mul3A_111 = vector.broadcast %mul3A_110 : f32 to vector<16xf32>
      %mul3A_112 = arith.mulf %scan3A_108#0, %mul3A_111 : vector<16xf32>
      %swap3A = arith.index_cast %add3A_83 : i32 to index
      %swap3A_113 = arith.constant 0 : index
      %swap3A_114 = tpu.vector_load %arg7[%swap3A, %swap3A_113] {strides = array<i32>} : memref<64x64xf32, #tpu.memory_space<vmem>>, vector<1x16xf32>,
      %swap3A_115 = vector.shape_cast %swap3A_114 : vector<1x16xf32> to vector<16xf32>
      %swap3A_116 = vector.shape_cast %mul3A_112 : vector<16xf32> to vector<1x16xf32>
      tpu.vector_store %arg7[%swap3A, %swap3A_113], %swap3A_116 {strides = array<i32>} : memref<64x64xf32, #tpu.memory_space<vmem>>, vector<1x16xf32>,
      %mul3A_117 = arith.constant 5.000000e-03 : f32
      %mul3A_118 = vector.broadcast %mul3A_117 : f32 to vector<16xf32>
      %mul3A_119 = arith.mulf %scan3A_108#1, %mul3A_118 : vector<16xf32>
      %swap3A_120 = arith.index_cast %add3A_83 : i32 to index
      %swap3A_121 = arith.constant 16 : index
      %swap3A_122 = tpu.vector_load %arg7[%swap3A_120, %swap3A_121] {strides = array<i32>} : memref<64x64xf32, #tpu.memory_space<vmem>>, vector<1x16xf32>,
      %swap3A_123 = vector.shape_cast %swap3A_122 : vector<1x16xf32> to vector<16xf32>
      %swap3A_124 = vector.shape_cast %mul3A_119 : vector<16xf32> to vector<1x16xf32>
      tpu.vector_store %arg7[%swap3A_120, %swap3A_121], %swap3A_124 {strides = array<i32>} : memref<64x64xf32, #tpu.memory_space<vmem>>, vector<1x16xf32>,
      %mul3A_125 = arith.constant 5.000000e-03 : f32
      %mul3A_126 = vector.broadcast %mul3A_125 : f32 to vector<16xf32>
      %mul3A_127 = arith.mulf %scan3A_108#2, %mul3A_126 : vector<16xf32>
      %swap3A_128 = arith.index_cast %add3A_83 : i32 to index
      %swap3A_129 = arith.constant 32 : index
      %swap3A_130 = tpu.vector_load %arg7[%swap3A_128, %swap3A_129] {strides = array<i32>} : memref<64x64xf32, #tpu.memory_space<vmem>>, vector<1x16xf32>,
      %swap3A_131 = vector.shape_cast %swap3A_130 : vector<1x16xf32> to vector<16xf32>
      %swap3A_132 = vector.shape_cast %mul3A_127 : vector<16xf32> to vector<1x16xf32>
      tpu.vector_store %arg7[%swap3A_128, %swap3A_129], %swap3A_132 {strides = array<i32>} : memref<64x64xf32, #tpu.memory_space<vmem>>, vector<1x16xf32>,
      %mul3A_133 = arith.constant 5.000000e-03 : f32
      %mul3A_134 = vector.broadcast %mul3A_133 : f32 to vector<16xf32>
      %mul3A_135 = arith.mulf %scan3A_108#3, %mul3A_134 : vector<16xf32>
      %swap3A_136 = arith.index_cast %add3A_83 : i32 to index
      %swap3A_137 = arith.constant 48 : index
      %swap3A_138 = tpu.vector_load %arg7[%swap3A_136, %swap3A_137] {strides = array<i32>} : memref<64x64xf32, #tpu.memory_space<vmem>>, vector<1x16xf32>,
      %swap3A_139 = vector.shape_cast %swap3A_138 : vector<1x16xf32> to vector<16xf32>
      %swap3A_140 = vector.shape_cast %mul3A_135 : vector<16xf32> to vector<1x16xf32>
      tpu.vector_store %arg7[%swap3A_136, %swap3A_137], %swap3A_140 {strides = array<i32>} : memref<64x64xf32, #tpu.memory_space<vmem>>, vector<1x16xf32>,
      %add3A_141 = arith.constant 1 : i32
      %add3A_142 = arith.addi %mul3A_81, %add3A_141 : i32
      %add3A_143 = arith.constant 4 : i32
      %add3A_144 = arith.addi %add3A_142, %add3A_143 : i32
      %sub3A_145 = arith.constant 1 : i32
      %sub3A_146 = arith.subi %add3A_144, %sub3A_145 : i32
      %lt3A_147 = arith.constant 64 : i32
      %lt3A_148 = arith.cmpi slt, %sub3A_146, %lt3A_147 : i32
      %convert_element_type3A_149 = arith.extui %lt3A_148 : i1 to i32
      %cond3A_150 = arith.constant 0 : i32
      %cond3A_151 = arith.cmpi ne, %convert_element_type3A_149, %cond3A_150 : i32
      scf.if %cond3A_151 {
        %dma_start3A_339 = arith.constant 0 : i32
        %dma_start3A_340 = arith.constant 0 : i32
        %dma_start3A_341 = arith.constant 0 : i32
        %dma_start3A_342 = tpu.memref_slice %arg6[%dma_start3A_339, %dma_start3A_340, %dma_start3A_341] : memref<4x200x64xf32, #tpu.memory_space<vmem>> -> memref<1x128x64xf32, #tpu.memory_space<vmem>>
        %dma_start3A_343 = tpu.memref_squeeze %dma_start3A_342 : memref<1x128x64xf32, #tpu.memory_space<vmem>> -> memref<128x64xf32, #tpu.memory_space<vmem>>
        %dma_start3A_344 = arith.constant 0 : i32
        %dma_start3A_345 = tpu.memref_slice %arg5[%sub3A_146, %dma_start3A_344] : memref<64x200xi32, #tpu.memory_space<vmem>> -> memref<1x128xi32, #tpu.memory_space<vmem>>
        %dma_start3A_346 = tpu.memref_squeeze %dma_start3A_345 : memref<1x128xi32, #tpu.memory_space<vmem>> -> memref<128xi32, #tpu.memory_space<vmem>>
        %dma_start3A_347 = arith.constant 0 : i32
        %dma_start3A_348 = arith.constant 0 : i32
        %dma_start3A_349 = tpu.memref_slice %arg3[%dma_start3A_347, %dma_start3A_348] : memref<100000x64xf32, #tpu.memory_space<hbm>> -> memref<100000x64xf32, #tpu.memory_space<hbm>>
        tpu.enqueue_indirect_dma source(%dma_start3A_349 : memref<100000x64xf32, #tpu.memory_space<hbm>>) target(%dma_start3A_343 : memref<128x64xf32, #tpu.memory_space<vmem>>) offsets(%dma_start3A_346 : memref<128xi32, #tpu.memory_space<vmem>>) semaphore(%arg8 : memref<!tpu.dma_semaphore, #tpu.memory_space<semaphore_mem>>)
        %dma_start3A_350 = arith.constant 0 : i32
        %dma_start3A_351 = arith.constant 128 : i32
        %dma_start3A_352 = arith.constant 0 : i32
        %dma_start3A_353 = tpu.memref_slice %arg6[%dma_start3A_350, %dma_start3A_351, %dma_start3A_352] : memref<4x200x64xf32, #tpu.memory_space<vmem>> -> memref<1x72x64xf32, #tpu.memory_space<vmem>>
        %dma_start3A_354 = tpu.memref_squeeze %dma_start3A_353 : memref<1x72x64xf32, #tpu.memory_space<vmem>> -> memref<72x64xf32, #tpu.memory_space<vmem>>
        %dma_start3A_355 = arith.constant 128 : i32
        %dma_start3A_356 = tpu.memref_slice %arg5[%sub3A_146, %dma_start3A_355] : memref<64x200xi32, #tpu.memory_space<vmem>> -> memref<1x72xi32, #tpu.memory_space<vmem>>
        %dma_start3A_357 = tpu.memref_squeeze %dma_start3A_356 : memref<1x72xi32, #tpu.memory_space<vmem>> -> memref<72xi32, #tpu.memory_space<vmem>>
        %dma_start3A_358 = arith.constant 0 : i32
        %dma_start3A_359 = arith.constant 0 : i32
        %dma_start3A_360 = tpu.memref_slice %arg3[%dma_start3A_358, %dma_start3A_359] : memref<100000x64xf32, #tpu.memory_space<hbm>> -> memref<100000x64xf32, #tpu.memory_space<hbm>>
        tpu.enqueue_indirect_dma source(%dma_start3A_360 : memref<100000x64xf32, #tpu.memory_space<hbm>>) target(%dma_start3A_354 : memref<72x64xf32, #tpu.memory_space<vmem>>) offsets(%dma_start3A_357 : memref<72xi32, #tpu.memory_space<vmem>>) semaphore(%arg8 : memref<!tpu.dma_semaphore, #tpu.memory_space<semaphore_mem>>)
      } else {
      }
      %dma_wait3A_152 = arith.constant 1 : i32
      %dma_wait3A_153 = arith.constant 0 : i32
      %dma_wait3A_154 = arith.constant 0 : i32
      %dma_wait3A_155 = tpu.memref_slice %arg6[%dma_wait3A_152, %dma_wait3A_153, %dma_wait3A_154] : memref<4x200x64xf32, #tpu.memory_space<vmem>> -> memref<1x200x64xf32, #tpu.memory_space<vmem>>
      %dma_wait3A_156 = tpu.memref_squeeze %dma_wait3A_155 : memref<1x200x64xf32, #tpu.memory_space<vmem>> -> memref<200x64xf32, #tpu.memory_space<vmem>>
      %dma_wait3A_157 = arith.constant 0 : i32
      %dma_wait3A_158 = arith.constant 0 : i32
      %dma_wait3A_159 = tpu.memref_slice %arg3[%dma_wait3A_157, %dma_wait3A_158] : memref<100000x64xf32, #tpu.memory_space<hbm>> -> memref<200x64xf32, #tpu.memory_space<hbm>>
      %dma_wait3A_160 = arith.constant 0 : i32
      %dma_wait3A_161 = arith.constant 0 : i32
      %dma_wait3A_162 = tpu.memref_slice %arg6[%dma_wait3A_152, %dma_wait3A_160, %dma_wait3A_161] : memref<4x200x64xf32, #tpu.memory_space<vmem>> -> memref<1x200x64xf32, #tpu.memory_space<vmem>>
      %dma_wait3A_163 = tpu.memref_squeeze %dma_wait3A_162 : memref<1x200x64xf32, #tpu.memory_space<vmem>> -> memref<200x64xf32, #tpu.memory_space<vmem>>
      %dma_wait3A_164 = arith.constant 0 : i32
      %dma_wait3A_165 = arith.constant 0 : i32
      %dma_wait3A_166 = tpu.memref_slice %arg3[%dma_wait3A_164, %dma_wait3A_165] : memref<100000x64xf32, #tpu.memory_space<hbm>> -> memref<200x64xf32, #tpu.memory_space<hbm>>
      tpu.wait_dma2 semaphore(%arg9 : memref<!tpu.dma_semaphore, #tpu.memory_space<semaphore_mem>>) src(%dma_wait3A_166 : memref<200x64xf32, #tpu.memory_space<hbm>>) dst(%dma_wait3A_163 : memref<200x64xf32, #tpu.memory_space<vmem>>)
      %broadcast_in_dim3A_167 = arith.constant 0.000000e+00 : f32
      %broadcast_in_dim3A_168 = vector.broadcast %broadcast_in_dim3A_167 : f32 to vector<16xf32>
      %scan3A_169 = arith.constant 0 : i32
      %scan3A_170 = arith.constant 100 : i32
      %scan3A_171 = arith.addi %scan3A_169, %scan3A_170 : i32
      %scan3A_172 = arith.constant 1 : i32
      %scan3A_173:4 = scf.for %scan3A_339 = %scan3A_169 to %scan3A_171 step %scan3A_172 iter_args(%scan3A_340 = %broadcast_in_dim3A_168, %scan3A_341 = %broadcast_in_dim3A_168, %scan3A_342 = %broadcast_in_dim3A_168, %scan3A_343 = %broadcast_in_dim3A_168) -> (vector<16xf32>, vector<16xf32>, vector<16xf32>, vector<16xf32>)  : i32 {
        %mul3A_344 = arith.constant 2 : i32
        %mul3A_345 = arith.muli %mul3A_344, %scan3A_339 : i32
        %get3A = arith.constant 1 : i32
        %get3A_346 = arith.index_cast %get3A : i32 to index
        %get3A_347 = arith.index_cast %mul3A_345 : i32 to index
        %get3A_348 = arith.constant 0 : index
        %get3A_349 = tpu.vector_load %arg6[%get3A_346, %get3A_347, %get3A_348] {strides = array<i32>} : memref<4x200x64xf32, #tpu.memory_space<vmem>>, vector<1x1x16xf32>,
        %get3A_350 = vector.shape_cast %get3A_349 : vector<1x1x16xf32> to vector<16xf32>
        %add3A_351 = arith.addf %scan3A_340, %get3A_350 : vector<16xf32>
        %get3A_352 = arith.constant 1 : i32
        %get3A_353 = arith.index_cast %get3A_352 : i32 to index
        %get3A_354 = arith.index_cast %mul3A_345 : i32 to index
        %get3A_355 = arith.constant 16 : index
        %get3A_356 = tpu.vector_load %arg6[%get3A_353, %get3A_354, %get3A_355] {strides = array<i32>} : memref<4x200x64xf32, #tpu.memory_space<vmem>>, vector<1x1x16xf32>,
        %get3A_357 = vector.shape_cast %get3A_356 : vector<1x1x16xf32> to vector<16xf32>
        %add3A_358 = arith.addf %scan3A_341, %get3A_357 : vector<16xf32>
        %get3A_359 = arith.constant 1 : i32
        %get3A_360 = arith.index_cast %get3A_359 : i32 to index
        %get3A_361 = arith.index_cast %mul3A_345 : i32 to index
        %get3A_362 = arith.constant 32 : index
        %get3A_363 = tpu.vector_load %arg6[%get3A_360, %get3A_361, %get3A_362] {strides = array<i32>} : memref<4x200x64xf32, #tpu.memory_space<vmem>>, vector<1x1x16xf32>,
        %get3A_364 = vector.shape_cast %get3A_363 : vector<1x1x16xf32> to vector<16xf32>
        %add3A_365 = arith.addf %scan3A_342, %get3A_364 : vector<16xf32>
        %get3A_366 = arith.constant 1 : i32
        %get3A_367 = arith.index_cast %get3A_366 : i32 to index
        %get3A_368 = arith.index_cast %mul3A_345 : i32 to index
        %get3A_369 = arith.constant 48 : index
        %get3A_370 = tpu.vector_load %arg6[%get3A_367, %get3A_368, %get3A_369] {strides = array<i32>} : memref<4x200x64xf32, #tpu.memory_space<vmem>>, vector<1x1x16xf32>,
        %get3A_371 = vector.shape_cast %get3A_370 : vector<1x1x16xf32> to vector<16xf32>
        %add3A_372 = arith.addf %scan3A_343, %get3A_371 : vector<16xf32>
        %add3A_373 = arith.constant 1 : i32
        %add3A_374 = arith.addi %mul3A_345, %add3A_373 : i32
        %get3A_375 = arith.constant 1 : i32
        %get3A_376 = arith.index_cast %get3A_375 : i32 to index
        %get3A_377 = arith.index_cast %add3A_374 : i32 to index
        %get3A_378 = arith.constant 0 : index
        %get3A_379 = tpu.vector_load %arg6[%get3A_376, %get3A_377, %get3A_378] {strides = array<i32>} : memref<4x200x64xf32, #tpu.memory_space<vmem>>, vector<1x1x16xf32>,
        %get3A_380 = vector.shape_cast %get3A_379 : vector<1x1x16xf32> to vector<16xf32>
        %add3A_381 = arith.addf %add3A_351, %get3A_380 : vector<16xf32>
        %add3A_382 = arith.constant 1 : i32
        %add3A_383 = arith.addi %mul3A_345, %add3A_382 : i32
        %get3A_384 = arith.constant 1 : i32
        %get3A_385 = arith.index_cast %get3A_384 : i32 to index
        %get3A_386 = arith.index_cast %add3A_383 : i32 to index
        %get3A_387 = arith.constant 16 : index
        %get3A_388 = tpu.vector_load %arg6[%get3A_385, %get3A_386, %get3A_387] {strides = array<i32>} : memref<4x200x64xf32, #tpu.memory_space<vmem>>, vector<1x1x16xf32>,
        %get3A_389 = vector.shape_cast %get3A_388 : vector<1x1x16xf32> to vector<16xf32>
        %add3A_390 = arith.addf %add3A_358, %get3A_389 : vector<16xf32>
        %add3A_391 = arith.constant 1 : i32
        %add3A_392 = arith.addi %mul3A_345, %add3A_391 : i32
        %get3A_393 = arith.constant 1 : i32
        %get3A_394 = arith.index_cast %get3A_393 : i32 to index
        %get3A_395 = arith.index_cast %add3A_392 : i32 to index
        %get3A_396 = arith.constant 32 : index
        %get3A_397 = tpu.vector_load %arg6[%get3A_394, %get3A_395, %get3A_396] {strides = array<i32>} : memref<4x200x64xf32, #tpu.memory_space<vmem>>, vector<1x1x16xf32>,
        %get3A_398 = vector.shape_cast %get3A_397 : vector<1x1x16xf32> to vector<16xf32>
        %add3A_399 = arith.addf %add3A_365, %get3A_398 : vector<16xf32>
        %add3A_400 = arith.constant 1 : i32
        %add3A_401 = arith.addi %mul3A_345, %add3A_400 : i32
        %get3A_402 = arith.constant 1 : i32
        %get3A_403 = arith.index_cast %get3A_402 : i32 to index
        %get3A_404 = arith.index_cast %add3A_401 : i32 to index
        %get3A_405 = arith.constant 48 : index
        %get3A_406 = tpu.vector_load %arg6[%get3A_403, %get3A_404, %get3A_405] {strides = array<i32>} : memref<4x200x64xf32, #tpu.memory_space<vmem>>, vector<1x1x16xf32>,
        %get3A_407 = vector.shape_cast %get3A_406 : vector<1x1x16xf32> to vector<16xf32>
        %add3A_408 = arith.addf %add3A_372, %get3A_407 : vector<16xf32>
        scf.yield %add3A_381, %add3A_390, %add3A_399, %add3A_408 : vector<16xf32>, vector<16xf32>, vector<16xf32>, vector<16xf32>
      }
      %scan3A_174 = arith.constant 100 : i32
      %mul3A_175 = arith.constant 5.000000e-03 : f32
      %mul3A_176 = vector.broadcast %mul3A_175 : f32 to vector<16xf32>
      %mul3A_177 = arith.mulf %scan3A_173#0, %mul3A_176 : vector<16xf32>
      %swap3A_178 = arith.index_cast %add3A_142 : i32 to index
      %swap3A_179 = arith.constant 0 : index
      %swap3A_180 = tpu.vector_load %arg7[%swap3A_178, %swap3A_179] {strides = array<i32>} : memref<64x64xf32, #tpu.memory_space<vmem>>, vector<1x16xf32>,
      %swap3A_181 = vector.shape_cast %swap3A_180 : vector<1x16xf32> to vector<16xf32>
      %swap3A_182 = vector.shape_cast %mul3A_177 : vector<16xf32> to vector<1x16xf32>
      tpu.vector_store %arg7[%swap3A_178, %swap3A_179], %swap3A_182 {strides = array<i32>} : memref<64x64xf32, #tpu.memory_space<vmem>>, vector<1x16xf32>,
      %mul3A_183 = arith.constant 5.000000e-03 : f32
      %mul3A_184 = vector.broadcast %mul3A_183 : f32 to vector<16xf32>
      %mul3A_185 = arith.mulf %scan3A_173#1, %mul3A_184 : vector<16xf32>
      %swap3A_186 = arith.index_cast %add3A_142 : i32 to index
      %swap3A_187 = arith.constant 16 : index
      %swap3A_188 = tpu.vector_load %arg7[%swap3A_186, %swap3A_187] {strides = array<i32>} : memref<64x64xf32, #tpu.memory_space<vmem>>, vector<1x16xf32>,
      %swap3A_189 = vector.shape_cast %swap3A_188 : vector<1x16xf32> to vector<16xf32>
      %swap3A_190 = vector.shape_cast %mul3A_185 : vector<16xf32> to vector<1x16xf32>
      tpu.vector_store %arg7[%swap3A_186, %swap3A_187], %swap3A_190 {strides = array<i32>} : memref<64x64xf32, #tpu.memory_space<vmem>>, vector<1x16xf32>,
      %mul3A_191 = arith.constant 5.000000e-03 : f32
      %mul3A_192 = vector.broadcast %mul3A_191 : f32 to vector<16xf32>
      %mul3A_193 = arith.mulf %scan3A_173#2, %mul3A_192 : vector<16xf32>
      %swap3A_194 = arith.index_cast %add3A_142 : i32 to index
      %swap3A_195 = arith.constant 32 : index
      %swap3A_196 = tpu.vector_load %arg7[%swap3A_194, %swap3A_195] {strides = array<i32>} : memref<64x64xf32, #tpu.memory_space<vmem>>, vector<1x16xf32>,
      %swap3A_197 = vector.shape_cast %swap3A_196 : vector<1x16xf32> to vector<16xf32>
      %swap3A_198 = vector.shape_cast %mul3A_193 : vector<16xf32> to vector<1x16xf32>
      tpu.vector_store %arg7[%swap3A_194, %swap3A_195], %swap3A_198 {strides = array<i32>} : memref<64x64xf32, #tpu.memory_space<vmem>>, vector<1x16xf32>,
      %mul3A_199 = arith.constant 5.000000e-03 : f32
      %mul3A_200 = vector.broadcast %mul3A_199 : f32 to vector<16xf32>
      %mul3A_201 = arith.mulf %scan3A_173#3, %mul3A_200 : vector<16xf32>
      %swap3A_202 = arith.index_cast %add3A_142 : i32 to index
      %swap3A_203 = arith.constant 48 : index
      %swap3A_204 = tpu.vector_load %arg7[%swap3A_202, %swap3A_203] {strides = array<i32>} : memref<64x64xf32, #tpu.memory_space<vmem>>, vector<1x16xf32>,
      %swap3A_205 = vector.shape_cast %swap3A_204 : vector<1x16xf32> to vector<16xf32>
      %swap3A_206 = vector.shape_cast %mul3A_201 : vector<16xf32> to vector<1x16xf32>
      tpu.vector_store %arg7[%swap3A_202, %swap3A_203], %swap3A_206 {strides = array<i32>} : memref<64x64xf32, #tpu.memory_space<vmem>>, vector<1x16xf32>,
      %add3A_207 = arith.constant 2 : i32
      %add3A_208 = arith.addi %mul3A_81, %add3A_207 : i32
      %add3A_209 = arith.constant 4 : i32
      %add3A_210 = arith.addi %add3A_208, %add3A_209 : i32
      %sub3A_211 = arith.constant 1 : i32
      %sub3A_212 = arith.subi %add3A_210, %sub3A_211 : i32
      %lt3A_213 = arith.constant 64 : i32
      %lt3A_214 = arith.cmpi slt, %sub3A_212, %lt3A_213 : i32
      %convert_element_type3A_215 = arith.extui %lt3A_214 : i1 to i32
      %cond3A_216 = arith.constant 0 : i32
      %cond3A_217 = arith.cmpi ne, %convert_element_type3A_215, %cond3A_216 : i32
      scf.if %cond3A_217 {
        %dma_start3A_339 = arith.constant 1 : i32
        %dma_start3A_340 = arith.constant 0 : i32
        %dma_start3A_341 = arith.constant 0 : i32
        %dma_start3A_342 = tpu.memref_slice %arg6[%dma_start3A_339, %dma_start3A_340, %dma_start3A_341] : memref<4x200x64xf32, #tpu.memory_space<vmem>> -> memref<1x128x64xf32, #tpu.memory_space<vmem>>
        %dma_start3A_343 = tpu.memref_squeeze %dma_start3A_342 : memref<1x128x64xf32, #tpu.memory_space<vmem>> -> memref<128x64xf32, #tpu.memory_space<vmem>>
        %dma_start3A_344 = arith.constant 0 : i32
        %dma_start3A_345 = tpu.memref_slice %arg5[%sub3A_212, %dma_start3A_344] : memref<64x200xi32, #tpu.memory_space<vmem>> -> memref<1x128xi32, #tpu.memory_space<vmem>>
        %dma_start3A_346 = tpu.memref_squeeze %dma_start3A_345 : memref<1x128xi32, #tpu.memory_space<vmem>> -> memref<128xi32, #tpu.memory_space<vmem>>
        %dma_start3A_347 = arith.constant 0 : i32
        %dma_start3A_348 = arith.constant 0 : i32
        %dma_start3A_349 = tpu.memref_slice %arg3[%dma_start3A_347, %dma_start3A_348] : memref<100000x64xf32, #tpu.memory_space<hbm>> -> memref<100000x64xf32, #tpu.memory_space<hbm>>
        tpu.enqueue_indirect_dma source(%dma_start3A_349 : memref<100000x64xf32, #tpu.memory_space<hbm>>) target(%dma_start3A_343 : memref<128x64xf32, #tpu.memory_space<vmem>>) offsets(%dma_start3A_346 : memref<128xi32, #tpu.memory_space<vmem>>) semaphore(%arg9 : memref<!tpu.dma_semaphore, #tpu.memory_space<semaphore_mem>>)
        %dma_start3A_350 = arith.constant 1 : i32
        %dma_start3A_351 = arith.constant 128 : i32
        %dma_start3A_352 = arith.constant 0 : i32
        %dma_start3A_353 = tpu.memref_slice %arg6[%dma_start3A_350, %dma_start3A_351, %dma_start3A_352] : memref<4x200x64xf32, #tpu.memory_space<vmem>> -> memref<1x72x64xf32, #tpu.memory_space<vmem>>
        %dma_start3A_354 = tpu.memref_squeeze %dma_start3A_353 : memref<1x72x64xf32, #tpu.memory_space<vmem>> -> memref<72x64xf32, #tpu.memory_space<vmem>>
        %dma_start3A_355 = arith.constant 128 : i32
        %dma_start3A_356 = tpu.memref_slice %arg5[%sub3A_212, %dma_start3A_355] : memref<64x200xi32, #tpu.memory_space<vmem>> -> memref<1x72xi32, #tpu.memory_space<vmem>>
        %dma_start3A_357 = tpu.memref_squeeze %dma_start3A_356 : memref<1x72xi32, #tpu.memory_space<vmem>> -> memref<72xi32, #tpu.memory_space<vmem>>
        %dma_start3A_358 = arith.constant 0 : i32
        %dma_start3A_359 = arith.constant 0 : i32
        %dma_start3A_360 = tpu.memref_slice %arg3[%dma_start3A_358, %dma_start3A_359] : memref<100000x64xf32, #tpu.memory_space<hbm>> -> memref<100000x64xf32, #tpu.memory_space<hbm>>
        tpu.enqueue_indirect_dma source(%dma_start3A_360 : memref<100000x64xf32, #tpu.memory_space<hbm>>) target(%dma_start3A_354 : memref<72x64xf32, #tpu.memory_space<vmem>>) offsets(%dma_start3A_357 : memref<72xi32, #tpu.memory_space<vmem>>) semaphore(%arg9 : memref<!tpu.dma_semaphore, #tpu.memory_space<semaphore_mem>>)
      } else {
      }
      %dma_wait3A_218 = arith.constant 2 : i32
      %dma_wait3A_219 = arith.constant 0 : i32
      %dma_wait3A_220 = arith.constant 0 : i32
      %dma_wait3A_221 = tpu.memref_slice %arg6[%dma_wait3A_218, %dma_wait3A_219, %dma_wait3A_220] : memref<4x200x64xf32, #tpu.memory_space<vmem>> -> memref<1x200x64xf32, #tpu.memory_space<vmem>>
      %dma_wait3A_222 = tpu.memref_squeeze %dma_wait3A_221 : memref<1x200x64xf32, #tpu.memory_space<vmem>> -> memref<200x64xf32, #tpu.memory_space<vmem>>
      %dma_wait3A_223 = arith.constant 0 : i32
      %dma_wait3A_224 = arith.constant 0 : i32
      %dma_wait3A_225 = tpu.memref_slice %arg3[%dma_wait3A_223, %dma_wait3A_224] : memref<100000x64xf32, #tpu.memory_space<hbm>> -> memref<200x64xf32, #tpu.memory_space<hbm>>
      %dma_wait3A_226 = arith.constant 0 : i32
      %dma_wait3A_227 = arith.constant 0 : i32
      %dma_wait3A_228 = tpu.memref_slice %arg6[%dma_wait3A_218, %dma_wait3A_226, %dma_wait3A_227] : memref<4x200x64xf32, #tpu.memory_space<vmem>> -> memref<1x200x64xf32, #tpu.memory_space<vmem>>
      %dma_wait3A_229 = tpu.memref_squeeze %dma_wait3A_228 : memref<1x200x64xf32, #tpu.memory_space<vmem>> -> memref<200x64xf32, #tpu.memory_space<vmem>>
      %dma_wait3A_230 = arith.constant 0 : i32
      %dma_wait3A_231 = arith.constant 0 : i32
      %dma_wait3A_232 = tpu.memref_slice %arg3[%dma_wait3A_230, %dma_wait3A_231] : memref<100000x64xf32, #tpu.memory_space<hbm>> -> memref<200x64xf32, #tpu.memory_space<hbm>>
      tpu.wait_dma2 semaphore(%arg10 : memref<!tpu.dma_semaphore, #tpu.memory_space<semaphore_mem>>) src(%dma_wait3A_232 : memref<200x64xf32, #tpu.memory_space<hbm>>) dst(%dma_wait3A_229 : memref<200x64xf32, #tpu.memory_space<vmem>>)
      %broadcast_in_dim3A_233 = arith.constant 0.000000e+00 : f32
      %broadcast_in_dim3A_234 = vector.broadcast %broadcast_in_dim3A_233 : f32 to vector<16xf32>
      %scan3A_235 = arith.constant 0 : i32
      %scan3A_236 = arith.constant 100 : i32
      %scan3A_237 = arith.addi %scan3A_235, %scan3A_236 : i32
      %scan3A_238 = arith.constant 1 : i32
      %scan3A_239:4 = scf.for %scan3A_339 = %scan3A_235 to %scan3A_237 step %scan3A_238 iter_args(%scan3A_340 = %broadcast_in_dim3A_234, %scan3A_341 = %broadcast_in_dim3A_234, %scan3A_342 = %broadcast_in_dim3A_234, %scan3A_343 = %broadcast_in_dim3A_234) -> (vector<16xf32>, vector<16xf32>, vector<16xf32>, vector<16xf32>)  : i32 {
        %mul3A_344 = arith.constant 2 : i32
        %mul3A_345 = arith.muli %mul3A_344, %scan3A_339 : i32
        %get3A = arith.constant 2 : i32
        %get3A_346 = arith.index_cast %get3A : i32 to index
        %get3A_347 = arith.index_cast %mul3A_345 : i32 to index
        %get3A_348 = arith.constant 0 : index
        %get3A_349 = tpu.vector_load %arg6[%get3A_346, %get3A_347, %get3A_348] {strides = array<i32>} : memref<4x200x64xf32, #tpu.memory_space<vmem>>, vector<1x1x16xf32>,
        %get3A_350 = vector.shape_cast %get3A_349 : vector<1x1x16xf32> to vector<16xf32>
        %add3A_351 = arith.addf %scan3A_340, %get3A_350 : vector<16xf32>
        %get3A_352 = arith.constant 2 : i32
        %get3A_353 = arith.index_cast %get3A_352 : i32 to index
        %get3A_354 = arith.index_cast %mul3A_345 : i32 to index
        %get3A_355 = arith.constant 16 : index
        %get3A_356 = tpu.vector_load %arg6[%get3A_353, %get3A_354, %get3A_355] {strides = array<i32>} : memref<4x200x64xf32, #tpu.memory_space<vmem>>, vector<1x1x16xf32>,
        %get3A_357 = vector.shape_cast %get3A_356 : vector<1x1x16xf32> to vector<16xf32>
        %add3A_358 = arith.addf %scan3A_341, %get3A_357 : vector<16xf32>
        %get3A_359 = arith.constant 2 : i32
        %get3A_360 = arith.index_cast %get3A_359 : i32 to index
        %get3A_361 = arith.index_cast %mul3A_345 : i32 to index
        %get3A_362 = arith.constant 32 : index
        %get3A_363 = tpu.vector_load %arg6[%get3A_360, %get3A_361, %get3A_362] {strides = array<i32>} : memref<4x200x64xf32, #tpu.memory_space<vmem>>, vector<1x1x16xf32>,
        %get3A_364 = vector.shape_cast %get3A_363 : vector<1x1x16xf32> to vector<16xf32>
        %add3A_365 = arith.addf %scan3A_342, %get3A_364 : vector<16xf32>
        %get3A_366 = arith.constant 2 : i32
        %get3A_367 = arith.index_cast %get3A_366 : i32 to index
        %get3A_368 = arith.index_cast %mul3A_345 : i32 to index
        %get3A_369 = arith.constant 48 : index
        %get3A_370 = tpu.vector_load %arg6[%get3A_367, %get3A_368, %get3A_369] {strides = array<i32>} : memref<4x200x64xf32, #tpu.memory_space<vmem>>, vector<1x1x16xf32>,
        %get3A_371 = vector.shape_cast %get3A_370 : vector<1x1x16xf32> to vector<16xf32>
        %add3A_372 = arith.addf %scan3A_343, %get3A_371 : vector<16xf32>
        %add3A_373 = arith.constant 1 : i32
        %add3A_374 = arith.addi %mul3A_345, %add3A_373 : i32
        %get3A_375 = arith.constant 2 : i32
        %get3A_376 = arith.index_cast %get3A_375 : i32 to index
        %get3A_377 = arith.index_cast %add3A_374 : i32 to index
        %get3A_378 = arith.constant 0 : index
        %get3A_379 = tpu.vector_load %arg6[%get3A_376, %get3A_377, %get3A_378] {strides = array<i32>} : memref<4x200x64xf32, #tpu.memory_space<vmem>>, vector<1x1x16xf32>,
        %get3A_380 = vector.shape_cast %get3A_379 : vector<1x1x16xf32> to vector<16xf32>
        %add3A_381 = arith.addf %add3A_351, %get3A_380 : vector<16xf32>
        %add3A_382 = arith.constant 1 : i32
        %add3A_383 = arith.addi %mul3A_345, %add3A_382 : i32
        %get3A_384 = arith.constant 2 : i32
        %get3A_385 = arith.index_cast %get3A_384 : i32 to index
        %get3A_386 = arith.index_cast %add3A_383 : i32 to index
        %get3A_387 = arith.constant 16 : index
        %get3A_388 = tpu.vector_load %arg6[%get3A_385, %get3A_386, %get3A_387] {strides = array<i32>} : memref<4x200x64xf32, #tpu.memory_space<vmem>>, vector<1x1x16xf32>,
        %get3A_389 = vector.shape_cast %get3A_388 : vector<1x1x16xf32> to vector<16xf32>
        %add3A_390 = arith.addf %add3A_358, %get3A_389 : vector<16xf32>
        %add3A_391 = arith.constant 1 : i32
        %add3A_392 = arith.addi %mul3A_345, %add3A_391 : i32
        %get3A_393 = arith.constant 2 : i32
        %get3A_394 = arith.index_cast %get3A_393 : i32 to index
        %get3A_395 = arith.index_cast %add3A_392 : i32 to index
        %get3A_396 = arith.constant 32 : index
        %get3A_397 = tpu.vector_load %arg6[%get3A_394, %get3A_395, %get3A_396] {strides = array<i32>} : memref<4x200x64xf32, #tpu.memory_space<vmem>>, vector<1x1x16xf32>,
        %get3A_398 = vector.shape_cast %get3A_397 : vector<1x1x16xf32> to vector<16xf32>
        %add3A_399 = arith.addf %add3A_365, %get3A_398 : vector<16xf32>
        %add3A_400 = arith.constant 1 : i32
        %add3A_401 = arith.addi %mul3A_345, %add3A_400 : i32
        %get3A_402 = arith.constant 2 : i32
        %get3A_403 = arith.index_cast %get3A_402 : i32 to index
        %get3A_404 = arith.index_cast %add3A_401 : i32 to index
        %get3A_405 = arith.constant 48 : index
        %get3A_406 = tpu.vector_load %arg6[%get3A_403, %get3A_404, %get3A_405] {strides = array<i32>} : memref<4x200x64xf32, #tpu.memory_space<vmem>>, vector<1x1x16xf32>,
        %get3A_407 = vector.shape_cast %get3A_406 : vector<1x1x16xf32> to vector<16xf32>
        %add3A_408 = arith.addf %add3A_372, %get3A_407 : vector<16xf32>
        scf.yield %add3A_381, %add3A_390, %add3A_399, %add3A_408 : vector<16xf32>, vector<16xf32>, vector<16xf32>, vector<16xf32>
      }
      %scan3A_240 = arith.constant 100 : i32
      %mul3A_241 = arith.constant 5.000000e-03 : f32
      %mul3A_242 = vector.broadcast %mul3A_241 : f32 to vector<16xf32>
      %mul3A_243 = arith.mulf %scan3A_239#0, %mul3A_242 : vector<16xf32>
      %swap3A_244 = arith.index_cast %add3A_208 : i32 to index
      %swap3A_245 = arith.constant 0 : index
      %swap3A_246 = tpu.vector_load %arg7[%swap3A_244, %swap3A_245] {strides = array<i32>} : memref<64x64xf32, #tpu.memory_space<vmem>>, vector<1x16xf32>,
      %swap3A_247 = vector.shape_cast %swap3A_246 : vector<1x16xf32> to vector<16xf32>
      %swap3A_248 = vector.shape_cast %mul3A_243 : vector<16xf32> to vector<1x16xf32>
      tpu.vector_store %arg7[%swap3A_244, %swap3A_245], %swap3A_248 {strides = array<i32>} : memref<64x64xf32, #tpu.memory_space<vmem>>, vector<1x16xf32>,
      %mul3A_249 = arith.constant 5.000000e-03 : f32
      %mul3A_250 = vector.broadcast %mul3A_249 : f32 to vector<16xf32>
      %mul3A_251 = arith.mulf %scan3A_239#1, %mul3A_250 : vector<16xf32>
      %swap3A_252 = arith.index_cast %add3A_208 : i32 to index
      %swap3A_253 = arith.constant 16 : index
      %swap3A_254 = tpu.vector_load %arg7[%swap3A_252, %swap3A_253] {strides = array<i32>} : memref<64x64xf32, #tpu.memory_space<vmem>>, vector<1x16xf32>,
      %swap3A_255 = vector.shape_cast %swap3A_254 : vector<1x16xf32> to vector<16xf32>
      %swap3A_256 = vector.shape_cast %mul3A_251 : vector<16xf32> to vector<1x16xf32>
      tpu.vector_store %arg7[%swap3A_252, %swap3A_253], %swap3A_256 {strides = array<i32>} : memref<64x64xf32, #tpu.memory_space<vmem>>, vector<1x16xf32>,
      %mul3A_257 = arith.constant 5.000000e-03 : f32
      %mul3A_258 = vector.broadcast %mul3A_257 : f32 to vector<16xf32>
      %mul3A_259 = arith.mulf %scan3A_239#2, %mul3A_258 : vector<16xf32>
      %swap3A_260 = arith.index_cast %add3A_208 : i32 to index
      %swap3A_261 = arith.constant 32 : index
      %swap3A_262 = tpu.vector_load %arg7[%swap3A_260, %swap3A_261] {strides = array<i32>} : memref<64x64xf32, #tpu.memory_space<vmem>>, vector<1x16xf32>,
      %swap3A_263 = vector.shape_cast %swap3A_262 : vector<1x16xf32> to vector<16xf32>
      %swap3A_264 = vector.shape_cast %mul3A_259 : vector<16xf32> to vector<1x16xf32>
      tpu.vector_store %arg7[%swap3A_260, %swap3A_261], %swap3A_264 {strides = array<i32>} : memref<64x64xf32, #tpu.memory_space<vmem>>, vector<1x16xf32>,
      %mul3A_265 = arith.constant 5.000000e-03 : f32
      %mul3A_266 = vector.broadcast %mul3A_265 : f32 to vector<16xf32>
      %mul3A_267 = arith.mulf %scan3A_239#3, %mul3A_266 : vector<16xf32>
      %swap3A_268 = arith.index_cast %add3A_208 : i32 to index
      %swap3A_269 = arith.constant 48 : index
      %swap3A_270 = tpu.vector_load %arg7[%swap3A_268, %swap3A_269] {strides = array<i32>} : memref<64x64xf32, #tpu.memory_space<vmem>>, vector<1x16xf32>,
      %swap3A_271 = vector.shape_cast %swap3A_270 : vector<1x16xf32> to vector<16xf32>
      %swap3A_272 = vector.shape_cast %mul3A_267 : vector<16xf32> to vector<1x16xf32>
      tpu.vector_store %arg7[%swap3A_268, %swap3A_269], %swap3A_272 {strides = array<i32>} : memref<64x64xf32, #tpu.memory_space<vmem>>, vector<1x16xf32>,
      %add3A_273 = arith.constant 3 : i32
      %add3A_274 = arith.addi %mul3A_81, %add3A_273 : i32
      %add3A_275 = arith.constant 4 : i32
      %add3A_276 = arith.addi %add3A_274, %add3A_275 : i32
      %sub3A_277 = arith.constant 1 : i32
      %sub3A_278 = arith.subi %add3A_276, %sub3A_277 : i32
      %lt3A_279 = arith.constant 64 : i32
      %lt3A_280 = arith.cmpi slt, %sub3A_278, %lt3A_279 : i32
      %convert_element_type3A_281 = arith.extui %lt3A_280 : i1 to i32
      %cond3A_282 = arith.constant 0 : i32
      %cond3A_283 = arith.cmpi ne, %convert_element_type3A_281, %cond3A_282 : i32
      scf.if %cond3A_283 {
        %dma_start3A_339 = arith.constant 2 : i32
        %dma_start3A_340 = arith.constant 0 : i32
        %dma_start3A_341 = arith.constant 0 : i32
        %dma_start3A_342 = tpu.memref_slice %arg6[%dma_start3A_339, %dma_start3A_340, %dma_start3A_341] : memref<4x200x64xf32, #tpu.memory_space<vmem>> -> memref<1x128x64xf32, #tpu.memory_space<vmem>>
        %dma_start3A_343 = tpu.memref_squeeze %dma_start3A_342 : memref<1x128x64xf32, #tpu.memory_space<vmem>> -> memref<128x64xf32, #tpu.memory_space<vmem>>
        %dma_start3A_344 = arith.constant 0 : i32
        %dma_start3A_345 = tpu.memref_slice %arg5[%sub3A_278, %dma_start3A_344] : memref<64x200xi32, #tpu.memory_space<vmem>> -> memref<1x128xi32, #tpu.memory_space<vmem>>
        %dma_start3A_346 = tpu.memref_squeeze %dma_start3A_345 : memref<1x128xi32, #tpu.memory_space<vmem>> -> memref<128xi32, #tpu.memory_space<vmem>>
        %dma_start3A_347 = arith.constant 0 : i32
        %dma_start3A_348 = arith.constant 0 : i32
        %dma_start3A_349 = tpu.memref_slice %arg3[%dma_start3A_347, %dma_start3A_348] : memref<100000x64xf32, #tpu.memory_space<hbm>> -> memref<100000x64xf32, #tpu.memory_space<hbm>>
        tpu.enqueue_indirect_dma source(%dma_start3A_349 : memref<100000x64xf32, #tpu.memory_space<hbm>>) target(%dma_start3A_343 : memref<128x64xf32, #tpu.memory_space<vmem>>) offsets(%dma_start3A_346 : memref<128xi32, #tpu.memory_space<vmem>>) semaphore(%arg10 : memref<!tpu.dma_semaphore, #tpu.memory_space<semaphore_mem>>)
        %dma_start3A_350 = arith.constant 2 : i32
        %dma_start3A_351 = arith.constant 128 : i32
        %dma_start3A_352 = arith.constant 0 : i32
        %dma_start3A_353 = tpu.memref_slice %arg6[%dma_start3A_350, %dma_start3A_351, %dma_start3A_352] : memref<4x200x64xf32, #tpu.memory_space<vmem>> -> memref<1x72x64xf32, #tpu.memory_space<vmem>>
        %dma_start3A_354 = tpu.memref_squeeze %dma_start3A_353 : memref<1x72x64xf32, #tpu.memory_space<vmem>> -> memref<72x64xf32, #tpu.memory_space<vmem>>
        %dma_start3A_355 = arith.constant 128 : i32
        %dma_start3A_356 = tpu.memref_slice %arg5[%sub3A_278, %dma_start3A_355] : memref<64x200xi32, #tpu.memory_space<vmem>> -> memref<1x72xi32, #tpu.memory_space<vmem>>
        %dma_start3A_357 = tpu.memref_squeeze %dma_start3A_356 : memref<1x72xi32, #tpu.memory_space<vmem>> -> memref<72xi32, #tpu.memory_space<vmem>>
        %dma_start3A_358 = arith.constant 0 : i32
        %dma_start3A_359 = arith.constant 0 : i32
        %dma_start3A_360 = tpu.memref_slice %arg3[%dma_start3A_358, %dma_start3A_359] : memref<100000x64xf32, #tpu.memory_space<hbm>> -> memref<100000x64xf32, #tpu.memory_space<hbm>>
        tpu.enqueue_indirect_dma source(%dma_start3A_360 : memref<100000x64xf32, #tpu.memory_space<hbm>>) target(%dma_start3A_354 : memref<72x64xf32, #tpu.memory_space<vmem>>) offsets(%dma_start3A_357 : memref<72xi32, #tpu.memory_space<vmem>>) semaphore(%arg10 : memref<!tpu.dma_semaphore, #tpu.memory_space<semaphore_mem>>)
      } else {
      }
      %dma_wait3A_284 = arith.constant 3 : i32
      %dma_wait3A_285 = arith.constant 0 : i32
      %dma_wait3A_286 = arith.constant 0 : i32
      %dma_wait3A_287 = tpu.memref_slice %arg6[%dma_wait3A_284, %dma_wait3A_285, %dma_wait3A_286] : memref<4x200x64xf32, #tpu.memory_space<vmem>> -> memref<1x200x64xf32, #tpu.memory_space<vmem>>
      %dma_wait3A_288 = tpu.memref_squeeze %dma_wait3A_287 : memref<1x200x64xf32, #tpu.memory_space<vmem>> -> memref<200x64xf32, #tpu.memory_space<vmem>>
      %dma_wait3A_289 = arith.constant 0 : i32
      %dma_wait3A_290 = arith.constant 0 : i32
      %dma_wait3A_291 = tpu.memref_slice %arg3[%dma_wait3A_289, %dma_wait3A_290] : memref<100000x64xf32, #tpu.memory_space<hbm>> -> memref<200x64xf32, #tpu.memory_space<hbm>>
      %dma_wait3A_292 = arith.constant 0 : i32
      %dma_wait3A_293 = arith.constant 0 : i32
      %dma_wait3A_294 = tpu.memref_slice %arg6[%dma_wait3A_284, %dma_wait3A_292, %dma_wait3A_293] : memref<4x200x64xf32, #tpu.memory_space<vmem>> -> memref<1x200x64xf32, #tpu.memory_space<vmem>>
      %dma_wait3A_295 = tpu.memref_squeeze %dma_wait3A_294 : memref<1x200x64xf32, #tpu.memory_space<vmem>> -> memref<200x64xf32, #tpu.memory_space<vmem>>
      %dma_wait3A_296 = arith.constant 0 : i32
      %dma_wait3A_297 = arith.constant 0 : i32
      %dma_wait3A_298 = tpu.memref_slice %arg3[%dma_wait3A_296, %dma_wait3A_297] : memref<100000x64xf32, #tpu.memory_space<hbm>> -> memref<200x64xf32, #tpu.memory_space<hbm>>
      tpu.wait_dma2 semaphore(%arg11 : memref<!tpu.dma_semaphore, #tpu.memory_space<semaphore_mem>>) src(%dma_wait3A_298 : memref<200x64xf32, #tpu.memory_space<hbm>>) dst(%dma_wait3A_295 : memref<200x64xf32, #tpu.memory_space<vmem>>)
      %broadcast_in_dim3A_299 = arith.constant 0.000000e+00 : f32
      %broadcast_in_dim3A_300 = vector.broadcast %broadcast_in_dim3A_299 : f32 to vector<16xf32>
      %scan3A_301 = arith.constant 0 : i32
      %scan3A_302 = arith.constant 100 : i32
      %scan3A_303 = arith.addi %scan3A_301, %scan3A_302 : i32
      %scan3A_304 = arith.constant 1 : i32
      %scan3A_305:4 = scf.for %scan3A_339 = %scan3A_301 to %scan3A_303 step %scan3A_304 iter_args(%scan3A_340 = %broadcast_in_dim3A_300, %scan3A_341 = %broadcast_in_dim3A_300, %scan3A_342 = %broadcast_in_dim3A_300, %scan3A_343 = %broadcast_in_dim3A_300) -> (vector<16xf32>, vector<16xf32>, vector<16xf32>, vector<16xf32>)  : i32 {
        %mul3A_344 = arith.constant 2 : i32
        %mul3A_345 = arith.muli %mul3A_344, %scan3A_339 : i32
        %get3A = arith.constant 3 : i32
        %get3A_346 = arith.index_cast %get3A : i32 to index
        %get3A_347 = arith.index_cast %mul3A_345 : i32 to index
        %get3A_348 = arith.constant 0 : index
        %get3A_349 = tpu.vector_load %arg6[%get3A_346, %get3A_347, %get3A_348] {strides = array<i32>} : memref<4x200x64xf32, #tpu.memory_space<vmem>>, vector<1x1x16xf32>,
        %get3A_350 = vector.shape_cast %get3A_349 : vector<1x1x16xf32> to vector<16xf32>
        %add3A_351 = arith.addf %scan3A_340, %get3A_350 : vector<16xf32>
        %get3A_352 = arith.constant 3 : i32
        %get3A_353 = arith.index_cast %get3A_352 : i32 to index
        %get3A_354 = arith.index_cast %mul3A_345 : i32 to index
        %get3A_355 = arith.constant 16 : index
        %get3A_356 = tpu.vector_load %arg6[%get3A_353, %get3A_354, %get3A_355] {strides = array<i32>} : memref<4x200x64xf32, #tpu.memory_space<vmem>>, vector<1x1x16xf32>,
        %get3A_357 = vector.shape_cast %get3A_356 : vector<1x1x16xf32> to vector<16xf32>
        %add3A_358 = arith.addf %scan3A_341, %get3A_357 : vector<16xf32>
        %get3A_359 = arith.constant 3 : i32
        %get3A_360 = arith.index_cast %get3A_359 : i32 to index
        %get3A_361 = arith.index_cast %mul3A_345 : i32 to index
        %get3A_362 = arith.constant 32 : index
        %get3A_363 = tpu.vector_load %arg6[%get3A_360, %get3A_361, %get3A_362] {strides = array<i32>} : memref<4x200x64xf32, #tpu.memory_space<vmem>>, vector<1x1x16xf32>,
        %get3A_364 = vector.shape_cast %get3A_363 : vector<1x1x16xf32> to vector<16xf32>
        %add3A_365 = arith.addf %scan3A_342, %get3A_364 : vector<16xf32>
        %get3A_366 = arith.constant 3 : i32
        %get3A_367 = arith.index_cast %get3A_366 : i32 to index
        %get3A_368 = arith.index_cast %mul3A_345 : i32 to index
        %get3A_369 = arith.constant 48 : index
        %get3A_370 = tpu.vector_load %arg6[%get3A_367, %get3A_368, %get3A_369] {strides = array<i32>} : memref<4x200x64xf32, #tpu.memory_space<vmem>>, vector<1x1x16xf32>,
        %get3A_371 = vector.shape_cast %get3A_370 : vector<1x1x16xf32> to vector<16xf32>
        %add3A_372 = arith.addf %scan3A_343, %get3A_371 : vector<16xf32>
        %add3A_373 = arith.constant 1 : i32
        %add3A_374 = arith.addi %mul3A_345, %add3A_373 : i32
        %get3A_375 = arith.constant 3 : i32
        %get3A_376 = arith.index_cast %get3A_375 : i32 to index
        %get3A_377 = arith.index_cast %add3A_374 : i32 to index
        %get3A_378 = arith.constant 0 : index
        %get3A_379 = tpu.vector_load %arg6[%get3A_376, %get3A_377, %get3A_378] {strides = array<i32>} : memref<4x200x64xf32, #tpu.memory_space<vmem>>, vector<1x1x16xf32>,
        %get3A_380 = vector.shape_cast %get3A_379 : vector<1x1x16xf32> to vector<16xf32>
        %add3A_381 = arith.addf %add3A_351, %get3A_380 : vector<16xf32>
        %add3A_382 = arith.constant 1 : i32
        %add3A_383 = arith.addi %mul3A_345, %add3A_382 : i32
        %get3A_384 = arith.constant 3 : i32
        %get3A_385 = arith.index_cast %get3A_384 : i32 to index
        %get3A_386 = arith.index_cast %add3A_383 : i32 to index
        %get3A_387 = arith.constant 16 : index
        %get3A_388 = tpu.vector_load %arg6[%get3A_385, %get3A_386, %get3A_387] {strides = array<i32>} : memref<4x200x64xf32, #tpu.memory_space<vmem>>, vector<1x1x16xf32>,
        %get3A_389 = vector.shape_cast %get3A_388 : vector<1x1x16xf32> to vector<16xf32>
        %add3A_390 = arith.addf %add3A_358, %get3A_389 : vector<16xf32>
        %add3A_391 = arith.constant 1 : i32
        %add3A_392 = arith.addi %mul3A_345, %add3A_391 : i32
        %get3A_393 = arith.constant 3 : i32
        %get3A_394 = arith.index_cast %get3A_393 : i32 to index
        %get3A_395 = arith.index_cast %add3A_392 : i32 to index
        %get3A_396 = arith.constant 32 : index
        %get3A_397 = tpu.vector_load %arg6[%get3A_394, %get3A_395, %get3A_396] {strides = array<i32>} : memref<4x200x64xf32, #tpu.memory_space<vmem>>, vector<1x1x16xf32>,
        %get3A_398 = vector.shape_cast %get3A_397 : vector<1x1x16xf32> to vector<16xf32>
        %add3A_399 = arith.addf %add3A_365, %get3A_398 : vector<16xf32>
        %add3A_400 = arith.constant 1 : i32
        %add3A_401 = arith.addi %mul3A_345, %add3A_400 : i32
        %get3A_402 = arith.constant 3 : i32
        %get3A_403 = arith.index_cast %get3A_402 : i32 to index
        %get3A_404 = arith.index_cast %add3A_401 : i32 to index
        %get3A_405 = arith.constant 48 : index
        %get3A_406 = tpu.vector_load %arg6[%get3A_403, %get3A_404, %get3A_405] {strides = array<i32>} : memref<4x200x64xf32, #tpu.memory_space<vmem>>, vector<1x1x16xf32>,
        %get3A_407 = vector.shape_cast %get3A_406 : vector<1x1x16xf32> to vector<16xf32>
        %add3A_408 = arith.addf %add3A_372, %get3A_407 : vector<16xf32>
        scf.yield %add3A_381, %add3A_390, %add3A_399, %add3A_408 : vector<16xf32>, vector<16xf32>, vector<16xf32>, vector<16xf32>
      }
      %scan3A_306 = arith.constant 100 : i32
      %mul3A_307 = arith.constant 5.000000e-03 : f32
      %mul3A_308 = vector.broadcast %mul3A_307 : f32 to vector<16xf32>
      %mul3A_309 = arith.mulf %scan3A_305#0, %mul3A_308 : vector<16xf32>
      %swap3A_310 = arith.index_cast %add3A_274 : i32 to index
      %swap3A_311 = arith.constant 0 : index
      %swap3A_312 = tpu.vector_load %arg7[%swap3A_310, %swap3A_311] {strides = array<i32>} : memref<64x64xf32, #tpu.memory_space<vmem>>, vector<1x16xf32>,
      %swap3A_313 = vector.shape_cast %swap3A_312 : vector<1x16xf32> to vector<16xf32>
      %swap3A_314 = vector.shape_cast %mul3A_309 : vector<16xf32> to vector<1x16xf32>
      tpu.vector_store %arg7[%swap3A_310, %swap3A_311], %swap3A_314 {strides = array<i32>} : memref<64x64xf32, #tpu.memory_space<vmem>>, vector<1x16xf32>,
      %mul3A_315 = arith.constant 5.000000e-03 : f32
      %mul3A_316 = vector.broadcast %mul3A_315 : f32 to vector<16xf32>
      %mul3A_317 = arith.mulf %scan3A_305#1, %mul3A_316 : vector<16xf32>
      %swap3A_318 = arith.index_cast %add3A_274 : i32 to index
      %swap3A_319 = arith.constant 16 : index
      %swap3A_320 = tpu.vector_load %arg7[%swap3A_318, %swap3A_319] {strides = array<i32>} : memref<64x64xf32, #tpu.memory_space<vmem>>, vector<1x16xf32>,
      %swap3A_321 = vector.shape_cast %swap3A_320 : vector<1x16xf32> to vector<16xf32>
      %swap3A_322 = vector.shape_cast %mul3A_317 : vector<16xf32> to vector<1x16xf32>
      tpu.vector_store %arg7[%swap3A_318, %swap3A_319], %swap3A_322 {strides = array<i32>} : memref<64x64xf32, #tpu.memory_space<vmem>>, vector<1x16xf32>,
      %mul3A_323 = arith.constant 5.000000e-03 : f32
      %mul3A_324 = vector.broadcast %mul3A_323 : f32 to vector<16xf32>
      %mul3A_325 = arith.mulf %scan3A_305#2, %mul3A_324 : vector<16xf32>
      %swap3A_326 = arith.index_cast %add3A_274 : i32 to index
      %swap3A_327 = arith.constant 32 : index
      %swap3A_328 = tpu.vector_load %arg7[%swap3A_326, %swap3A_327] {strides = array<i32>} : memref<64x64xf32, #tpu.memory_space<vmem>>, vector<1x16xf32>,
      %swap3A_329 = vector.shape_cast %swap3A_328 : vector<1x16xf32> to vector<16xf32>
      %swap3A_330 = vector.shape_cast %mul3A_325 : vector<16xf32> to vector<1x16xf32>
      tpu.vector_store %arg7[%swap3A_326, %swap3A_327], %swap3A_330 {strides = array<i32>} : memref<64x64xf32, #tpu.memory_space<vmem>>, vector<1x16xf32>,
      %mul3A_331 = arith.constant 5.000000e-03 : f32
      %mul3A_332 = vector.broadcast %mul3A_331 : f32 to vector<16xf32>
      %mul3A_333 = arith.mulf %scan3A_305#3, %mul3A_332 : vector<16xf32>
      %swap3A_334 = arith.index_cast %add3A_274 : i32 to index
      %swap3A_335 = arith.constant 48 : index
      %swap3A_336 = tpu.vector_load %arg7[%swap3A_334, %swap3A_335] {strides = array<i32>} : memref<64x64xf32, #tpu.memory_space<vmem>>, vector<1x16xf32>,
      %swap3A_337 = vector.shape_cast %swap3A_336 : vector<1x16xf32> to vector<16xf32>
      %swap3A_338 = vector.shape_cast %mul3A_333 : vector<16xf32> to vector<1x16xf32>
      tpu.vector_store %arg7[%swap3A_334, %swap3A_335], %swap3A_338 {strides = array<i32>} : memref<64x64xf32, #tpu.memory_space<vmem>>, vector<1x16xf32>,
    }
    %scan3A_78 = arith.constant 16 : i32
    "tpu.region"() ({
      %run_scoped3A = tpu.sem_alloc : memref<!tpu.dma_semaphore, #tpu.memory_space<semaphore_mem>>
      %dma_start3A_79 = arith.constant 0 : i32
      %dma_start3A_80 = tpu.memref_slice %arg4[%mul3A_2, %dma_start3A_79] : memref<2048x64xf32, #tpu.memory_space<hbm>> -> memref<64x64xf32, #tpu.memory_space<hbm>>
      %dma_start3A_81 = arith.constant 0 : i32
      %dma_start3A_82 = tpu.memref_slice %arg4[%mul3A_2, %dma_start3A_81] : memref<2048x64xf32, #tpu.memory_space<hbm>> -> memref<64x64xf32, #tpu.memory_space<hbm>>
      tpu.enqueue_dma source(%arg7 : memref<64x64xf32, #tpu.memory_space<vmem>>) target(%dma_start3A_82 : memref<64x64xf32, #tpu.memory_space<hbm>>) target_semaphore(%run_scoped3A : memref<!tpu.dma_semaphore, #tpu.memory_space<semaphore_mem>>)
      %dma_wait3A = arith.constant 0 : i32
      %dma_wait3A_83 = tpu.memref_slice %arg4[%mul3A_2, %dma_wait3A] : memref<2048x64xf32, #tpu.memory_space<hbm>> -> memref<64x64xf32, #tpu.memory_space<hbm>>
      %dma_wait3A_84 = arith.constant 0 : i32
      %dma_wait3A_85 = tpu.memref_slice %arg4[%mul3A_2, %dma_wait3A_84] : memref<2048x64xf32, #tpu.memory_space<hbm>> -> memref<64x64xf32, #tpu.memory_space<hbm>>
      tpu.wait_dma2 semaphore(%run_scoped3A : memref<!tpu.dma_semaphore, #tpu.memory_space<semaphore_mem>>) src(%arg7 : memref<64x64xf32, #tpu.memory_space<vmem>>) dst(%dma_wait3A_85 : memref<64x64xf32, #tpu.memory_space<hbm>>)
      tpu.yield
    }) : () -> ()
    return
  }
}

#map = affine_map<(d0, d1) -> (0, 0)>
module attributes {stable_mosaic.version = 14 : i64} {
  func.func @_pool_sc_body(%arg0: i32, %arg1: i32, %arg2: memref<2048x200xi32, #tpu.memory_space<hbm>>, %arg3: memref<100000x64xf32, #tpu.memory_space<hbm>>, %arg4: memref<2048x64xf32, #tpu.memory_space<hbm>>, %arg5: memref<64x200xi32, #tpu.memory_space<vmem>>, %arg6: memref<4x200x64xf32, #tpu.memory_space<vmem>>, %arg7: memref<64x64xf32, #tpu.memory_space<vmem>>, %arg8: memref<!tpu.dma_semaphore, #tpu.memory_space<semaphore_mem>>, %arg9: memref<!tpu.dma_semaphore, #tpu.memory_space<semaphore_mem>>, %arg10: memref<!tpu.dma_semaphore, #tpu.memory_space<semaphore_mem>>, %arg11: memref<!tpu.dma_semaphore, #tpu.memory_space<semaphore_mem>>) attributes {dimension_semantics = [#tpu.dimension_semantics<core_parallel>, #tpu.dimension_semantics<subcore_parallel>], iteration_bounds = array<i64: 2, 16>, scalar_prefetch = 0 : i64, scratch_operands = 7 : i64, tpu.core_type = #tpu.core_type<sc_vector_subcore>, window_params = [{transform_indices = #map}, {transform_indices = #map}, {transform_indices = #map}]} {
    %mul3A = arith.constant 2 : i32
    %mul3A_0 = arith.muli %arg1, %mul3A : i32
    %add3A = arith.addi %mul3A_0, %arg0 : i32
    %mul3A_1 = arith.constant 64 : i32
    %mul3A_2 = arith.muli %add3A, %mul3A_1 : i32
    "tpu.region"() ({
      %run_scoped3A = tpu.sem_alloc : memref<!tpu.dma_semaphore, #tpu.memory_space<semaphore_mem>>
      %dma_start3A_79 = arith.constant 0 : i32
      %dma_start3A_80 = tpu.memref_slice %arg2[%mul3A_2, %dma_start3A_79] : memref<2048x200xi32, #tpu.memory_space<hbm>> -> memref<64x200xi32, #tpu.memory_space<hbm>>
      %dma_start3A_81 = arith.constant 0 : i32
      %dma_start3A_82 = tpu.memref_slice %arg2[%mul3A_2, %dma_start3A_81] : memref<2048x200xi32, #tpu.memory_space<hbm>> -> memref<64x200xi32, #tpu.memory_space<hbm>>
      tpu.enqueue_dma source(%dma_start3A_82 : memref<64x200xi32, #tpu.memory_space<hbm>>) target(%arg5 : memref<64x200xi32, #tpu.memory_space<vmem>>) target_semaphore(%run_scoped3A : memref<!tpu.dma_semaphore, #tpu.memory_space<semaphore_mem>>)
      %dma_wait3A = arith.constant 0 : i32
      %dma_wait3A_83 = tpu.memref_slice %arg2[%mul3A_2, %dma_wait3A] : memref<2048x200xi32, #tpu.memory_space<hbm>> -> memref<64x200xi32, #tpu.memory_space<hbm>>
      %dma_wait3A_84 = arith.constant 0 : i32
      %dma_wait3A_85 = tpu.memref_slice %arg2[%mul3A_2, %dma_wait3A_84] : memref<2048x200xi32, #tpu.memory_space<hbm>> -> memref<64x200xi32, #tpu.memory_space<hbm>>
      tpu.wait_dma2 semaphore(%run_scoped3A : memref<!tpu.dma_semaphore, #tpu.memory_space<semaphore_mem>>) src(%dma_wait3A_85 : memref<64x200xi32, #tpu.memory_space<hbm>>) dst(%arg5 : memref<64x200xi32, #tpu.memory_space<vmem>>)
      tpu.yield
    }) : () -> ()
    %dma_start3A = arith.constant 0 : i32
    %dma_start3A_3 = arith.constant 0 : i32
    %dma_start3A_4 = arith.constant 0 : i32
    %dma_start3A_5 = arith.constant 0 : i32
    %dma_start3A_6 = tpu.memref_slice %arg6[%dma_start3A_3, %dma_start3A_4, %dma_start3A_5] : memref<4x200x64xf32, #tpu.memory_space<vmem>> -> memref<1x128x64xf32, #tpu.memory_space<vmem>>
    %dma_start3A_7 = tpu.memref_squeeze %dma_start3A_6 : memref<1x128x64xf32, #tpu.memory_space<vmem>> -> memref<128x64xf32, #tpu.memory_space<vmem>>
    %dma_start3A_8 = arith.constant 0 : i32
    %dma_start3A_9 = tpu.memref_slice %arg5[%dma_start3A, %dma_start3A_8] : memref<64x200xi32, #tpu.memory_space<vmem>> -> memref<1x128xi32, #tpu.memory_space<vmem>>
    %dma_start3A_10 = tpu.memref_squeeze %dma_start3A_9 : memref<1x128xi32, #tpu.memory_space<vmem>> -> memref<128xi32, #tpu.memory_space<vmem>>
    %dma_start3A_11 = arith.constant 0 : i32
    %dma_start3A_12 = arith.constant 0 : i32
    %dma_start3A_13 = tpu.memref_slice %arg3[%dma_start3A_11, %dma_start3A_12] : memref<100000x64xf32, #tpu.memory_space<hbm>> -> memref<100000x64xf32, #tpu.memory_space<hbm>>
    tpu.enqueue_indirect_dma source(%dma_start3A_13 : memref<100000x64xf32, #tpu.memory_space<hbm>>) target(%dma_start3A_7 : memref<128x64xf32, #tpu.memory_space<vmem>>) offsets(%dma_start3A_10 : memref<128xi32, #tpu.memory_space<vmem>>) semaphore(%arg8 : memref<!tpu.dma_semaphore, #tpu.memory_space<semaphore_mem>>)
    %dma_start3A_14 = arith.constant 0 : i32
    %dma_start3A_15 = arith.constant 0 : i32
    %dma_start3A_16 = arith.constant 128 : i32
    %dma_start3A_17 = arith.constant 0 : i32
    %dma_start3A_18 = tpu.memref_slice %arg6[%dma_start3A_15, %dma_start3A_16, %dma_start3A_17] : memref<4x200x64xf32, #tpu.memory_space<vmem>> -> memref<1x72x64xf32, #tpu.memory_space<vmem>>
    %dma_start3A_19 = tpu.memref_squeeze %dma_start3A_18 : memref<1x72x64xf32, #tpu.memory_space<vmem>> -> memref<72x64xf32, #tpu.memory_space<vmem>>
    %dma_start3A_20 = arith.constant 128 : i32
    %dma_start3A_21 = tpu.memref_slice %arg5[%dma_start3A_14, %dma_start3A_20] : memref<64x200xi32, #tpu.memory_space<vmem>> -> memref<1x72xi32, #tpu.memory_space<vmem>>
    %dma_start3A_22 = tpu.memref_squeeze %dma_start3A_21 : memref<1x72xi32, #tpu.memory_space<vmem>> -> memref<72xi32, #tpu.memory_space<vmem>>
    %dma_start3A_23 = arith.constant 0 : i32
    %dma_start3A_24 = arith.constant 0 : i32
    %dma_start3A_25 = tpu.memref_slice %arg3[%dma_start3A_23, %dma_start3A_24] : memref<100000x64xf32, #tpu.memory_space<hbm>> -> memref<100000x64xf32, #tpu.memory_space<hbm>>
    tpu.enqueue_indirect_dma source(%dma_start3A_25 : memref<100000x64xf32, #tpu.memory_space<hbm>>) target(%dma_start3A_19 : memref<72x64xf32, #tpu.memory_space<vmem>>) offsets(%dma_start3A_22 : memref<72xi32, #tpu.memory_space<vmem>>) semaphore(%arg8 : memref<!tpu.dma_semaphore, #tpu.memory_space<semaphore_mem>>)
    %dma_start3A_26 = arith.constant 1 : i32
    %dma_start3A_27 = arith.constant 1 : i32
    %dma_start3A_28 = arith.constant 0 : i32
    %dma_start3A_29 = arith.constant 0 : i32
    %dma_start3A_30 = tpu.memref_slice %arg6[%dma_start3A_27, %dma_start3A_28, %dma_start3A_29] : memref<4x200x64xf32, #tpu.memory_space<vmem>> -> memref<1x128x64xf32, #tpu.memory_space<vmem>>
    %dma_start3A_31 = tpu.memref_squeeze %dma_start3A_30 : memref<1x128x64xf32, #tpu.memory_space<vmem>> -> memref<128x64xf32, #tpu.memory_space<vmem>>
    %dma_start3A_32 = arith.constant 0 : i32
    %dma_start3A_33 = tpu.memref_slice %arg5[%dma_start3A_26, %dma_start3A_32] : memref<64x200xi32, #tpu.memory_space<vmem>> -> memref<1x128xi32, #tpu.memory_space<vmem>>
    %dma_start3A_34 = tpu.memref_squeeze %dma_start3A_33 : memref<1x128xi32, #tpu.memory_space<vmem>> -> memref<128xi32, #tpu.memory_space<vmem>>
    %dma_start3A_35 = arith.constant 0 : i32
    %dma_start3A_36 = arith.constant 0 : i32
    %dma_start3A_37 = tpu.memref_slice %arg3[%dma_start3A_35, %dma_start3A_36] : memref<100000x64xf32, #tpu.memory_space<hbm>> -> memref<100000x64xf32, #tpu.memory_space<hbm>>
    tpu.enqueue_indirect_dma source(%dma_start3A_37 : memref<100000x64xf32, #tpu.memory_space<hbm>>) target(%dma_start3A_31 : memref<128x64xf32, #tpu.memory_space<vmem>>) offsets(%dma_start3A_34 : memref<128xi32, #tpu.memory_space<vmem>>) semaphore(%arg9 : memref<!tpu.dma_semaphore, #tpu.memory_space<semaphore_mem>>)
    %dma_start3A_38 = arith.constant 1 : i32
    %dma_start3A_39 = arith.constant 1 : i32
    %dma_start3A_40 = arith.constant 128 : i32
    %dma_start3A_41 = arith.constant 0 : i32
    %dma_start3A_42 = tpu.memref_slice %arg6[%dma_start3A_39, %dma_start3A_40, %dma_start3A_41] : memref<4x200x64xf32, #tpu.memory_space<vmem>> -> memref<1x72x64xf32, #tpu.memory_space<vmem>>
    %dma_start3A_43 = tpu.memref_squeeze %dma_start3A_42 : memref<1x72x64xf32, #tpu.memory_space<vmem>> -> memref<72x64xf32, #tpu.memory_space<vmem>>
    %dma_start3A_44 = arith.constant 128 : i32
    %dma_start3A_45 = tpu.memref_slice %arg5[%dma_start3A_38, %dma_start3A_44] : memref<64x200xi32, #tpu.memory_space<vmem>> -> memref<1x72xi32, #tpu.memory_space<vmem>>
    %dma_start3A_46 = tpu.memref_squeeze %dma_start3A_45 : memref<1x72xi32, #tpu.memory_space<vmem>> -> memref<72xi32, #tpu.memory_space<vmem>>
    %dma_start3A_47 = arith.constant 0 : i32
    %dma_start3A_48 = arith.constant 0 : i32
    %dma_start3A_49 = tpu.memref_slice %arg3[%dma_start3A_47, %dma_start3A_48] : memref<100000x64xf32, #tpu.memory_space<hbm>> -> memref<100000x64xf32, #tpu.memory_space<hbm>>
    tpu.enqueue_indirect_dma source(%dma_start3A_49 : memref<100000x64xf32, #tpu.memory_space<hbm>>) target(%dma_start3A_43 : memref<72x64xf32, #tpu.memory_space<vmem>>) offsets(%dma_start3A_46 : memref<72xi32, #tpu.memory_space<vmem>>) semaphore(%arg9 : memref<!tpu.dma_semaphore, #tpu.memory_space<semaphore_mem>>)
    %dma_start3A_50 = arith.constant 2 : i32
    %dma_start3A_51 = arith.constant 2 : i32
    %dma_start3A_52 = arith.constant 0 : i32
    %dma_start3A_53 = arith.constant 0 : i32
    %dma_start3A_54 = tpu.memref_slice %arg6[%dma_start3A_51, %dma_start3A_52, %dma_start3A_53] : memref<4x200x64xf32, #tpu.memory_space<vmem>> -> memref<1x128x64xf32, #tpu.memory_space<vmem>>
    %dma_start3A_55 = tpu.memref_squeeze %dma_start3A_54 : memref<1x128x64xf32, #tpu.memory_space<vmem>> -> memref<128x64xf32, #tpu.memory_space<vmem>>
    %dma_start3A_56 = arith.constant 0 : i32
    %dma_start3A_57 = tpu.memref_slice %arg5[%dma_start3A_50, %dma_start3A_56] : memref<64x200xi32, #tpu.memory_space<vmem>> -> memref<1x128xi32, #tpu.memory_space<vmem>>
    %dma_start3A_58 = tpu.memref_squeeze %dma_start3A_57 : memref<1x128xi32, #tpu.memory_space<vmem>> -> memref<128xi32, #tpu.memory_space<vmem>>
    %dma_start3A_59 = arith.constant 0 : i32
    %dma_start3A_60 = arith.constant 0 : i32
    %dma_start3A_61 = tpu.memref_slice %arg3[%dma_start3A_59, %dma_start3A_60] : memref<100000x64xf32, #tpu.memory_space<hbm>> -> memref<100000x64xf32, #tpu.memory_space<hbm>>
    tpu.enqueue_indirect_dma source(%dma_start3A_61 : memref<100000x64xf32, #tpu.memory_space<hbm>>) target(%dma_start3A_55 : memref<128x64xf32, #tpu.memory_space<vmem>>) offsets(%dma_start3A_58 : memref<128xi32, #tpu.memory_space<vmem>>) semaphore(%arg10 : memref<!tpu.dma_semaphore, #tpu.memory_space<semaphore_mem>>)
    %dma_start3A_62 = arith.constant 2 : i32
    %dma_start3A_63 = arith.constant 2 : i32
    %dma_start3A_64 = arith.constant 128 : i32
    %dma_start3A_65 = arith.constant 0 : i32
    %dma_start3A_66 = tpu.memref_slice %arg6[%dma_start3A_63, %dma_start3A_64, %dma_start3A_65] : memref<4x200x64xf32, #tpu.memory_space<vmem>> -> memref<1x72x64xf32, #tpu.memory_space<vmem>>
    %dma_start3A_67 = tpu.memref_squeeze %dma_start3A_66 : memref<1x72x64xf32, #tpu.memory_space<vmem>> -> memref<72x64xf32, #tpu.memory_space<vmem>>
    %dma_start3A_68 = arith.constant 128 : i32
    %dma_start3A_69 = tpu.memref_slice %arg5[%dma_start3A_62, %dma_start3A_68] : memref<64x200xi32, #tpu.memory_space<vmem>> -> memref<1x72xi32, #tpu.memory_space<vmem>>
    %dma_start3A_70 = tpu.memref_squeeze %dma_start3A_69 : memref<1x72xi32, #tpu.memory_space<vmem>> -> memref<72xi32, #tpu.memory_space<vmem>>
    %dma_start3A_71 = arith.constant 0 : i32
    %dma_start3A_72 = arith.constant 0 : i32
    %dma_start3A_73 = tpu.memref_slice %arg3[%dma_start3A_71, %dma_start3A_72] : memref<100000x64xf32, #tpu.memory_space<hbm>> -> memref<100000x64xf32, #tpu.memory_space<hbm>>
    tpu.enqueue_indirect_dma source(%dma_start3A_73 : memref<100000x64xf32, #tpu.memory_space<hbm>>) target(%dma_start3A_67 : memref<72x64xf32, #tpu.memory_space<vmem>>) offsets(%dma_start3A_70 : memref<72xi32, #tpu.memory_space<vmem>>) semaphore(%arg10 : memref<!tpu.dma_semaphore, #tpu.memory_space<semaphore_mem>>)
    %scan3A = arith.constant 0 : i32
    %scan3A_74 = arith.constant 0 : i32
    %scan3A_75 = arith.constant 16 : i32
    %scan3A_76 = arith.addi %scan3A_74, %scan3A_75 : i32
    %scan3A_77 = arith.constant 1 : i32
    scf.for %scan3A_79 = %scan3A_74 to %scan3A_76 step %scan3A_77  : i32 {
      %mul3A_80 = arith.constant 4 : i32
      %mul3A_81 = arith.muli %scan3A_79, %mul3A_80 : i32
      %add3A_82 = arith.constant 0 : i32
      %add3A_83 = arith.addi %mul3A_81, %add3A_82 : i32
      %add3A_84 = arith.constant 4 : i32
      %add3A_85 = arith.addi %add3A_83, %add3A_84 : i32
      %sub3A = arith.constant 1 : i32
      %sub3A_86 = arith.subi %add3A_85, %sub3A : i32
      %lt3A = arith.constant 64 : i32
      %lt3A_87 = arith.cmpi slt, %sub3A_86, %lt3A : i32
      %convert_element_type3A = arith.extui %lt3A_87 : i1 to i32
      %cond3A = arith.constant 0 : i32
      %cond3A_88 = arith.cmpi ne, %convert_element_type3A, %cond3A : i32
      scf.if %cond3A_88 {
        %dma_start3A_339 = arith.constant 3 : i32
        %dma_start3A_340 = arith.constant 0 : i32
        %dma_start3A_341 = arith.constant 0 : i32
        %dma_start3A_342 = tpu.memref_slice %arg6[%dma_start3A_339, %dma_start3A_340, %dma_start3A_341] : memref<4x200x64xf32, #tpu.memory_space<vmem>> -> memref<1x128x64xf32, #tpu.memory_space<vmem>>
        %dma_start3A_343 = tpu.memref_squeeze %dma_start3A_342 : memref<1x128x64xf32, #tpu.memory_space<vmem>> -> memref<128x64xf32, #tpu.memory_space<vmem>>
        %dma_start3A_344 = arith.constant 0 : i32
        %dma_start3A_345 = tpu.memref_slice %arg5[%sub3A_86, %dma_start3A_344] : memref<64x200xi32, #tpu.memory_space<vmem>> -> memref<1x128xi32, #tpu.memory_space<vmem>>
        %dma_start3A_346 = tpu.memref_squeeze %dma_start3A_345 : memref<1x128xi32, #tpu.memory_space<vmem>> -> memref<128xi32, #tpu.memory_space<vmem>>
        %dma_start3A_347 = arith.constant 0 : i32
        %dma_start3A_348 = arith.constant 0 : i32
        %dma_start3A_349 = tpu.memref_slice %arg3[%dma_start3A_347, %dma_start3A_348] : memref<100000x64xf32, #tpu.memory_space<hbm>> -> memref<100000x64xf32, #tpu.memory_space<hbm>>
        tpu.enqueue_indirect_dma source(%dma_start3A_349 : memref<100000x64xf32, #tpu.memory_space<hbm>>) target(%dma_start3A_343 : memref<128x64xf32, #tpu.memory_space<vmem>>) offsets(%dma_start3A_346 : memref<128xi32, #tpu.memory_space<vmem>>) semaphore(%arg11 : memref<!tpu.dma_semaphore, #tpu.memory_space<semaphore_mem>>)
        %dma_start3A_350 = arith.constant 3 : i32
        %dma_start3A_351 = arith.constant 128 : i32
        %dma_start3A_352 = arith.constant 0 : i32
        %dma_start3A_353 = tpu.memref_slice %arg6[%dma_start3A_350, %dma_start3A_351, %dma_start3A_352] : memref<4x200x64xf32, #tpu.memory_space<vmem>> -> memref<1x72x64xf32, #tpu.memory_space<vmem>>
        %dma_start3A_354 = tpu.memref_squeeze %dma_start3A_353 : memref<1x72x64xf32, #tpu.memory_space<vmem>> -> memref<72x64xf32, #tpu.memory_space<vmem>>
        %dma_start3A_355 = arith.constant 128 : i32
        %dma_start3A_356 = tpu.memref_slice %arg5[%sub3A_86, %dma_start3A_355] : memref<64x200xi32, #tpu.memory_space<vmem>> -> memref<1x72xi32, #tpu.memory_space<vmem>>
        %dma_start3A_357 = tpu.memref_squeeze %dma_start3A_356 : memref<1x72xi32, #tpu.memory_space<vmem>> -> memref<72xi32, #tpu.memory_space<vmem>>
        %dma_start3A_358 = arith.constant 0 : i32
        %dma_start3A_359 = arith.constant 0 : i32
        %dma_start3A_360 = tpu.memref_slice %arg3[%dma_start3A_358, %dma_start3A_359] : memref<100000x64xf32, #tpu.memory_space<hbm>> -> memref<100000x64xf32, #tpu.memory_space<hbm>>
        tpu.enqueue_indirect_dma source(%dma_start3A_360 : memref<100000x64xf32, #tpu.memory_space<hbm>>) target(%dma_start3A_354 : memref<72x64xf32, #tpu.memory_space<vmem>>) offsets(%dma_start3A_357 : memref<72xi32, #tpu.memory_space<vmem>>) semaphore(%arg11 : memref<!tpu.dma_semaphore, #tpu.memory_space<semaphore_mem>>)
      } else {
      }
      %dma_wait3A = arith.constant 0 : i32
      %dma_wait3A_89 = arith.constant 0 : i32
      %dma_wait3A_90 = arith.constant 0 : i32
      %dma_wait3A_91 = tpu.memref_slice %arg6[%dma_wait3A, %dma_wait3A_89, %dma_wait3A_90] : memref<4x200x64xf32, #tpu.memory_space<vmem>> -> memref<1x200x64xf32, #tpu.memory_space<vmem>>
      %dma_wait3A_92 = tpu.memref_squeeze %dma_wait3A_91 : memref<1x200x64xf32, #tpu.memory_space<vmem>> -> memref<200x64xf32, #tpu.memory_space<vmem>>
      %dma_wait3A_93 = arith.constant 0 : i32
      %dma_wait3A_94 = arith.constant 0 : i32
      %dma_wait3A_95 = tpu.memref_slice %arg3[%dma_wait3A_93, %dma_wait3A_94] : memref<100000x64xf32, #tpu.memory_space<hbm>> -> memref<200x64xf32, #tpu.memory_space<hbm>>
      %dma_wait3A_96 = arith.constant 0 : i32
      %dma_wait3A_97 = arith.constant 0 : i32
      %dma_wait3A_98 = tpu.memref_slice %arg6[%dma_wait3A, %dma_wait3A_96, %dma_wait3A_97] : memref<4x200x64xf32, #tpu.memory_space<vmem>> -> memref<1x200x64xf32, #tpu.memory_space<vmem>>
      %dma_wait3A_99 = tpu.memref_squeeze %dma_wait3A_98 : memref<1x200x64xf32, #tpu.memory_space<vmem>> -> memref<200x64xf32, #tpu.memory_space<vmem>>
      %dma_wait3A_100 = arith.constant 0 : i32
      %dma_wait3A_101 = arith.constant 0 : i32
      %dma_wait3A_102 = tpu.memref_slice %arg3[%dma_wait3A_100, %dma_wait3A_101] : memref<100000x64xf32, #tpu.memory_space<hbm>> -> memref<200x64xf32, #tpu.memory_space<hbm>>
      tpu.wait_dma2 semaphore(%arg8 : memref<!tpu.dma_semaphore, #tpu.memory_space<semaphore_mem>>) src(%dma_wait3A_102 : memref<200x64xf32, #tpu.memory_space<hbm>>) dst(%dma_wait3A_99 : memref<200x64xf32, #tpu.memory_space<vmem>>)
      %broadcast_in_dim3A = arith.constant 0.000000e+00 : f32
      %broadcast_in_dim3A_103 = vector.broadcast %broadcast_in_dim3A : f32 to vector<16xf32>
      %scan3A_104 = arith.constant 0 : i32
      %scan3A_105 = arith.constant 100 : i32
      %scan3A_106 = arith.addi %scan3A_104, %scan3A_105 : i32
      %scan3A_107 = arith.constant 1 : i32
      %scan3A_108:4 = scf.for %scan3A_339 = %scan3A_104 to %scan3A_106 step %scan3A_107 iter_args(%scan3A_340 = %broadcast_in_dim3A_103, %scan3A_341 = %broadcast_in_dim3A_103, %scan3A_342 = %broadcast_in_dim3A_103, %scan3A_343 = %broadcast_in_dim3A_103) -> (vector<16xf32>, vector<16xf32>, vector<16xf32>, vector<16xf32>)  : i32 {
        %mul3A_344 = arith.constant 2 : i32
        %mul3A_345 = arith.muli %mul3A_344, %scan3A_339 : i32
        %get3A = arith.constant 0 : i32
        %get3A_346 = arith.index_cast %get3A : i32 to index
        %get3A_347 = arith.index_cast %mul3A_345 : i32 to index
        %get3A_348 = arith.constant 0 : index
        %get3A_349 = tpu.vector_load %arg6[%get3A_346, %get3A_347, %get3A_348] {strides = array<i32>} : memref<4x200x64xf32, #tpu.memory_space<vmem>>, vector<1x1x16xf32>,
        %get3A_350 = vector.shape_cast %get3A_349 : vector<1x1x16xf32> to vector<16xf32>
        %add3A_351 = arith.addf %scan3A_340, %get3A_350 : vector<16xf32>
        %get3A_352 = arith.constant 0 : i32
        %get3A_353 = arith.index_cast %get3A_352 : i32 to index
        %get3A_354 = arith.index_cast %mul3A_345 : i32 to index
        %get3A_355 = arith.constant 16 : index
        %get3A_356 = tpu.vector_load %arg6[%get3A_353, %get3A_354, %get3A_355] {strides = array<i32>} : memref<4x200x64xf32, #tpu.memory_space<vmem>>, vector<1x1x16xf32>,
        %get3A_357 = vector.shape_cast %get3A_356 : vector<1x1x16xf32> to vector<16xf32>
        %add3A_358 = arith.addf %scan3A_341, %get3A_357 : vector<16xf32>
        %get3A_359 = arith.constant 0 : i32
        %get3A_360 = arith.index_cast %get3A_359 : i32 to index
        %get3A_361 = arith.index_cast %mul3A_345 : i32 to index
        %get3A_362 = arith.constant 32 : index
        %get3A_363 = tpu.vector_load %arg6[%get3A_360, %get3A_361, %get3A_362] {strides = array<i32>} : memref<4x200x64xf32, #tpu.memory_space<vmem>>, vector<1x1x16xf32>,
        %get3A_364 = vector.shape_cast %get3A_363 : vector<1x1x16xf32> to vector<16xf32>
        %add3A_365 = arith.addf %scan3A_342, %get3A_364 : vector<16xf32>
        %get3A_366 = arith.constant 0 : i32
        %get3A_367 = arith.index_cast %get3A_366 : i32 to index
        %get3A_368 = arith.index_cast %mul3A_345 : i32 to index
        %get3A_369 = arith.constant 48 : index
        %get3A_370 = tpu.vector_load %arg6[%get3A_367, %get3A_368, %get3A_369] {strides = array<i32>} : memref<4x200x64xf32, #tpu.memory_space<vmem>>, vector<1x1x16xf32>,
        %get3A_371 = vector.shape_cast %get3A_370 : vector<1x1x16xf32> to vector<16xf32>
        %add3A_372 = arith.addf %scan3A_343, %get3A_371 : vector<16xf32>
        %add3A_373 = arith.constant 1 : i32
        %add3A_374 = arith.addi %mul3A_345, %add3A_373 : i32
        %get3A_375 = arith.constant 0 : i32
        %get3A_376 = arith.index_cast %get3A_375 : i32 to index
        %get3A_377 = arith.index_cast %add3A_374 : i32 to index
        %get3A_378 = arith.constant 0 : index
        %get3A_379 = tpu.vector_load %arg6[%get3A_376, %get3A_377, %get3A_378] {strides = array<i32>} : memref<4x200x64xf32, #tpu.memory_space<vmem>>, vector<1x1x16xf32>,
        %get3A_380 = vector.shape_cast %get3A_379 : vector<1x1x16xf32> to vector<16xf32>
        %add3A_381 = arith.addf %add3A_351, %get3A_380 : vector<16xf32>
        %add3A_382 = arith.constant 1 : i32
        %add3A_383 = arith.addi %mul3A_345, %add3A_382 : i32
        %get3A_384 = arith.constant 0 : i32
        %get3A_385 = arith.index_cast %get3A_384 : i32 to index
        %get3A_386 = arith.index_cast %add3A_383 : i32 to index
        %get3A_387 = arith.constant 16 : index
        %get3A_388 = tpu.vector_load %arg6[%get3A_385, %get3A_386, %get3A_387] {strides = array<i32>} : memref<4x200x64xf32, #tpu.memory_space<vmem>>, vector<1x1x16xf32>,
        %get3A_389 = vector.shape_cast %get3A_388 : vector<1x1x16xf32> to vector<16xf32>
        %add3A_390 = arith.addf %add3A_358, %get3A_389 : vector<16xf32>
        %add3A_391 = arith.constant 1 : i32
        %add3A_392 = arith.addi %mul3A_345, %add3A_391 : i32
        %get3A_393 = arith.constant 0 : i32
        %get3A_394 = arith.index_cast %get3A_393 : i32 to index
        %get3A_395 = arith.index_cast %add3A_392 : i32 to index
        %get3A_396 = arith.constant 32 : index
        %get3A_397 = tpu.vector_load %arg6[%get3A_394, %get3A_395, %get3A_396] {strides = array<i32>} : memref<4x200x64xf32, #tpu.memory_space<vmem>>, vector<1x1x16xf32>,
        %get3A_398 = vector.shape_cast %get3A_397 : vector<1x1x16xf32> to vector<16xf32>
        %add3A_399 = arith.addf %add3A_365, %get3A_398 : vector<16xf32>
        %add3A_400 = arith.constant 1 : i32
        %add3A_401 = arith.addi %mul3A_345, %add3A_400 : i32
        %get3A_402 = arith.constant 0 : i32
        %get3A_403 = arith.index_cast %get3A_402 : i32 to index
        %get3A_404 = arith.index_cast %add3A_401 : i32 to index
        %get3A_405 = arith.constant 48 : index
        %get3A_406 = tpu.vector_load %arg6[%get3A_403, %get3A_404, %get3A_405] {strides = array<i32>} : memref<4x200x64xf32, #tpu.memory_space<vmem>>, vector<1x1x16xf32>,
        %get3A_407 = vector.shape_cast %get3A_406 : vector<1x1x16xf32> to vector<16xf32>
        %add3A_408 = arith.addf %add3A_372, %get3A_407 : vector<16xf32>
        scf.yield %add3A_381, %add3A_390, %add3A_399, %add3A_408 : vector<16xf32>, vector<16xf32>, vector<16xf32>, vector<16xf32>
      }
      %scan3A_109 = arith.constant 100 : i32
      %mul3A_110 = arith.constant 5.000000e-03 : f32
      %mul3A_111 = vector.broadcast %mul3A_110 : f32 to vector<16xf32>
      %mul3A_112 = arith.mulf %scan3A_108#0, %mul3A_111 : vector<16xf32>
      %swap3A = arith.index_cast %add3A_83 : i32 to index
      %swap3A_113 = arith.constant 0 : index
      %swap3A_114 = tpu.vector_load %arg7[%swap3A, %swap3A_113] {strides = array<i32>} : memref<64x64xf32, #tpu.memory_space<vmem>>, vector<1x16xf32>,
      %swap3A_115 = vector.shape_cast %swap3A_114 : vector<1x16xf32> to vector<16xf32>
      %swap3A_116 = vector.shape_cast %mul3A_112 : vector<16xf32> to vector<1x16xf32>
      tpu.vector_store %arg7[%swap3A, %swap3A_113], %swap3A_116 {strides = array<i32>} : memref<64x64xf32, #tpu.memory_space<vmem>>, vector<1x16xf32>,
      %mul3A_117 = arith.constant 5.000000e-03 : f32
      %mul3A_118 = vector.broadcast %mul3A_117 : f32 to vector<16xf32>
      %mul3A_119 = arith.mulf %scan3A_108#1, %mul3A_118 : vector<16xf32>
      %swap3A_120 = arith.index_cast %add3A_83 : i32 to index
      %swap3A_121 = arith.constant 16 : index
      %swap3A_122 = tpu.vector_load %arg7[%swap3A_120, %swap3A_121] {strides = array<i32>} : memref<64x64xf32, #tpu.memory_space<vmem>>, vector<1x16xf32>,
      %swap3A_123 = vector.shape_cast %swap3A_122 : vector<1x16xf32> to vector<16xf32>
      %swap3A_124 = vector.shape_cast %mul3A_119 : vector<16xf32> to vector<1x16xf32>
      tpu.vector_store %arg7[%swap3A_120, %swap3A_121], %swap3A_124 {strides = array<i32>} : memref<64x64xf32, #tpu.memory_space<vmem>>, vector<1x16xf32>,
      %mul3A_125 = arith.constant 5.000000e-03 : f32
      %mul3A_126 = vector.broadcast %mul3A_125 : f32 to vector<16xf32>
      %mul3A_127 = arith.mulf %scan3A_108#2, %mul3A_126 : vector<16xf32>
      %swap3A_128 = arith.index_cast %add3A_83 : i32 to index
      %swap3A_129 = arith.constant 32 : index
      %swap3A_130 = tpu.vector_load %arg7[%swap3A_128, %swap3A_129] {strides = array<i32>} : memref<64x64xf32, #tpu.memory_space<vmem>>, vector<1x16xf32>,
      %swap3A_131 = vector.shape_cast %swap3A_130 : vector<1x16xf32> to vector<16xf32>
      %swap3A_132 = vector.shape_cast %mul3A_127 : vector<16xf32> to vector<1x16xf32>
      tpu.vector_store %arg7[%swap3A_128, %swap3A_129], %swap3A_132 {strides = array<i32>} : memref<64x64xf32, #tpu.memory_space<vmem>>, vector<1x16xf32>,
      %mul3A_133 = arith.constant 5.000000e-03 : f32
      %mul3A_134 = vector.broadcast %mul3A_133 : f32 to vector<16xf32>
      %mul3A_135 = arith.mulf %scan3A_108#3, %mul3A_134 : vector<16xf32>
      %swap3A_136 = arith.index_cast %add3A_83 : i32 to index
      %swap3A_137 = arith.constant 48 : index
      %swap3A_138 = tpu.vector_load %arg7[%swap3A_136, %swap3A_137] {strides = array<i32>} : memref<64x64xf32, #tpu.memory_space<vmem>>, vector<1x16xf32>,
      %swap3A_139 = vector.shape_cast %swap3A_138 : vector<1x16xf32> to vector<16xf32>
      %swap3A_140 = vector.shape_cast %mul3A_135 : vector<16xf32> to vector<1x16xf32>
      tpu.vector_store %arg7[%swap3A_136, %swap3A_137], %swap3A_140 {strides = array<i32>} : memref<64x64xf32, #tpu.memory_space<vmem>>, vector<1x16xf32>,
      %add3A_141 = arith.constant 1 : i32
      %add3A_142 = arith.addi %mul3A_81, %add3A_141 : i32
      %add3A_143 = arith.constant 4 : i32
      %add3A_144 = arith.addi %add3A_142, %add3A_143 : i32
      %sub3A_145 = arith.constant 1 : i32
      %sub3A_146 = arith.subi %add3A_144, %sub3A_145 : i32
      %lt3A_147 = arith.constant 64 : i32
      %lt3A_148 = arith.cmpi slt, %sub3A_146, %lt3A_147 : i32
      %convert_element_type3A_149 = arith.extui %lt3A_148 : i1 to i32
      %cond3A_150 = arith.constant 0 : i32
      %cond3A_151 = arith.cmpi ne, %convert_element_type3A_149, %cond3A_150 : i32
      scf.if %cond3A_151 {
        %dma_start3A_339 = arith.constant 0 : i32
        %dma_start3A_340 = arith.constant 0 : i32
        %dma_start3A_341 = arith.constant 0 : i32
        %dma_start3A_342 = tpu.memref_slice %arg6[%dma_start3A_339, %dma_start3A_340, %dma_start3A_341] : memref<4x200x64xf32, #tpu.memory_space<vmem>> -> memref<1x128x64xf32, #tpu.memory_space<vmem>>
        %dma_start3A_343 = tpu.memref_squeeze %dma_start3A_342 : memref<1x128x64xf32, #tpu.memory_space<vmem>> -> memref<128x64xf32, #tpu.memory_space<vmem>>
        %dma_start3A_344 = arith.constant 0 : i32
        %dma_start3A_345 = tpu.memref_slice %arg5[%sub3A_146, %dma_start3A_344] : memref<64x200xi32, #tpu.memory_space<vmem>> -> memref<1x128xi32, #tpu.memory_space<vmem>>
        %dma_start3A_346 = tpu.memref_squeeze %dma_start3A_345 : memref<1x128xi32, #tpu.memory_space<vmem>> -> memref<128xi32, #tpu.memory_space<vmem>>
        %dma_start3A_347 = arith.constant 0 : i32
        %dma_start3A_348 = arith.constant 0 : i32
        %dma_start3A_349 = tpu.memref_slice %arg3[%dma_start3A_347, %dma_start3A_348] : memref<100000x64xf32, #tpu.memory_space<hbm>> -> memref<100000x64xf32, #tpu.memory_space<hbm>>
        tpu.enqueue_indirect_dma source(%dma_start3A_349 : memref<100000x64xf32, #tpu.memory_space<hbm>>) target(%dma_start3A_343 : memref<128x64xf32, #tpu.memory_space<vmem>>) offsets(%dma_start3A_346 : memref<128xi32, #tpu.memory_space<vmem>>) semaphore(%arg8 : memref<!tpu.dma_semaphore, #tpu.memory_space<semaphore_mem>>)
        %dma_start3A_350 = arith.constant 0 : i32
        %dma_start3A_351 = arith.constant 128 : i32
        %dma_start3A_352 = arith.constant 0 : i32
        %dma_start3A_353 = tpu.memref_slice %arg6[%dma_start3A_350, %dma_start3A_351, %dma_start3A_352] : memref<4x200x64xf32, #tpu.memory_space<vmem>> -> memref<1x72x64xf32, #tpu.memory_space<vmem>>
        %dma_start3A_354 = tpu.memref_squeeze %dma_start3A_353 : memref<1x72x64xf32, #tpu.memory_space<vmem>> -> memref<72x64xf32, #tpu.memory_space<vmem>>
        %dma_start3A_355 = arith.constant 128 : i32
        %dma_start3A_356 = tpu.memref_slice %arg5[%sub3A_146, %dma_start3A_355] : memref<64x200xi32, #tpu.memory_space<vmem>> -> memref<1x72xi32, #tpu.memory_space<vmem>>
        %dma_start3A_357 = tpu.memref_squeeze %dma_start3A_356 : memref<1x72xi32, #tpu.memory_space<vmem>> -> memref<72xi32, #tpu.memory_space<vmem>>
        %dma_start3A_358 = arith.constant 0 : i32
        %dma_start3A_359 = arith.constant 0 : i32
        %dma_start3A_360 = tpu.memref_slice %arg3[%dma_start3A_358, %dma_start3A_359] : memref<100000x64xf32, #tpu.memory_space<hbm>> -> memref<100000x64xf32, #tpu.memory_space<hbm>>
        tpu.enqueue_indirect_dma source(%dma_start3A_360 : memref<100000x64xf32, #tpu.memory_space<hbm>>) target(%dma_start3A_354 : memref<72x64xf32, #tpu.memory_space<vmem>>) offsets(%dma_start3A_357 : memref<72xi32, #tpu.memory_space<vmem>>) semaphore(%arg8 : memref<!tpu.dma_semaphore, #tpu.memory_space<semaphore_mem>>)
      } else {
      }
      %dma_wait3A_152 = arith.constant 1 : i32
      %dma_wait3A_153 = arith.constant 0 : i32
      %dma_wait3A_154 = arith.constant 0 : i32
      %dma_wait3A_155 = tpu.memref_slice %arg6[%dma_wait3A_152, %dma_wait3A_153, %dma_wait3A_154] : memref<4x200x64xf32, #tpu.memory_space<vmem>> -> memref<1x200x64xf32, #tpu.memory_space<vmem>>
      %dma_wait3A_156 = tpu.memref_squeeze %dma_wait3A_155 : memref<1x200x64xf32, #tpu.memory_space<vmem>> -> memref<200x64xf32, #tpu.memory_space<vmem>>
      %dma_wait3A_157 = arith.constant 0 : i32
      %dma_wait3A_158 = arith.constant 0 : i32
      %dma_wait3A_159 = tpu.memref_slice %arg3[%dma_wait3A_157, %dma_wait3A_158] : memref<100000x64xf32, #tpu.memory_space<hbm>> -> memref<200x64xf32, #tpu.memory_space<hbm>>
      %dma_wait3A_160 = arith.constant 0 : i32
      %dma_wait3A_161 = arith.constant 0 : i32
      %dma_wait3A_162 = tpu.memref_slice %arg6[%dma_wait3A_152, %dma_wait3A_160, %dma_wait3A_161] : memref<4x200x64xf32, #tpu.memory_space<vmem>> -> memref<1x200x64xf32, #tpu.memory_space<vmem>>
      %dma_wait3A_163 = tpu.memref_squeeze %dma_wait3A_162 : memref<1x200x64xf32, #tpu.memory_space<vmem>> -> memref<200x64xf32, #tpu.memory_space<vmem>>
      %dma_wait3A_164 = arith.constant 0 : i32
      %dma_wait3A_165 = arith.constant 0 : i32
      %dma_wait3A_166 = tpu.memref_slice %arg3[%dma_wait3A_164, %dma_wait3A_165] : memref<100000x64xf32, #tpu.memory_space<hbm>> -> memref<200x64xf32, #tpu.memory_space<hbm>>
      tpu.wait_dma2 semaphore(%arg9 : memref<!tpu.dma_semaphore, #tpu.memory_space<semaphore_mem>>) src(%dma_wait3A_166 : memref<200x64xf32, #tpu.memory_space<hbm>>) dst(%dma_wait3A_163 : memref<200x64xf32, #tpu.memory_space<vmem>>)
      %broadcast_in_dim3A_167 = arith.constant 0.000000e+00 : f32
      %broadcast_in_dim3A_168 = vector.broadcast %broadcast_in_dim3A_167 : f32 to vector<16xf32>
      %scan3A_169 = arith.constant 0 : i32
      %scan3A_170 = arith.constant 100 : i32
      %scan3A_171 = arith.addi %scan3A_169, %scan3A_170 : i32
      %scan3A_172 = arith.constant 1 : i32
      %scan3A_173:4 = scf.for %scan3A_339 = %scan3A_169 to %scan3A_171 step %scan3A_172 iter_args(%scan3A_340 = %broadcast_in_dim3A_168, %scan3A_341 = %broadcast_in_dim3A_168, %scan3A_342 = %broadcast_in_dim3A_168, %scan3A_343 = %broadcast_in_dim3A_168) -> (vector<16xf32>, vector<16xf32>, vector<16xf32>, vector<16xf32>)  : i32 {
        %mul3A_344 = arith.constant 2 : i32
        %mul3A_345 = arith.muli %mul3A_344, %scan3A_339 : i32
        %get3A = arith.constant 1 : i32
        %get3A_346 = arith.index_cast %get3A : i32 to index
        %get3A_347 = arith.index_cast %mul3A_345 : i32 to index
        %get3A_348 = arith.constant 0 : index
        %get3A_349 = tpu.vector_load %arg6[%get3A_346, %get3A_347, %get3A_348] {strides = array<i32>} : memref<4x200x64xf32, #tpu.memory_space<vmem>>, vector<1x1x16xf32>,
        %get3A_350 = vector.shape_cast %get3A_349 : vector<1x1x16xf32> to vector<16xf32>
        %add3A_351 = arith.addf %scan3A_340, %get3A_350 : vector<16xf32>
        %get3A_352 = arith.constant 1 : i32
        %get3A_353 = arith.index_cast %get3A_352 : i32 to index
        %get3A_354 = arith.index_cast %mul3A_345 : i32 to index
        %get3A_355 = arith.constant 16 : index
        %get3A_356 = tpu.vector_load %arg6[%get3A_353, %get3A_354, %get3A_355] {strides = array<i32>} : memref<4x200x64xf32, #tpu.memory_space<vmem>>, vector<1x1x16xf32>,
        %get3A_357 = vector.shape_cast %get3A_356 : vector<1x1x16xf32> to vector<16xf32>
        %add3A_358 = arith.addf %scan3A_341, %get3A_357 : vector<16xf32>
        %get3A_359 = arith.constant 1 : i32
        %get3A_360 = arith.index_cast %get3A_359 : i32 to index
        %get3A_361 = arith.index_cast %mul3A_345 : i32 to index
        %get3A_362 = arith.constant 32 : index
        %get3A_363 = tpu.vector_load %arg6[%get3A_360, %get3A_361, %get3A_362] {strides = array<i32>} : memref<4x200x64xf32, #tpu.memory_space<vmem>>, vector<1x1x16xf32>,
        %get3A_364 = vector.shape_cast %get3A_363 : vector<1x1x16xf32> to vector<16xf32>
        %add3A_365 = arith.addf %scan3A_342, %get3A_364 : vector<16xf32>
        %get3A_366 = arith.constant 1 : i32
        %get3A_367 = arith.index_cast %get3A_366 : i32 to index
        %get3A_368 = arith.index_cast %mul3A_345 : i32 to index
        %get3A_369 = arith.constant 48 : index
        %get3A_370 = tpu.vector_load %arg6[%get3A_367, %get3A_368, %get3A_369] {strides = array<i32>} : memref<4x200x64xf32, #tpu.memory_space<vmem>>, vector<1x1x16xf32>,
        %get3A_371 = vector.shape_cast %get3A_370 : vector<1x1x16xf32> to vector<16xf32>
        %add3A_372 = arith.addf %scan3A_343, %get3A_371 : vector<16xf32>
        %add3A_373 = arith.constant 1 : i32
        %add3A_374 = arith.addi %mul3A_345, %add3A_373 : i32
        %get3A_375 = arith.constant 1 : i32
        %get3A_376 = arith.index_cast %get3A_375 : i32 to index
        %get3A_377 = arith.index_cast %add3A_374 : i32 to index
        %get3A_378 = arith.constant 0 : index
        %get3A_379 = tpu.vector_load %arg6[%get3A_376, %get3A_377, %get3A_378] {strides = array<i32>} : memref<4x200x64xf32, #tpu.memory_space<vmem>>, vector<1x1x16xf32>,
        %get3A_380 = vector.shape_cast %get3A_379 : vector<1x1x16xf32> to vector<16xf32>
        %add3A_381 = arith.addf %add3A_351, %get3A_380 : vector<16xf32>
        %add3A_382 = arith.constant 1 : i32
        %add3A_383 = arith.addi %mul3A_345, %add3A_382 : i32
        %get3A_384 = arith.constant 1 : i32
        %get3A_385 = arith.index_cast %get3A_384 : i32 to index
        %get3A_386 = arith.index_cast %add3A_383 : i32 to index
        %get3A_387 = arith.constant 16 : index
        %get3A_388 = tpu.vector_load %arg6[%get3A_385, %get3A_386, %get3A_387] {strides = array<i32>} : memref<4x200x64xf32, #tpu.memory_space<vmem>>, vector<1x1x16xf32>,
        %get3A_389 = vector.shape_cast %get3A_388 : vector<1x1x16xf32> to vector<16xf32>
        %add3A_390 = arith.addf %add3A_358, %get3A_389 : vector<16xf32>
        %add3A_391 = arith.constant 1 : i32
        %add3A_392 = arith.addi %mul3A_345, %add3A_391 : i32
        %get3A_393 = arith.constant 1 : i32
        %get3A_394 = arith.index_cast %get3A_393 : i32 to index
        %get3A_395 = arith.index_cast %add3A_392 : i32 to index
        %get3A_396 = arith.constant 32 : index
        %get3A_397 = tpu.vector_load %arg6[%get3A_394, %get3A_395, %get3A_396] {strides = array<i32>} : memref<4x200x64xf32, #tpu.memory_space<vmem>>, vector<1x1x16xf32>,
        %get3A_398 = vector.shape_cast %get3A_397 : vector<1x1x16xf32> to vector<16xf32>
        %add3A_399 = arith.addf %add3A_365, %get3A_398 : vector<16xf32>
        %add3A_400 = arith.constant 1 : i32
        %add3A_401 = arith.addi %mul3A_345, %add3A_400 : i32
        %get3A_402 = arith.constant 1 : i32
        %get3A_403 = arith.index_cast %get3A_402 : i32 to index
        %get3A_404 = arith.index_cast %add3A_401 : i32 to index
        %get3A_405 = arith.constant 48 : index
        %get3A_406 = tpu.vector_load %arg6[%get3A_403, %get3A_404, %get3A_405] {strides = array<i32>} : memref<4x200x64xf32, #tpu.memory_space<vmem>>, vector<1x1x16xf32>,
        %get3A_407 = vector.shape_cast %get3A_406 : vector<1x1x16xf32> to vector<16xf32>
        %add3A_408 = arith.addf %add3A_372, %get3A_407 : vector<16xf32>
        scf.yield %add3A_381, %add3A_390, %add3A_399, %add3A_408 : vector<16xf32>, vector<16xf32>, vector<16xf32>, vector<16xf32>
      }
      %scan3A_174 = arith.constant 100 : i32
      %mul3A_175 = arith.constant 5.000000e-03 : f32
      %mul3A_176 = vector.broadcast %mul3A_175 : f32 to vector<16xf32>
      %mul3A_177 = arith.mulf %scan3A_173#0, %mul3A_176 : vector<16xf32>
      %swap3A_178 = arith.index_cast %add3A_142 : i32 to index
      %swap3A_179 = arith.constant 0 : index
      %swap3A_180 = tpu.vector_load %arg7[%swap3A_178, %swap3A_179] {strides = array<i32>} : memref<64x64xf32, #tpu.memory_space<vmem>>, vector<1x16xf32>,
      %swap3A_181 = vector.shape_cast %swap3A_180 : vector<1x16xf32> to vector<16xf32>
      %swap3A_182 = vector.shape_cast %mul3A_177 : vector<16xf32> to vector<1x16xf32>
      tpu.vector_store %arg7[%swap3A_178, %swap3A_179], %swap3A_182 {strides = array<i32>} : memref<64x64xf32, #tpu.memory_space<vmem>>, vector<1x16xf32>,
      %mul3A_183 = arith.constant 5.000000e-03 : f32
      %mul3A_184 = vector.broadcast %mul3A_183 : f32 to vector<16xf32>
      %mul3A_185 = arith.mulf %scan3A_173#1, %mul3A_184 : vector<16xf32>
      %swap3A_186 = arith.index_cast %add3A_142 : i32 to index
      %swap3A_187 = arith.constant 16 : index
      %swap3A_188 = tpu.vector_load %arg7[%swap3A_186, %swap3A_187] {strides = array<i32>} : memref<64x64xf32, #tpu.memory_space<vmem>>, vector<1x16xf32>,
      %swap3A_189 = vector.shape_cast %swap3A_188 : vector<1x16xf32> to vector<16xf32>
      %swap3A_190 = vector.shape_cast %mul3A_185 : vector<16xf32> to vector<1x16xf32>
      tpu.vector_store %arg7[%swap3A_186, %swap3A_187], %swap3A_190 {strides = array<i32>} : memref<64x64xf32, #tpu.memory_space<vmem>>, vector<1x16xf32>,
      %mul3A_191 = arith.constant 5.000000e-03 : f32
      %mul3A_192 = vector.broadcast %mul3A_191 : f32 to vector<16xf32>
      %mul3A_193 = arith.mulf %scan3A_173#2, %mul3A_192 : vector<16xf32>
      %swap3A_194 = arith.index_cast %add3A_142 : i32 to index
      %swap3A_195 = arith.constant 32 : index
      %swap3A_196 = tpu.vector_load %arg7[%swap3A_194, %swap3A_195] {strides = array<i32>} : memref<64x64xf32, #tpu.memory_space<vmem>>, vector<1x16xf32>,
      %swap3A_197 = vector.shape_cast %swap3A_196 : vector<1x16xf32> to vector<16xf32>
      %swap3A_198 = vector.shape_cast %mul3A_193 : vector<16xf32> to vector<1x16xf32>
      tpu.vector_store %arg7[%swap3A_194, %swap3A_195], %swap3A_198 {strides = array<i32>} : memref<64x64xf32, #tpu.memory_space<vmem>>, vector<1x16xf32>,
      %mul3A_199 = arith.constant 5.000000e-03 : f32
      %mul3A_200 = vector.broadcast %mul3A_199 : f32 to vector<16xf32>
      %mul3A_201 = arith.mulf %scan3A_173#3, %mul3A_200 : vector<16xf32>
      %swap3A_202 = arith.index_cast %add3A_142 : i32 to index
      %swap3A_203 = arith.constant 48 : index
      %swap3A_204 = tpu.vector_load %arg7[%swap3A_202, %swap3A_203] {strides = array<i32>} : memref<64x64xf32, #tpu.memory_space<vmem>>, vector<1x16xf32>,
      %swap3A_205 = vector.shape_cast %swap3A_204 : vector<1x16xf32> to vector<16xf32>
      %swap3A_206 = vector.shape_cast %mul3A_201 : vector<16xf32> to vector<1x16xf32>
      tpu.vector_store %arg7[%swap3A_202, %swap3A_203], %swap3A_206 {strides = array<i32>} : memref<64x64xf32, #tpu.memory_space<vmem>>, vector<1x16xf32>,
      %add3A_207 = arith.constant 2 : i32
      %add3A_208 = arith.addi %mul3A_81, %add3A_207 : i32
      %add3A_209 = arith.constant 4 : i32
      %add3A_210 = arith.addi %add3A_208, %add3A_209 : i32
      %sub3A_211 = arith.constant 1 : i32
      %sub3A_212 = arith.subi %add3A_210, %sub3A_211 : i32
      %lt3A_213 = arith.constant 64 : i32
      %lt3A_214 = arith.cmpi slt, %sub3A_212, %lt3A_213 : i32
      %convert_element_type3A_215 = arith.extui %lt3A_214 : i1 to i32
      %cond3A_216 = arith.constant 0 : i32
      %cond3A_217 = arith.cmpi ne, %convert_element_type3A_215, %cond3A_216 : i32
      scf.if %cond3A_217 {
        %dma_start3A_339 = arith.constant 1 : i32
        %dma_start3A_340 = arith.constant 0 : i32
        %dma_start3A_341 = arith.constant 0 : i32
        %dma_start3A_342 = tpu.memref_slice %arg6[%dma_start3A_339, %dma_start3A_340, %dma_start3A_341] : memref<4x200x64xf32, #tpu.memory_space<vmem>> -> memref<1x128x64xf32, #tpu.memory_space<vmem>>
        %dma_start3A_343 = tpu.memref_squeeze %dma_start3A_342 : memref<1x128x64xf32, #tpu.memory_space<vmem>> -> memref<128x64xf32, #tpu.memory_space<vmem>>
        %dma_start3A_344 = arith.constant 0 : i32
        %dma_start3A_345 = tpu.memref_slice %arg5[%sub3A_212, %dma_start3A_344] : memref<64x200xi32, #tpu.memory_space<vmem>> -> memref<1x128xi32, #tpu.memory_space<vmem>>
        %dma_start3A_346 = tpu.memref_squeeze %dma_start3A_345 : memref<1x128xi32, #tpu.memory_space<vmem>> -> memref<128xi32, #tpu.memory_space<vmem>>
        %dma_start3A_347 = arith.constant 0 : i32
        %dma_start3A_348 = arith.constant 0 : i32
        %dma_start3A_349 = tpu.memref_slice %arg3[%dma_start3A_347, %dma_start3A_348] : memref<100000x64xf32, #tpu.memory_space<hbm>> -> memref<100000x64xf32, #tpu.memory_space<hbm>>
        tpu.enqueue_indirect_dma source(%dma_start3A_349 : memref<100000x64xf32, #tpu.memory_space<hbm>>) target(%dma_start3A_343 : memref<128x64xf32, #tpu.memory_space<vmem>>) offsets(%dma_start3A_346 : memref<128xi32, #tpu.memory_space<vmem>>) semaphore(%arg9 : memref<!tpu.dma_semaphore, #tpu.memory_space<semaphore_mem>>)
        %dma_start3A_350 = arith.constant 1 : i32
        %dma_start3A_351 = arith.constant 128 : i32
        %dma_start3A_352 = arith.constant 0 : i32
        %dma_start3A_353 = tpu.memref_slice %arg6[%dma_start3A_350, %dma_start3A_351, %dma_start3A_352] : memref<4x200x64xf32, #tpu.memory_space<vmem>> -> memref<1x72x64xf32, #tpu.memory_space<vmem>>
        %dma_start3A_354 = tpu.memref_squeeze %dma_start3A_353 : memref<1x72x64xf32, #tpu.memory_space<vmem>> -> memref<72x64xf32, #tpu.memory_space<vmem>>
        %dma_start3A_355 = arith.constant 128 : i32
        %dma_start3A_356 = tpu.memref_slice %arg5[%sub3A_212, %dma_start3A_355] : memref<64x200xi32, #tpu.memory_space<vmem>> -> memref<1x72xi32, #tpu.memory_space<vmem>>
        %dma_start3A_357 = tpu.memref_squeeze %dma_start3A_356 : memref<1x72xi32, #tpu.memory_space<vmem>> -> memref<72xi32, #tpu.memory_space<vmem>>
        %dma_start3A_358 = arith.constant 0 : i32
        %dma_start3A_359 = arith.constant 0 : i32
        %dma_start3A_360 = tpu.memref_slice %arg3[%dma_start3A_358, %dma_start3A_359] : memref<100000x64xf32, #tpu.memory_space<hbm>> -> memref<100000x64xf32, #tpu.memory_space<hbm>>
        tpu.enqueue_indirect_dma source(%dma_start3A_360 : memref<100000x64xf32, #tpu.memory_space<hbm>>) target(%dma_start3A_354 : memref<72x64xf32, #tpu.memory_space<vmem>>) offsets(%dma_start3A_357 : memref<72xi32, #tpu.memory_space<vmem>>) semaphore(%arg9 : memref<!tpu.dma_semaphore, #tpu.memory_space<semaphore_mem>>)
      } else {
      }
      %dma_wait3A_218 = arith.constant 2 : i32
      %dma_wait3A_219 = arith.constant 0 : i32
      %dma_wait3A_220 = arith.constant 0 : i32
      %dma_wait3A_221 = tpu.memref_slice %arg6[%dma_wait3A_218, %dma_wait3A_219, %dma_wait3A_220] : memref<4x200x64xf32, #tpu.memory_space<vmem>> -> memref<1x200x64xf32, #tpu.memory_space<vmem>>
      %dma_wait3A_222 = tpu.memref_squeeze %dma_wait3A_221 : memref<1x200x64xf32, #tpu.memory_space<vmem>> -> memref<200x64xf32, #tpu.memory_space<vmem>>
      %dma_wait3A_223 = arith.constant 0 : i32
      %dma_wait3A_224 = arith.constant 0 : i32
      %dma_wait3A_225 = tpu.memref_slice %arg3[%dma_wait3A_223, %dma_wait3A_224] : memref<100000x64xf32, #tpu.memory_space<hbm>> -> memref<200x64xf32, #tpu.memory_space<hbm>>
      %dma_wait3A_226 = arith.constant 0 : i32
      %dma_wait3A_227 = arith.constant 0 : i32
      %dma_wait3A_228 = tpu.memref_slice %arg6[%dma_wait3A_218, %dma_wait3A_226, %dma_wait3A_227] : memref<4x200x64xf32, #tpu.memory_space<vmem>> -> memref<1x200x64xf32, #tpu.memory_space<vmem>>
      %dma_wait3A_229 = tpu.memref_squeeze %dma_wait3A_228 : memref<1x200x64xf32, #tpu.memory_space<vmem>> -> memref<200x64xf32, #tpu.memory_space<vmem>>
      %dma_wait3A_230 = arith.constant 0 : i32
      %dma_wait3A_231 = arith.constant 0 : i32
      %dma_wait3A_232 = tpu.memref_slice %arg3[%dma_wait3A_230, %dma_wait3A_231] : memref<100000x64xf32, #tpu.memory_space<hbm>> -> memref<200x64xf32, #tpu.memory_space<hbm>>
      tpu.wait_dma2 semaphore(%arg10 : memref<!tpu.dma_semaphore, #tpu.memory_space<semaphore_mem>>) src(%dma_wait3A_232 : memref<200x64xf32, #tpu.memory_space<hbm>>) dst(%dma_wait3A_229 : memref<200x64xf32, #tpu.memory_space<vmem>>)
      %broadcast_in_dim3A_233 = arith.constant 0.000000e+00 : f32
      %broadcast_in_dim3A_234 = vector.broadcast %broadcast_in_dim3A_233 : f32 to vector<16xf32>
      %scan3A_235 = arith.constant 0 : i32
      %scan3A_236 = arith.constant 100 : i32
      %scan3A_237 = arith.addi %scan3A_235, %scan3A_236 : i32
      %scan3A_238 = arith.constant 1 : i32
      %scan3A_239:4 = scf.for %scan3A_339 = %scan3A_235 to %scan3A_237 step %scan3A_238 iter_args(%scan3A_340 = %broadcast_in_dim3A_234, %scan3A_341 = %broadcast_in_dim3A_234, %scan3A_342 = %broadcast_in_dim3A_234, %scan3A_343 = %broadcast_in_dim3A_234) -> (vector<16xf32>, vector<16xf32>, vector<16xf32>, vector<16xf32>)  : i32 {
        %mul3A_344 = arith.constant 2 : i32
        %mul3A_345 = arith.muli %mul3A_344, %scan3A_339 : i32
        %get3A = arith.constant 2 : i32
        %get3A_346 = arith.index_cast %get3A : i32 to index
        %get3A_347 = arith.index_cast %mul3A_345 : i32 to index
        %get3A_348 = arith.constant 0 : index
        %get3A_349 = tpu.vector_load %arg6[%get3A_346, %get3A_347, %get3A_348] {strides = array<i32>} : memref<4x200x64xf32, #tpu.memory_space<vmem>>, vector<1x1x16xf32>,
        %get3A_350 = vector.shape_cast %get3A_349 : vector<1x1x16xf32> to vector<16xf32>
        %add3A_351 = arith.addf %scan3A_340, %get3A_350 : vector<16xf32>
        %get3A_352 = arith.constant 2 : i32
        %get3A_353 = arith.index_cast %get3A_352 : i32 to index
        %get3A_354 = arith.index_cast %mul3A_345 : i32 to index
        %get3A_355 = arith.constant 16 : index
        %get3A_356 = tpu.vector_load %arg6[%get3A_353, %get3A_354, %get3A_355] {strides = array<i32>} : memref<4x200x64xf32, #tpu.memory_space<vmem>>, vector<1x1x16xf32>,
        %get3A_357 = vector.shape_cast %get3A_356 : vector<1x1x16xf32> to vector<16xf32>
        %add3A_358 = arith.addf %scan3A_341, %get3A_357 : vector<16xf32>
        %get3A_359 = arith.constant 2 : i32
        %get3A_360 = arith.index_cast %get3A_359 : i32 to index
        %get3A_361 = arith.index_cast %mul3A_345 : i32 to index
        %get3A_362 = arith.constant 32 : index
        %get3A_363 = tpu.vector_load %arg6[%get3A_360, %get3A_361, %get3A_362] {strides = array<i32>} : memref<4x200x64xf32, #tpu.memory_space<vmem>>, vector<1x1x16xf32>,
        %get3A_364 = vector.shape_cast %get3A_363 : vector<1x1x16xf32> to vector<16xf32>
        %add3A_365 = arith.addf %scan3A_342, %get3A_364 : vector<16xf32>
        %get3A_366 = arith.constant 2 : i32
        %get3A_367 = arith.index_cast %get3A_366 : i32 to index
        %get3A_368 = arith.index_cast %mul3A_345 : i32 to index
        %get3A_369 = arith.constant 48 : index
        %get3A_370 = tpu.vector_load %arg6[%get3A_367, %get3A_368, %get3A_369] {strides = array<i32>} : memref<4x200x64xf32, #tpu.memory_space<vmem>>, vector<1x1x16xf32>,
        %get3A_371 = vector.shape_cast %get3A_370 : vector<1x1x16xf32> to vector<16xf32>
        %add3A_372 = arith.addf %scan3A_343, %get3A_371 : vector<16xf32>
        %add3A_373 = arith.constant 1 : i32
        %add3A_374 = arith.addi %mul3A_345, %add3A_373 : i32
        %get3A_375 = arith.constant 2 : i32
        %get3A_376 = arith.index_cast %get3A_375 : i32 to index
        %get3A_377 = arith.index_cast %add3A_374 : i32 to index
        %get3A_378 = arith.constant 0 : index
        %get3A_379 = tpu.vector_load %arg6[%get3A_376, %get3A_377, %get3A_378] {strides = array<i32>} : memref<4x200x64xf32, #tpu.memory_space<vmem>>, vector<1x1x16xf32>,
        %get3A_380 = vector.shape_cast %get3A_379 : vector<1x1x16xf32> to vector<16xf32>
        %add3A_381 = arith.addf %add3A_351, %get3A_380 : vector<16xf32>
        %add3A_382 = arith.constant 1 : i32
        %add3A_383 = arith.addi %mul3A_345, %add3A_382 : i32
        %get3A_384 = arith.constant 2 : i32
        %get3A_385 = arith.index_cast %get3A_384 : i32 to index
        %get3A_386 = arith.index_cast %add3A_383 : i32 to index
        %get3A_387 = arith.constant 16 : index
        %get3A_388 = tpu.vector_load %arg6[%get3A_385, %get3A_386, %get3A_387] {strides = array<i32>} : memref<4x200x64xf32, #tpu.memory_space<vmem>>, vector<1x1x16xf32>,
        %get3A_389 = vector.shape_cast %get3A_388 : vector<1x1x16xf32> to vector<16xf32>
        %add3A_390 = arith.addf %add3A_358, %get3A_389 : vector<16xf32>
        %add3A_391 = arith.constant 1 : i32
        %add3A_392 = arith.addi %mul3A_345, %add3A_391 : i32
        %get3A_393 = arith.constant 2 : i32
        %get3A_394 = arith.index_cast %get3A_393 : i32 to index
        %get3A_395 = arith.index_cast %add3A_392 : i32 to index
        %get3A_396 = arith.constant 32 : index
        %get3A_397 = tpu.vector_load %arg6[%get3A_394, %get3A_395, %get3A_396] {strides = array<i32>} : memref<4x200x64xf32, #tpu.memory_space<vmem>>, vector<1x1x16xf32>,
        %get3A_398 = vector.shape_cast %get3A_397 : vector<1x1x16xf32> to vector<16xf32>
        %add3A_399 = arith.addf %add3A_365, %get3A_398 : vector<16xf32>
        %add3A_400 = arith.constant 1 : i32
        %add3A_401 = arith.addi %mul3A_345, %add3A_400 : i32
        %get3A_402 = arith.constant 2 : i32
        %get3A_403 = arith.index_cast %get3A_402 : i32 to index
        %get3A_404 = arith.index_cast %add3A_401 : i32 to index
        %get3A_405 = arith.constant 48 : index
        %get3A_406 = tpu.vector_load %arg6[%get3A_403, %get3A_404, %get3A_405] {strides = array<i32>} : memref<4x200x64xf32, #tpu.memory_space<vmem>>, vector<1x1x16xf32>,
        %get3A_407 = vector.shape_cast %get3A_406 : vector<1x1x16xf32> to vector<16xf32>
        %add3A_408 = arith.addf %add3A_372, %get3A_407 : vector<16xf32>
        scf.yield %add3A_381, %add3A_390, %add3A_399, %add3A_408 : vector<16xf32>, vector<16xf32>, vector<16xf32>, vector<16xf32>
      }
      %scan3A_240 = arith.constant 100 : i32
      %mul3A_241 = arith.constant 5.000000e-03 : f32
      %mul3A_242 = vector.broadcast %mul3A_241 : f32 to vector<16xf32>
      %mul3A_243 = arith.mulf %scan3A_239#0, %mul3A_242 : vector<16xf32>
      %swap3A_244 = arith.index_cast %add3A_208 : i32 to index
      %swap3A_245 = arith.constant 0 : index
      %swap3A_246 = tpu.vector_load %arg7[%swap3A_244, %swap3A_245] {strides = array<i32>} : memref<64x64xf32, #tpu.memory_space<vmem>>, vector<1x16xf32>,
      %swap3A_247 = vector.shape_cast %swap3A_246 : vector<1x16xf32> to vector<16xf32>
      %swap3A_248 = vector.shape_cast %mul3A_243 : vector<16xf32> to vector<1x16xf32>
      tpu.vector_store %arg7[%swap3A_244, %swap3A_245], %swap3A_248 {strides = array<i32>} : memref<64x64xf32, #tpu.memory_space<vmem>>, vector<1x16xf32>,
      %mul3A_249 = arith.constant 5.000000e-03 : f32
      %mul3A_250 = vector.broadcast %mul3A_249 : f32 to vector<16xf32>
      %mul3A_251 = arith.mulf %scan3A_239#1, %mul3A_250 : vector<16xf32>
      %swap3A_252 = arith.index_cast %add3A_208 : i32 to index
      %swap3A_253 = arith.constant 16 : index
      %swap3A_254 = tpu.vector_load %arg7[%swap3A_252, %swap3A_253] {strides = array<i32>} : memref<64x64xf32, #tpu.memory_space<vmem>>, vector<1x16xf32>,
      %swap3A_255 = vector.shape_cast %swap3A_254 : vector<1x16xf32> to vector<16xf32>
      %swap3A_256 = vector.shape_cast %mul3A_251 : vector<16xf32> to vector<1x16xf32>
      tpu.vector_store %arg7[%swap3A_252, %swap3A_253], %swap3A_256 {strides = array<i32>} : memref<64x64xf32, #tpu.memory_space<vmem>>, vector<1x16xf32>,
      %mul3A_257 = arith.constant 5.000000e-03 : f32
      %mul3A_258 = vector.broadcast %mul3A_257 : f32 to vector<16xf32>
      %mul3A_259 = arith.mulf %scan3A_239#2, %mul3A_258 : vector<16xf32>
      %swap3A_260 = arith.index_cast %add3A_208 : i32 to index
      %swap3A_261 = arith.constant 32 : index
      %swap3A_262 = tpu.vector_load %arg7[%swap3A_260, %swap3A_261] {strides = array<i32>} : memref<64x64xf32, #tpu.memory_space<vmem>>, vector<1x16xf32>,
      %swap3A_263 = vector.shape_cast %swap3A_262 : vector<1x16xf32> to vector<16xf32>
      %swap3A_264 = vector.shape_cast %mul3A_259 : vector<16xf32> to vector<1x16xf32>
      tpu.vector_store %arg7[%swap3A_260, %swap3A_261], %swap3A_264 {strides = array<i32>} : memref<64x64xf32, #tpu.memory_space<vmem>>, vector<1x16xf32>,
      %mul3A_265 = arith.constant 5.000000e-03 : f32
      %mul3A_266 = vector.broadcast %mul3A_265 : f32 to vector<16xf32>
      %mul3A_267 = arith.mulf %scan3A_239#3, %mul3A_266 : vector<16xf32>
      %swap3A_268 = arith.index_cast %add3A_208 : i32 to index
      %swap3A_269 = arith.constant 48 : index
      %swap3A_270 = tpu.vector_load %arg7[%swap3A_268, %swap3A_269] {strides = array<i32>} : memref<64x64xf32, #tpu.memory_space<vmem>>, vector<1x16xf32>,
      %swap3A_271 = vector.shape_cast %swap3A_270 : vector<1x16xf32> to vector<16xf32>
      %swap3A_272 = vector.shape_cast %mul3A_267 : vector<16xf32> to vector<1x16xf32>
      tpu.vector_store %arg7[%swap3A_268, %swap3A_269], %swap3A_272 {strides = array<i32>} : memref<64x64xf32, #tpu.memory_space<vmem>>, vector<1x16xf32>,
      %add3A_273 = arith.constant 3 : i32
      %add3A_274 = arith.addi %mul3A_81, %add3A_273 : i32
      %add3A_275 = arith.constant 4 : i32
      %add3A_276 = arith.addi %add3A_274, %add3A_275 : i32
      %sub3A_277 = arith.constant 1 : i32
      %sub3A_278 = arith.subi %add3A_276, %sub3A_277 : i32
      %lt3A_279 = arith.constant 64 : i32
      %lt3A_280 = arith.cmpi slt, %sub3A_278, %lt3A_279 : i32
      %convert_element_type3A_281 = arith.extui %lt3A_280 : i1 to i32
      %cond3A_282 = arith.constant 0 : i32
      %cond3A_283 = arith.cmpi ne, %convert_element_type3A_281, %cond3A_282 : i32
      scf.if %cond3A_283 {
        %dma_start3A_339 = arith.constant 2 : i32
        %dma_start3A_340 = arith.constant 0 : i32
        %dma_start3A_341 = arith.constant 0 : i32
        %dma_start3A_342 = tpu.memref_slice %arg6[%dma_start3A_339, %dma_start3A_340, %dma_start3A_341] : memref<4x200x64xf32, #tpu.memory_space<vmem>> -> memref<1x128x64xf32, #tpu.memory_space<vmem>>
        %dma_start3A_343 = tpu.memref_squeeze %dma_start3A_342 : memref<1x128x64xf32, #tpu.memory_space<vmem>> -> memref<128x64xf32, #tpu.memory_space<vmem>>
        %dma_start3A_344 = arith.constant 0 : i32
        %dma_start3A_345 = tpu.memref_slice %arg5[%sub3A_278, %dma_start3A_344] : memref<64x200xi32, #tpu.memory_space<vmem>> -> memref<1x128xi32, #tpu.memory_space<vmem>>
        %dma_start3A_346 = tpu.memref_squeeze %dma_start3A_345 : memref<1x128xi32, #tpu.memory_space<vmem>> -> memref<128xi32, #tpu.memory_space<vmem>>
        %dma_start3A_347 = arith.constant 0 : i32
        %dma_start3A_348 = arith.constant 0 : i32
        %dma_start3A_349 = tpu.memref_slice %arg3[%dma_start3A_347, %dma_start3A_348] : memref<100000x64xf32, #tpu.memory_space<hbm>> -> memref<100000x64xf32, #tpu.memory_space<hbm>>
        tpu.enqueue_indirect_dma source(%dma_start3A_349 : memref<100000x64xf32, #tpu.memory_space<hbm>>) target(%dma_start3A_343 : memref<128x64xf32, #tpu.memory_space<vmem>>) offsets(%dma_start3A_346 : memref<128xi32, #tpu.memory_space<vmem>>) semaphore(%arg10 : memref<!tpu.dma_semaphore, #tpu.memory_space<semaphore_mem>>)
        %dma_start3A_350 = arith.constant 2 : i32
        %dma_start3A_351 = arith.constant 128 : i32
        %dma_start3A_352 = arith.constant 0 : i32
        %dma_start3A_353 = tpu.memref_slice %arg6[%dma_start3A_350, %dma_start3A_351, %dma_start3A_352] : memref<4x200x64xf32, #tpu.memory_space<vmem>> -> memref<1x72x64xf32, #tpu.memory_space<vmem>>
        %dma_start3A_354 = tpu.memref_squeeze %dma_start3A_353 : memref<1x72x64xf32, #tpu.memory_space<vmem>> -> memref<72x64xf32, #tpu.memory_space<vmem>>
        %dma_start3A_355 = arith.constant 128 : i32
        %dma_start3A_356 = tpu.memref_slice %arg5[%sub3A_278, %dma_start3A_355] : memref<64x200xi32, #tpu.memory_space<vmem>> -> memref<1x72xi32, #tpu.memory_space<vmem>>
        %dma_start3A_357 = tpu.memref_squeeze %dma_start3A_356 : memref<1x72xi32, #tpu.memory_space<vmem>> -> memref<72xi32, #tpu.memory_space<vmem>>
        %dma_start3A_358 = arith.constant 0 : i32
        %dma_start3A_359 = arith.constant 0 : i32
        %dma_start3A_360 = tpu.memref_slice %arg3[%dma_start3A_358, %dma_start3A_359] : memref<100000x64xf32, #tpu.memory_space<hbm>> -> memref<100000x64xf32, #tpu.memory_space<hbm>>
        tpu.enqueue_indirect_dma source(%dma_start3A_360 : memref<100000x64xf32, #tpu.memory_space<hbm>>) target(%dma_start3A_354 : memref<72x64xf32, #tpu.memory_space<vmem>>) offsets(%dma_start3A_357 : memref<72xi32, #tpu.memory_space<vmem>>) semaphore(%arg10 : memref<!tpu.dma_semaphore, #tpu.memory_space<semaphore_mem>>)
      } else {
      }
      %dma_wait3A_284 = arith.constant 3 : i32
      %dma_wait3A_285 = arith.constant 0 : i32
      %dma_wait3A_286 = arith.constant 0 : i32
      %dma_wait3A_287 = tpu.memref_slice %arg6[%dma_wait3A_284, %dma_wait3A_285, %dma_wait3A_286] : memref<4x200x64xf32, #tpu.memory_space<vmem>> -> memref<1x200x64xf32, #tpu.memory_space<vmem>>
      %dma_wait3A_288 = tpu.memref_squeeze %dma_wait3A_287 : memref<1x200x64xf32, #tpu.memory_space<vmem>> -> memref<200x64xf32, #tpu.memory_space<vmem>>
      %dma_wait3A_289 = arith.constant 0 : i32
      %dma_wait3A_290 = arith.constant 0 : i32
      %dma_wait3A_291 = tpu.memref_slice %arg3[%dma_wait3A_289, %dma_wait3A_290] : memref<100000x64xf32, #tpu.memory_space<hbm>> -> memref<200x64xf32, #tpu.memory_space<hbm>>
      %dma_wait3A_292 = arith.constant 0 : i32
      %dma_wait3A_293 = arith.constant 0 : i32
      %dma_wait3A_294 = tpu.memref_slice %arg6[%dma_wait3A_284, %dma_wait3A_292, %dma_wait3A_293] : memref<4x200x64xf32, #tpu.memory_space<vmem>> -> memref<1x200x64xf32, #tpu.memory_space<vmem>>
      %dma_wait3A_295 = tpu.memref_squeeze %dma_wait3A_294 : memref<1x200x64xf32, #tpu.memory_space<vmem>> -> memref<200x64xf32, #tpu.memory_space<vmem>>
      %dma_wait3A_296 = arith.constant 0 : i32
      %dma_wait3A_297 = arith.constant 0 : i32
      %dma_wait3A_298 = tpu.memref_slice %arg3[%dma_wait3A_296, %dma_wait3A_297] : memref<100000x64xf32, #tpu.memory_space<hbm>> -> memref<200x64xf32, #tpu.memory_space<hbm>>
      tpu.wait_dma2 semaphore(%arg11 : memref<!tpu.dma_semaphore, #tpu.memory_space<semaphore_mem>>) src(%dma_wait3A_298 : memref<200x64xf32, #tpu.memory_space<hbm>>) dst(%dma_wait3A_295 : memref<200x64xf32, #tpu.memory_space<vmem>>)
      %broadcast_in_dim3A_299 = arith.constant 0.000000e+00 : f32
      %broadcast_in_dim3A_300 = vector.broadcast %broadcast_in_dim3A_299 : f32 to vector<16xf32>
      %scan3A_301 = arith.constant 0 : i32
      %scan3A_302 = arith.constant 100 : i32
      %scan3A_303 = arith.addi %scan3A_301, %scan3A_302 : i32
      %scan3A_304 = arith.constant 1 : i32
      %scan3A_305:4 = scf.for %scan3A_339 = %scan3A_301 to %scan3A_303 step %scan3A_304 iter_args(%scan3A_340 = %broadcast_in_dim3A_300, %scan3A_341 = %broadcast_in_dim3A_300, %scan3A_342 = %broadcast_in_dim3A_300, %scan3A_343 = %broadcast_in_dim3A_300) -> (vector<16xf32>, vector<16xf32>, vector<16xf32>, vector<16xf32>)  : i32 {
        %mul3A_344 = arith.constant 2 : i32
        %mul3A_345 = arith.muli %mul3A_344, %scan3A_339 : i32
        %get3A = arith.constant 3 : i32
        %get3A_346 = arith.index_cast %get3A : i32 to index
        %get3A_347 = arith.index_cast %mul3A_345 : i32 to index
        %get3A_348 = arith.constant 0 : index
        %get3A_349 = tpu.vector_load %arg6[%get3A_346, %get3A_347, %get3A_348] {strides = array<i32>} : memref<4x200x64xf32, #tpu.memory_space<vmem>>, vector<1x1x16xf32>,
        %get3A_350 = vector.shape_cast %get3A_349 : vector<1x1x16xf32> to vector<16xf32>
        %add3A_351 = arith.addf %scan3A_340, %get3A_350 : vector<16xf32>
        %get3A_352 = arith.constant 3 : i32
        %get3A_353 = arith.index_cast %get3A_352 : i32 to index
        %get3A_354 = arith.index_cast %mul3A_345 : i32 to index
        %get3A_355 = arith.constant 16 : index
        %get3A_356 = tpu.vector_load %arg6[%get3A_353, %get3A_354, %get3A_355] {strides = array<i32>} : memref<4x200x64xf32, #tpu.memory_space<vmem>>, vector<1x1x16xf32>,
        %get3A_357 = vector.shape_cast %get3A_356 : vector<1x1x16xf32> to vector<16xf32>
        %add3A_358 = arith.addf %scan3A_341, %get3A_357 : vector<16xf32>
        %get3A_359 = arith.constant 3 : i32
        %get3A_360 = arith.index_cast %get3A_359 : i32 to index
        %get3A_361 = arith.index_cast %mul3A_345 : i32 to index
        %get3A_362 = arith.constant 32 : index
        %get3A_363 = tpu.vector_load %arg6[%get3A_360, %get3A_361, %get3A_362] {strides = array<i32>} : memref<4x200x64xf32, #tpu.memory_space<vmem>>, vector<1x1x16xf32>,
        %get3A_364 = vector.shape_cast %get3A_363 : vector<1x1x16xf32> to vector<16xf32>
        %add3A_365 = arith.addf %scan3A_342, %get3A_364 : vector<16xf32>
        %get3A_366 = arith.constant 3 : i32
        %get3A_367 = arith.index_cast %get3A_366 : i32 to index
        %get3A_368 = arith.index_cast %mul3A_345 : i32 to index
        %get3A_369 = arith.constant 48 : index
        %get3A_370 = tpu.vector_load %arg6[%get3A_367, %get3A_368, %get3A_369] {strides = array<i32>} : memref<4x200x64xf32, #tpu.memory_space<vmem>>, vector<1x1x16xf32>,
        %get3A_371 = vector.shape_cast %get3A_370 : vector<1x1x16xf32> to vector<16xf32>
        %add3A_372 = arith.addf %scan3A_343, %get3A_371 : vector<16xf32>
        %add3A_373 = arith.constant 1 : i32
        %add3A_374 = arith.addi %mul3A_345, %add3A_373 : i32
        %get3A_375 = arith.constant 3 : i32
        %get3A_376 = arith.index_cast %get3A_375 : i32 to index
        %get3A_377 = arith.index_cast %add3A_374 : i32 to index
        %get3A_378 = arith.constant 0 : index
        %get3A_379 = tpu.vector_load %arg6[%get3A_376, %get3A_377, %get3A_378] {strides = array<i32>} : memref<4x200x64xf32, #tpu.memory_space<vmem>>, vector<1x1x16xf32>,
        %get3A_380 = vector.shape_cast %get3A_379 : vector<1x1x16xf32> to vector<16xf32>
        %add3A_381 = arith.addf %add3A_351, %get3A_380 : vector<16xf32>
        %add3A_382 = arith.constant 1 : i32
        %add3A_383 = arith.addi %mul3A_345, %add3A_382 : i32
        %get3A_384 = arith.constant 3 : i32
        %get3A_385 = arith.index_cast %get3A_384 : i32 to index
        %get3A_386 = arith.index_cast %add3A_383 : i32 to index
        %get3A_387 = arith.constant 16 : index
        %get3A_388 = tpu.vector_load %arg6[%get3A_385, %get3A_386, %get3A_387] {strides = array<i32>} : memref<4x200x64xf32, #tpu.memory_space<vmem>>, vector<1x1x16xf32>,
        %get3A_389 = vector.shape_cast %get3A_388 : vector<1x1x16xf32> to vector<16xf32>
        %add3A_390 = arith.addf %add3A_358, %get3A_389 : vector<16xf32>
        %add3A_391 = arith.constant 1 : i32
        %add3A_392 = arith.addi %mul3A_345, %add3A_391 : i32
        %get3A_393 = arith.constant 3 : i32
        %get3A_394 = arith.index_cast %get3A_393 : i32 to index
        %get3A_395 = arith.index_cast %add3A_392 : i32 to index
        %get3A_396 = arith.constant 32 : index
        %get3A_397 = tpu.vector_load %arg6[%get3A_394, %get3A_395, %get3A_396] {strides = array<i32>} : memref<4x200x64xf32, #tpu.memory_space<vmem>>, vector<1x1x16xf32>,
        %get3A_398 = vector.shape_cast %get3A_397 : vector<1x1x16xf32> to vector<16xf32>
        %add3A_399 = arith.addf %add3A_365, %get3A_398 : vector<16xf32>
        %add3A_400 = arith.constant 1 : i32
        %add3A_401 = arith.addi %mul3A_345, %add3A_400 : i32
        %get3A_402 = arith.constant 3 : i32
        %get3A_403 = arith.index_cast %get3A_402 : i32 to index
        %get3A_404 = arith.index_cast %add3A_401 : i32 to index
        %get3A_405 = arith.constant 48 : index
        %get3A_406 = tpu.vector_load %arg6[%get3A_403, %get3A_404, %get3A_405] {strides = array<i32>} : memref<4x200x64xf32, #tpu.memory_space<vmem>>, vector<1x1x16xf32>,
        %get3A_407 = vector.shape_cast %get3A_406 : vector<1x1x16xf32> to vector<16xf32>
        %add3A_408 = arith.addf %add3A_372, %get3A_407 : vector<16xf32>
        scf.yield %add3A_381, %add3A_390, %add3A_399, %add3A_408 : vector<16xf32>, vector<16xf32>, vector<16xf32>, vector<16xf32>
      }
      %scan3A_306 = arith.constant 100 : i32
      %mul3A_307 = arith.constant 5.000000e-03 : f32
      %mul3A_308 = vector.broadcast %mul3A_307 : f32 to vector<16xf32>
      %mul3A_309 = arith.mulf %scan3A_305#0, %mul3A_308 : vector<16xf32>
      %swap3A_310 = arith.index_cast %add3A_274 : i32 to index
      %swap3A_311 = arith.constant 0 : index
      %swap3A_312 = tpu.vector_load %arg7[%swap3A_310, %swap3A_311] {strides = array<i32>} : memref<64x64xf32, #tpu.memory_space<vmem>>, vector<1x16xf32>,
      %swap3A_313 = vector.shape_cast %swap3A_312 : vector<1x16xf32> to vector<16xf32>
      %swap3A_314 = vector.shape_cast %mul3A_309 : vector<16xf32> to vector<1x16xf32>
      tpu.vector_store %arg7[%swap3A_310, %swap3A_311], %swap3A_314 {strides = array<i32>} : memref<64x64xf32, #tpu.memory_space<vmem>>, vector<1x16xf32>,
      %mul3A_315 = arith.constant 5.000000e-03 : f32
      %mul3A_316 = vector.broadcast %mul3A_315 : f32 to vector<16xf32>
      %mul3A_317 = arith.mulf %scan3A_305#1, %mul3A_316 : vector<16xf32>
      %swap3A_318 = arith.index_cast %add3A_274 : i32 to index
      %swap3A_319 = arith.constant 16 : index
      %swap3A_320 = tpu.vector_load %arg7[%swap3A_318, %swap3A_319] {strides = array<i32>} : memref<64x64xf32, #tpu.memory_space<vmem>>, vector<1x16xf32>,
      %swap3A_321 = vector.shape_cast %swap3A_320 : vector<1x16xf32> to vector<16xf32>
      %swap3A_322 = vector.shape_cast %mul3A_317 : vector<16xf32> to vector<1x16xf32>
      tpu.vector_store %arg7[%swap3A_318, %swap3A_319], %swap3A_322 {strides = array<i32>} : memref<64x64xf32, #tpu.memory_space<vmem>>, vector<1x16xf32>,
      %mul3A_323 = arith.constant 5.000000e-03 : f32
      %mul3A_324 = vector.broadcast %mul3A_323 : f32 to vector<16xf32>
      %mul3A_325 = arith.mulf %scan3A_305#2, %mul3A_324 : vector<16xf32>
      %swap3A_326 = arith.index_cast %add3A_274 : i32 to index
      %swap3A_327 = arith.constant 32 : index
      %swap3A_328 = tpu.vector_load %arg7[%swap3A_326, %swap3A_327] {strides = array<i32>} : memref<64x64xf32, #tpu.memory_space<vmem>>, vector<1x16xf32>,
      %swap3A_329 = vector.shape_cast %swap3A_328 : vector<1x16xf32> to vector<16xf32>
      %swap3A_330 = vector.shape_cast %mul3A_325 : vector<16xf32> to vector<1x16xf32>
      tpu.vector_store %arg7[%swap3A_326, %swap3A_327], %swap3A_330 {strides = array<i32>} : memref<64x64xf32, #tpu.memory_space<vmem>>, vector<1x16xf32>,
      %mul3A_331 = arith.constant 5.000000e-03 : f32
      %mul3A_332 = vector.broadcast %mul3A_331 : f32 to vector<16xf32>
      %mul3A_333 = arith.mulf %scan3A_305#3, %mul3A_332 : vector<16xf32>
      %swap3A_334 = arith.index_cast %add3A_274 : i32 to index
      %swap3A_335 = arith.constant 48 : index
      %swap3A_336 = tpu.vector_load %arg7[%swap3A_334, %swap3A_335] {strides = array<i32>} : memref<64x64xf32, #tpu.memory_space<vmem>>, vector<1x16xf32>,
      %swap3A_337 = vector.shape_cast %swap3A_336 : vector<1x16xf32> to vector<16xf32>
      %swap3A_338 = vector.shape_cast %mul3A_333 : vector<16xf32> to vector<1x16xf32>
      tpu.vector_store %arg7[%swap3A_334, %swap3A_335], %swap3A_338 {strides = array<i32>} : memref<64x64xf32, #tpu.memory_space<vmem>>, vector<1x16xf32>,
    }
    %scan3A_78 = arith.constant 16 : i32
    "tpu.region"() ({
      %run_scoped3A = tpu.sem_alloc : memref<!tpu.dma_semaphore, #tpu.memory_space<semaphore_mem>>
      %dma_start3A_79 = arith.constant 0 : i32
      %dma_start3A_80 = tpu.memref_slice %arg4[%mul3A_2, %dma_start3A_79] : memref<2048x64xf32, #tpu.memory_space<hbm>> -> memref<64x64xf32, #tpu.memory_space<hbm>>
      %dma_start3A_81 = arith.constant 0 : i32
      %dma_start3A_82 = tpu.memref_slice %arg4[%mul3A_2, %dma_start3A_81] : memref<2048x64xf32, #tpu.memory_space<hbm>> -> memref<64x64xf32, #tpu.memory_space<hbm>>
      tpu.enqueue_dma source(%arg7 : memref<64x64xf32, #tpu.memory_space<vmem>>) target(%dma_start3A_82 : memref<64x64xf32, #tpu.memory_space<hbm>>) target_semaphore(%run_scoped3A : memref<!tpu.dma_semaphore, #tpu.memory_space<semaphore_mem>>)
      %dma_wait3A = arith.constant 0 : i32
      %dma_wait3A_83 = tpu.memref_slice %arg4[%mul3A_2, %dma_wait3A] : memref<2048x64xf32, #tpu.memory_space<hbm>> -> memref<64x64xf32, #tpu.memory_space<hbm>>
      %dma_wait3A_84 = arith.constant 0 : i32
      %dma_wait3A_85 = tpu.memref_slice %arg4[%mul3A_2, %dma_wait3A_84] : memref<2048x64xf32, #tpu.memory_space<hbm>> -> memref<64x64xf32, #tpu.memory_space<hbm>>
      tpu.wait_dma2 semaphore(%run_scoped3A : memref<!tpu.dma_semaphore, #tpu.memory_space<semaphore_mem>>) src(%arg7 : memref<64x64xf32, #tpu.memory_space<vmem>>) dst(%dma_wait3A_85 : memref<64x64xf32, #tpu.memory_space<hbm>>)
      tpu.yield
    }) : () -> ()
    return
  }
}

module attributes {stable_mosaic.version = 14 : i64} {
  func.func @_stats_body(%arg0: i32, %arg1: i32, %arg2: memref<20000x65xbf16, #tpu.memory_space<vmem>>, %arg3: memref<65x512xbf16, #tpu.memory_space<vmem>>, %arg4: memref<2x512xf32, #tpu.memory_space<vmem>>, %arg5: memref<1x2048xf32, #tpu.memory_space<vmem>>, %arg6: memref<1x2048xf32, #tpu.memory_space<vmem>>) attributes {dimension_semantics = [#tpu.dimension_semantics<arbitrary>, #tpu.dimension_semantics<arbitrary>], iteration_bounds = array<i64: 5, 4>, scalar_prefetch = 0 : i64, scratch_operands = 2 : i64, tpu.core_type = #tpu.core_type<tc>, window_params = [{transform_indices = @transform_0, window_bounds = array<i64: 20000, 65>}, {transform_indices = @transform_1, window_bounds = array<i64: 65, 512>}, {transform_indices = @transform_2, window_bounds = array<i64: 2, 512>}]} {
    %mul3A = arith.constant 512 : i32
    %mul3A_0 = arith.muli %arg1, %mul3A : i32
    %eq3A = arith.constant 0 : i32
    %eq3A_1 = arith.cmpi eq, %arg0, %eq3A : i32
    %get3A = arith.constant 0 : index
    %get3A_2 = arith.constant 0 : index
    %get3A_3 = vector.load %arg3[%get3A, %get3A_2] : memref<65x512xbf16, #tpu.memory_space<vmem>>, vector<65x512xbf16>
    %get3A_4 = arith.constant 0 : index
    %get3A_5 = arith.constant 0 : index
    %get3A_6 = vector.load %arg2[%get3A_4, %get3A_5] : memref<20000x65xbf16, #tpu.memory_space<vmem>>, vector<5000x65xbf16>
    %dot_general3A = arith.constant dense<0.000000e+00> : vector<5000x512xf32>
    %dot_general3A_7 = tpu.matmul %get3A_6, %get3A_3, %dot_general3A {dimension_numbers = #tpu.dot_dimension_numbers<[1], [0], [0], [1], [0, 0, 1, 1], [], []>, transpose_lhs_hint = false} : vector<5000x65xbf16>, vector<65x512xbf16>, vector<5000x512xf32> -> vector<5000x512xf32>
    %reduce_max3A = arith.constant dense<0xFF800000> : vector<512xf32>
    %reduce_max3A_8 = vector.multi_reduction <maximumf>, %dot_general3A_7, %reduce_max3A [0] : vector<5000x512xf32> to vector<512xf32>
    %broadcast_in_dim3A = vector.shape_cast %reduce_max3A_8 : vector<512xf32> to vector<1x512xf32>
    %get3A_9 = arith.constant 0 : index
    %get3A_10 = arith.index_cast %mul3A_0 : i32 to index
    %get3A_11 = vector.load %arg5[%get3A_9, %get3A_10] : memref<1x2048xf32, #tpu.memory_space<vmem>>, vector<1x512xf32>
    %select_n3A = arith.select %eq3A_1, %broadcast_in_dim3A, %get3A_11 : vector<1x512xf32>
    %get3A_12 = arith.constant 0 : index
    %get3A_13 = arith.index_cast %mul3A_0 : i32 to index
    %get3A_14 = vector.load %arg6[%get3A_12, %get3A_13] : memref<1x2048xf32, #tpu.memory_space<vmem>>, vector<1x512xf32>
    %jit3A = arith.constant 0.000000e+00 : f32
    %broadcast_in_dim3A_15 = vector.broadcast %jit3A : f32 to vector<1x512xf32>
    %select_n3A_16 = arith.select %eq3A_1, %broadcast_in_dim3A_15, %get3A_14 : vector<1x512xf32>
    %sub3A = vector.broadcast %select_n3A : vector<1x512xf32> to vector<5000x512xf32>
    %sub3A_17 = arith.subf %dot_general3A_7, %sub3A : vector<5000x512xf32>
    %exp3A = math.exp %sub3A_17 : vector<5000x512xf32>
    %reduce_sum3A = arith.constant dense<0.000000e+00> : vector<512xf32>
    %reduce_sum3A_18 = vector.multi_reduction <add>, %exp3A, %reduce_sum3A [0] : vector<5000x512xf32> to vector<512xf32>
    %broadcast_in_dim3A_19 = vector.shape_cast %reduce_sum3A_18 : vector<512xf32> to vector<1x512xf32>
    %add3A = arith.addf %select_n3A_16, %broadcast_in_dim3A_19 : vector<1x512xf32>
    %get3A_20 = arith.constant 5000 : index
    %get3A_21 = arith.constant 0 : index
    %get3A_22 = vector.load %arg2[%get3A_20, %get3A_21] : memref<20000x65xbf16, #tpu.memory_space<vmem>>, vector<5000x65xbf16>
    %dot_general3A_23 = arith.constant dense<0.000000e+00> : vector<5000x512xf32>
    %dot_general3A_24 = tpu.matmul %get3A_22, %get3A_3, %dot_general3A_23 {dimension_numbers = #tpu.dot_dimension_numbers<[1], [0], [0], [1], [0, 0, 1, 1], [], []>, transpose_lhs_hint = false} : vector<5000x65xbf16>, vector<65x512xbf16>, vector<5000x512xf32> -> vector<5000x512xf32>
    %sub3A_25 = vector.broadcast %select_n3A : vector<1x512xf32> to vector<5000x512xf32>
    %sub3A_26 = arith.subf %dot_general3A_24, %sub3A_25 : vector<5000x512xf32>
    %exp3A_27 = math.exp %sub3A_26 : vector<5000x512xf32>
    %reduce_sum3A_28 = arith.constant dense<0.000000e+00> : vector<512xf32>
    %reduce_sum3A_29 = vector.multi_reduction <add>, %exp3A_27, %reduce_sum3A_28 [0] : vector<5000x512xf32> to vector<512xf32>
    %broadcast_in_dim3A_30 = vector.shape_cast %reduce_sum3A_29 : vector<512xf32> to vector<1x512xf32>
    %add3A_31 = arith.addf %add3A, %broadcast_in_dim3A_30 : vector<1x512xf32>
    %get3A_32 = arith.constant 10000 : index
    %get3A_33 = arith.constant 0 : index
    %get3A_34 = vector.load %arg2[%get3A_32, %get3A_33] : memref<20000x65xbf16, #tpu.memory_space<vmem>>, vector<5000x65xbf16>
    %dot_general3A_35 = arith.constant dense<0.000000e+00> : vector<5000x512xf32>
    %dot_general3A_36 = tpu.matmul %get3A_34, %get3A_3, %dot_general3A_35 {dimension_numbers = #tpu.dot_dimension_numbers<[1], [0], [0], [1], [0, 0, 1, 1], [], []>, transpose_lhs_hint = false} : vector<5000x65xbf16>, vector<65x512xbf16>, vector<5000x512xf32> -> vector<5000x512xf32>
    %sub3A_37 = vector.broadcast %select_n3A : vector<1x512xf32> to vector<5000x512xf32>
    %sub3A_38 = arith.subf %dot_general3A_36, %sub3A_37 : vector<5000x512xf32>
    %exp3A_39 = math.exp %sub3A_38 : vector<5000x512xf32>
    %reduce_sum3A_40 = arith.constant dense<0.000000e+00> : vector<512xf32>
    %reduce_sum3A_41 = vector.multi_reduction <add>, %exp3A_39, %reduce_sum3A_40 [0] : vector<5000x512xf32> to vector<512xf32>
    %broadcast_in_dim3A_42 = vector.shape_cast %reduce_sum3A_41 : vector<512xf32> to vector<1x512xf32>
    %add3A_43 = arith.addf %add3A_31, %broadcast_in_dim3A_42 : vector<1x512xf32>
    %get3A_44 = arith.constant 15000 : index
    %get3A_45 = arith.constant 0 : index
    %get3A_46 = vector.load %arg2[%get3A_44, %get3A_45] : memref<20000x65xbf16, #tpu.memory_space<vmem>>, vector<5000x65xbf16>
    %dot_general3A_47 = arith.constant dense<0.000000e+00> : vector<5000x512xf32>
    %dot_general3A_48 = tpu.matmul %get3A_46, %get3A_3, %dot_general3A_47 {dimension_numbers = #tpu.dot_dimension_numbers<[1], [0], [0], [1], [0, 0, 1, 1], [], []>, transpose_lhs_hint = false} : vector<5000x65xbf16>, vector<65x512xbf16>, vector<5000x512xf32> -> vector<5000x512xf32>
    %sub3A_49 = vector.broadcast %select_n3A : vector<1x512xf32> to vector<5000x512xf32>
    %sub3A_50 = arith.subf %dot_general3A_48, %sub3A_49 : vector<5000x512xf32>
    %exp3A_51 = math.exp %sub3A_50 : vector<5000x512xf32>
    %reduce_sum3A_52 = arith.constant dense<0.000000e+00> : vector<512xf32>
    %reduce_sum3A_53 = vector.multi_reduction <add>, %exp3A_51, %reduce_sum3A_52 [0] : vector<5000x512xf32> to vector<512xf32>
    %broadcast_in_dim3A_54 = vector.shape_cast %reduce_sum3A_53 : vector<512xf32> to vector<1x512xf32>
    %add3A_55 = arith.addf %add3A_43, %broadcast_in_dim3A_54 : vector<1x512xf32>
    %swap3A = arith.constant 0 : index
    %swap3A_56 = arith.index_cast %mul3A_0 : i32 to index
    %swap3A_57 = vector.load %arg5[%swap3A, %swap3A_56] : memref<1x2048xf32, #tpu.memory_space<vmem>>, vector<1x512xf32>
    tpu.vector_store %arg5[%swap3A, %swap3A_56], %select_n3A {strides = array<i32>} : memref<1x2048xf32, #tpu.memory_space<vmem>>, vector<1x512xf32>,
    %swap3A_58 = arith.constant 0 : index
    %swap3A_59 = arith.index_cast %mul3A_0 : i32 to index
    %swap3A_60 = vector.load %arg6[%swap3A_58, %swap3A_59] : memref<1x2048xf32, #tpu.memory_space<vmem>>, vector<1x512xf32>
    tpu.vector_store %arg6[%swap3A_58, %swap3A_59], %add3A_55 {strides = array<i32>} : memref<1x2048xf32, #tpu.memory_space<vmem>>, vector<1x512xf32>,
    %swap3A_61 = arith.constant 0 : index
    %swap3A_62 = arith.constant 0 : index
    %swap3A_63 = vector.load %arg4[%swap3A_61, %swap3A_62] : memref<2x512xf32, #tpu.memory_space<vmem>>, vector<1x512xf32>
    tpu.vector_store %arg4[%swap3A_61, %swap3A_62], %select_n3A {strides = array<i32>} : memref<2x512xf32, #tpu.memory_space<vmem>>, vector<1x512xf32>,
    %div3A = arith.constant 1.000000e+00 : f32
    %div3A_64 = vector.broadcast %div3A : f32 to vector<1x512xf32>
    %div3A_65 = arith.divf %div3A_64, %add3A_55 : vector<1x512xf32>
    %swap3A_66 = arith.constant 1 : index
    %swap3A_67 = arith.constant 0 : index
    %swap3A_68 = vector.load %arg4[%swap3A_66, %swap3A_67] : memref<2x512xf32, #tpu.memory_space<vmem>>, vector<1x512xf32>
    tpu.vector_store %arg4[%swap3A_66, %swap3A_67], %div3A_65 {strides = array<i32>} : memref<2x512xf32, #tpu.memory_space<vmem>>, vector<1x512xf32>,
    return
  }
  func.func @transform_0(%arg0: i32, %arg1: i32) -> (i32, i32) {
    %c0_i32 = arith.constant 0 : i32
    %c0_i32_0 = arith.constant 0 : i32
    return %arg0, %c0_i32 : i32, i32
  }
  func.func @transform_1(%arg0: i32, %arg1: i32) -> (i32, i32) {
    %c0_i32 = arith.constant 0 : i32
    %c0_i32_0 = arith.constant 0 : i32
    return %c0_i32, %arg1 : i32, i32
  }
  func.func @transform_2(%arg0: i32, %arg1: i32) -> (i32, i32) {
    %c0_i32 = arith.constant 0 : i32
    %c0_i32_0 = arith.constant 0 : i32
    return %c0_i32, %arg1 : i32, i32
  }
}

module attributes {stable_mosaic.version = 14 : i64} {
  func.func @_write_body(%arg0: i32, %arg1: i32, %arg2: memref<20000x65xbf16, #tpu.memory_space<vmem>>, %arg3: memref<65x128xbf16, #tpu.memory_space<vmem>>, %arg4: memref<2x128xf32, #tpu.memory_space<vmem>>, %arg5: memref<20000x128xf32, #tpu.memory_space<vmem>>) attributes {dimension_semantics = [#tpu.dimension_semantics<arbitrary>, #tpu.dimension_semantics<arbitrary>], iteration_bounds = array<i64: 5, 32>, scalar_prefetch = 0 : i64, scratch_operands = 0 : i64, tpu.core_type = #tpu.core_type<tc>, window_params = [{transform_indices = @transform_0, window_bounds = array<i64: 20000, 65>}, {transform_indices = @transform_1, window_bounds = array<i64: 65, 128>}, {transform_indices = @transform_2, window_bounds = array<i64: 2, 128>}, {transform_indices = @transform_3, window_bounds = array<i64: 20000, 128>}]} {
    %get3A = arith.constant 0 : index
    %get3A_0 = arith.constant 0 : index
    %get3A_1 = vector.load %arg2[%get3A, %get3A_0] : memref<20000x65xbf16, #tpu.memory_space<vmem>>, vector<20000x65xbf16>
    %get3A_2 = arith.constant 0 : index
    %get3A_3 = arith.constant 0 : index
    %get3A_4 = vector.load %arg3[%get3A_2, %get3A_3] : memref<65x128xbf16, #tpu.memory_space<vmem>>, vector<65x128xbf16>
    %dot_general3A = arith.constant dense<0.000000e+00> : vector<20000x128xf32>
    %dot_general3A_5 = tpu.matmul %get3A_1, %get3A_4, %dot_general3A {dimension_numbers = #tpu.dot_dimension_numbers<[1], [0], [0], [1], [0, 0, 1, 1], [], []>, transpose_lhs_hint = false} : vector<20000x65xbf16>, vector<65x128xbf16>, vector<20000x128xf32> -> vector<20000x128xf32>
    %get3A_6 = arith.constant 0 : index
    %get3A_7 = arith.constant 0 : index
    %get3A_8 = vector.load %arg4[%get3A_6, %get3A_7] : memref<2x128xf32, #tpu.memory_space<vmem>>, vector<1x128xf32>
    %get3A_9 = arith.constant 1 : index
    %get3A_10 = arith.constant 0 : index
    %get3A_11 = vector.load %arg4[%get3A_9, %get3A_10] : memref<2x128xf32, #tpu.memory_space<vmem>>, vector<1x128xf32>
    %sub3A = vector.broadcast %get3A_8 : vector<1x128xf32> to vector<20000x128xf32>
    %sub3A_12 = arith.subf %dot_general3A_5, %sub3A : vector<20000x128xf32>
    %exp3A = math.exp %sub3A_12 : vector<20000x128xf32>
    %mul3A = vector.broadcast %get3A_11 : vector<1x128xf32> to vector<20000x128xf32>
    %mul3A_13 = arith.mulf %exp3A, %mul3A : vector<20000x128xf32>
    %swap3A = arith.constant 0 : index
    %swap3A_14 = arith.constant 0 : index
    %swap3A_15 = vector.load %arg5[%swap3A, %swap3A_14] : memref<20000x128xf32, #tpu.memory_space<vmem>>, vector<20000x128xf32>
    tpu.vector_store %arg5[%swap3A, %swap3A_14], %mul3A_13 {strides = array<i32>} : memref<20000x128xf32, #tpu.memory_space<vmem>>, vector<20000x128xf32>,
    return
  }
  func.func @transform_0(%arg0: i32, %arg1: i32) -> (i32, i32) {
    %c0_i32 = arith.constant 0 : i32
    %c0_i32_0 = arith.constant 0 : i32
    return %arg0, %c0_i32 : i32, i32
  }
  func.func @transform_1(%arg0: i32, %arg1: i32) -> (i32, i32) {
    %c0_i32 = arith.constant 0 : i32
    %c0_i32_0 = arith.constant 0 : i32
    return %c0_i32, %arg1 : i32, i32
  }
  func.func @transform_2(%arg0: i32, %arg1: i32) -> (i32, i32) {
    %c0_i32 = arith.constant 0 : i32
    %c0_i32_0 = arith.constant 0 : i32
    return %c0_i32, %arg1 : i32, i32
  }
  func.func @transform_3(%arg0: i32, %arg1: i32) -> (i32, i32) {
    %c0_i32 = arith.constant 0 : i32
    return %arg0, %arg1 : i32, i32
  }
}

</mosaic_0001>

<sc_bundles>
// kernel: kernel.10.cloned.1.call-start
scs
__scs_entry_jumppad:
0x0: {  	(pc) =	sbr.rel $0x88, $3  }
0x1: {  	(tag) =	ssettag $0x0;
	lr =	simm.s32 $0x1  }
0x2: {  	[smem:$0x3F9D] =	sst lr;
	_ =	strace $0xD0000000  }
0x3: {  	_ = 	snop  }
0x4: {  	_ = 	snop  }
0x5: {  	_ = 	snop  }
0x6: {  	_ = 	snop  }
0x7: {  	_ = 	snop  }
__scs_overlays_trampoline_lowered:
0x8: {  	[smem:$0x3FAC] =	sst s0  }
0x9: {  	[smem:$0x3FAD] =	sst s1  }
0xa: {  	[smem:$0x3FAE] =	sst s2  }
0xb: {  	[smem:$0x3FAF] =	sst s3  }
0xc: {  	[smem:$0x3FB0] =	sst s4  }
0xd: {  	[smem:$0x3FB1] =	sst s5  }
0xe: {  	[smem:$0x3FB2] =	sst s6  }
0xf: {  	[smem:$0x3FB3] =	sst s7  }
0x10: {  	[smem:$0x3FB4] =	sst s8  }
0x11: {  	[smem:$0x3FB5] =	sst s9;
	s0 =	simm.s32 @!p0 $0x0  }
0x12: {  	s1 =	sld [smem:$0x3F9B];
	s0 =	simm.s32 @p0 $0x1  }
0x13: {  	[smem:$0x3FB6] =	sst s0;
	s0 =	simm.s32 @!p1 $0x0  }
0x14: {  	s2 =	sld [smem:$0x3F9A];
	s0 =	simm.s32 @p1 $0x1  }
0x15: {  	[smem:$0x3FB7] =	sst s0;
	s0 =	simm.s32 @!p2 $0x0  }
0x16: {  	s3 =	sld [smem:$0x3FDB];
	s0 =	simm.s32 @p2 $0x1  }
0x17: {  	s4 =	simm.s32 $0x1BF5;
	[smem:$0x3FB9] =	sst s0  }
0x18: {  	s0 =	sld [smem:$0x3F9C];
	_ =	swait.ge [sflag:s4], $0x0  }
0x19: {  	s7 =	sld [smem:$0x3F9D]  }
0x1a: {  	s8 =	sadd.s32 $0xFFFFE003, lr  }
0x1b: {  	s9 =	sadd.s32 $0xFFFFFEF7, lr;
	s5 =	simm.s32 $0xFFFFFFFF;
	p2 =	slt.u32 s8, $0xFFFFF086  }
0x1c: {  	p1 =	slt.u32 s9, $0xF7A;
	s5 =	simm.s32 @!p2 $0x0  }
0x1d: {  	s5 =	simm.s32 @p1 $0x1;
	p0 =	seq.s32 s7, s2  }
0x1e: {  	s7 =	smul.u32 @!p0 $0xF7A, s2;
	p2 =	seq.s32 @!p0 s5, $0x0  }
0x1f: {  	s9 =	smul.u32 $0xF7A, s1;
	s8 =	simm.s32 @!p0 $0x1BF5;
	p2 =	por !p2, p0  }
0x20: {  	[sflag:s8] =	ssyncset.s32 @!p0 $0xFFFFF086;
	s6 =	sadd.s32 @!p0 s3, s7;
	s7 =	simm.s32 @!p0 $0x108  }
0x21: {  	s3 =	sadd.s32 s3, s9;
	s6 =	sadd.s32 @!p0 $0x88, s6;
	s7 =	simm.s32 @p2 $0x1082  }
0x22: {  	[simem:s7], [sflag:s8] =	dma.local @!p0 [hbm:s6], $0xF7A  }
0x23: {  	s9 =	sor.u32 $0xD0000000, s2;
	s6 =	simm.s32 $0x108;
	_ =	swait.ge @!p0 [sflag:s8], $0x0  }
0x24: {  	s3 =	sadd.s32 $0x88, s3;
	s6 =	simm.s32 @!p1 $0x1082;
	[sflag:s4] =	ssyncset.s32 $0xFFFFF086  }
0x25: {  	[simem:s6], [sflag:s4] =	dma.local [hbm:s3], $0xF7A  }
0x26: {  	[smem:$0x3F9D] =	sst s1;
	(tag) =	ssettag s2;
	_ =	strace s9  }
0x27: {  	s1 =	sld [smem:$0x3FAD]  }
0x28: {  	s2 =	sld [smem:$0x3FAE]  }
0x29: {  	s4 =	sld [smem:$0x3FB0]  }
0x2a: {  	p0 =	seq.s32 s5, $0x0;
	s5 =	sld [smem:$0x3FB1]  }
0x2b: {  	s6 =	sld [smem:$0x3FB2]  }
0x2c: {  	s7 =	sld [smem:$0x3FB3]  }
0x2d: {  	s3 =	simm.s32 $0x108;
	s8 =	sld [smem:$0x3FB4]  }
0x2e: {  	s3 =	simm.s32 @!p0 $0x1082;
	s9 =	sld [smem:$0x3FB5]  }
0x2f: {  	lr =	sadd.s32 s0, s3;
	s0 =	sld [smem:$0x3FAC]  }
0x30: {  	s3 =	sld [smem:$0x3FAF]  }
0x31: {  	[smem:$0x3FB8] =	sst s10  }
0x32: {  	s10 =	sld [smem:$0x3FB6];
	_ =	sdelay $0x3  }
0x33: {  	p0 =	seq.s32 s10, $0x1;
	s10 =	sld [smem:$0x3FB8];
	_ =	sdelay $0x3  }
0x34: {  	[smem:$0x3FB8] =	sst s10  }
0x35: {  	s10 =	sld [smem:$0x3FB7];
	_ =	sdelay $0x3  }
0x36: {  	p1 =	seq.s32 s10, $0x1;
	s10 =	sld [smem:$0x3FB8];
	_ =	sdelay $0x3  }
0x37: {  	[smem:$0x3FB8] =	sst s10  }
0x38: {  	s10 =	sld [smem:$0x3FB9]  }
0x39: {  	_ = 	snop;
	(pc) =	sbr.ind lr, $3  }
0x3a: {  	_ = 	snop  }
0x3b: {  	_ = 	snop  }
0x3c: {  	p2 =	seq.s32 s10, $0x1;
	s10 =	sld [smem:$0x3FB8]  }
0x3d: {  	_ =	shalt  }
0x3e: {  	_ =	shalt  }
0x3f: {  	_ =	shalt  }
0x40: {  	_ =	shalt  }
0x41: {  	_ =	shalt  }
0x42: {  	_ =	shalt  }
0x43: {  	_ =	shalt  }
0x44: {  	_ =	shalt  }
0x45: {  	_ =	shalt  }
0x46: {  	_ =	shalt  }
0x47: {  	_ =	shalt  }
0x48: {  	_ =	shalt  }
0x49: {  	_ =	shalt  }
0x4a: {  	_ =	shalt  }
0x4b: {  	_ =	shalt  }
0x4c: {  	_ =	shalt  }
0x4d: {  	_ =	shalt  }
0x4e: {  	_ =	shalt  }
0x4f: {  	_ =	shalt  }
0x50: {  	_ =	shalt  }
0x51: {  	_ =	shalt  }
0x52: {  	_ =	shalt  }
0x53: {  	_ =	shalt  }
0x54: {  	_ =	shalt  }
0x55: {  	_ =	shalt  }
0x56: {  	_ =	shalt  }
0x57: {  	_ =	shalt  }
0x58: {  	_ =	shalt  }
0x59: {  	_ =	shalt  }
0x5a: {  	_ =	shalt  }
0x5b: {  	_ =	shalt  }
0x5c: {  	_ =	shalt  }
0x5d: {  	_ =	shalt  }
0x5e: {  	_ =	shalt  }
0x5f: {  	_ =	shalt  }
0x60: {  	_ =	shalt  }
0x61: {  	_ =	shalt  }
0x62: {  	_ =	shalt  }
0x63: {  	_ =	shalt  }
0x64: {  	_ =	shalt  }
0x65: {  	_ =	shalt  }
0x66: {  	_ =	shalt  }
0x67: {  	_ =	shalt  }
0x68: {  	_ =	shalt  }
0x69: {  	_ =	shalt  }
0x6a: {  	_ =	shalt  }
0x6b: {  	_ =	shalt  }
0x6c: {  	_ =	shalt  }
0x6d: {  	_ =	shalt  }
0x6e: {  	_ =	shalt  }
0x6f: {  	_ =	shalt  }
0x70: {  	_ =	shalt  }
0x71: {  	_ =	shalt  }
0x72: {  	_ =	shalt  }
0x73: {  	_ =	shalt  }
0x74: {  	_ =	shalt  }
0x75: {  	_ =	shalt  }
0x76: {  	_ =	shalt  }
0x77: {  	_ =	shalt  }
0x78: {  	_ =	shalt  }
0x79: {  	_ =	shalt  }
0x7a: {  	_ =	shalt  }
0x7b: {  	_ =	shalt  }
0x7c: {  	_ =	shalt  }
0x7d: {  	_ =	shalt  }
0x7e: {  	_ =	shalt  }
0x7f: {  	_ =	shalt  }
0x80: {  	_ =	shalt  }
0x81: {  	_ =	shalt  }
0x82: {  	_ =	shalt  }
0x83: {  	_ =	shalt  }
0x84: {  	_ =	shalt  }
0x85: {  	_ =	shalt  }
0x86: {  	_ =	shalt  }
0x87: {  	_ =	shalt  }
.Lfunc_end0:
.L_simem_size_0:
called_computation.1_lowered:
.L_overlay_start_0:
0x88: {  	s2 =	sld [smem:$0x3FD9]  }
0x89: {  	s3 =	sld [smem:$0x3FFE];
	_ =	sdelay $0x1  }
0x8a: {  	s1 =	srdreg.scid  }
0x8b: {  	s0 =	sand.u32 $0x1, s1  }
0x8c: {  	s16 =	sshll.u32 s0, $0xA;
	s2 =	sadd.s32 s3, s2  }
0x8d: {  	s2 =	sadd.s32 s2, s16  }
0x8e: {  	[smem:$0x3FC4] =	sst s2  }
0x8f: {  	_ = 	snop  }
0x90: {  	(tm) =	ssettm $0x1  }
0x91: {  	s17 =	sld [smem:$0x3FFB];
	_ =	sdelay $0x3  }
0x92: {  	_ =	strace s17  }
0x93: {  	s2 =	sld [smem:$0x3FFC];
	_ =	sdelay $0x3  }
0x94: {  	_ =	strace s2  }
0x95: {  	s2 =	sld [smem:$0x3FFD];
	_ =	sdelay $0x3  }
0x96: {  	_ =	strace s2  }
0x97: {  	_ =	strace $0x8FFFFFFF  }
0x98: {  	s18 =	sld [smem:$0x3FDB];
	_ =	sdelay $0x1  }
0x99: {  	s19 =	simm.s32 $_scs_section_size  }
0x9a: {  	s4 =	simm.s32 $_size__tile_overlayer_lowered;
	s5 =	simm.s32 $_tile_overlayer_lowered  }
0x9b: {  	s22 =	simm.s32 $0x1BFF;
	s21 =	sshll.u32 s5, $0x1;
	s2 =	sadd.s32 s19, s18  }
0x9c: {  	s6 =	simm.s32 $0x0;
	s20 =	sshll.u32 s4, $0x1;
	s4 =	sadd.s32 s21, s2  }
0x9d: {  	[timem:s6], [sflag:s22] =	dma.local [hbm:s4], s20  }
0x9e: {  	_ =	swait.ge [sflag:s22], s20  }
0x9f: {  	s3 =	ssub.s32 $0x0, s20;
	[sflag:s22] =	ssyncset.done $0x0  }
0xa0: {  	[sflag:s22] =	ssyncadd.s32 s3;
	_ =	sdelay $0x1  }
0xa1: {  	s23 =	simm.s32 $0x1B8B  }
0xa2: {  	_ =	swait.ge [sflag:s23], $0x1  }
0xa3: {  	[sflag:s23] =	ssyncset.done $0x0  }
0xa4: {  	s25 =	simm.s32 $0x1B8E;
	s24 =	sld [smem:$0x3FFE];
	[sflag:s23] =	ssyncadd.s32 $0xFFFFFFFF  }
0xa5: {  	s26 =	simm.s32 $execute0_lowered;
	[smem:$0x3FD2] =	sst s25  }
0xa6: {  	s4 =	sshll.u32 s26, $0x1;
	_ =	strace $0x80000046;
	[dreg:$0x1] =	wrdreg $0xFFFFFFFF  }
0xa7: {  	s28 =	simm.s32 $_size_execute0_lowered;
	s2 =	sadd.s32 s2, s4;
	[dreg:$0x0] =	wrdreg $0x0  }
0xa8: {  	s4 =	sshll.u32 s28, $0x1;
	[dreg:$0x2] =	wrdreg s2  }
0xa9: {  	[dreg:$0x3] =	wrdreg s4  }
0xaa: {  	[dreg:$0x4] =	wrdreg $0xC0  }
0xab: {  	_ =	task [dreg:s6], $0x5FFFF  }
0xac: {  	[dreg:$0x1] =	wrdreg $0xFFFFFFFF  }
0xad: {  	[dreg:$0x0] =	wrdreg $0x60  }
0xae: {  	[dreg:$0x2] =	wrdreg s24  }
0xaf: {  	[dreg:$0x3] =	wrdreg $0xA  }
0xb0: {  	_ =	task.clear_ibuf [dreg:s6], $0x4FFFF;
	_ =	strace $0x90000046  }
0xb1: {  	s29 =	simm.s32 $0xA;
	_ =	strace $0x80000048  }
0xb2: {  	_ =	swait.ge [sflag:s29], $0x1  }
0xb3: {  	[sflag:s29] =	ssyncadd.s32 $0xFFFFFFFF  }
0xb4: {  	_ =	strace $0x90000048  }
0xb5: {  	_ =	sfence  }
0xb6: {  	s30 =	sld [smem:$0x0];
	_ =	sdelay $0x2  }
0xb7: {  	s31 =	sshll.u32 s1, $0xD;
	s1 =	sshrl.u32 s1, $0x2  }
0xb8: {  	s3 =	sand.u32 $0x4000, s31;
	s1 =	sadd.s32 s1, s30  }
0xb9: {  	s0 =	sor.u32 s3, s0;
	s1 =	sshll.u32 s1, $0x11  }
0xba: {  	s0 =	sor.u32 s1, s0  }
0xbb: {  	s0 =	sadd.s32 $0x8F2B, s0  }
0xbc: {  	[sflag:s0] =	ssyncadd.remote.s32 $0x1  }
0xbd: {  	_ =	sfence.sel $0xFFFF  }
0xbe: {  	[dreg:$0x0] =	wrdreg $0xFFFFFFFF;
	(pc) =	sbr.abs _section_cstart, $3  }
0xbf: {  	[dreg:$0x1] =	wrdreg $0xFFFFFFFF  }
0xc0: {  	_ =	task.clear_ibuf [dreg:s6], $0x2FFFF;
	_ =	strace $0x9FFFFFFF  }
0xc1: {  	(tm) =	ssettm $0x7FFFFFFF  }
tec
execute0_lowered:
.L_overlay_start_1:
0x0: {  	(tag) =	ssettag $0x1  }
0x1: {  	s0 =	srdreg.scid  }
0x2: {  	s2 =	stileid.u32;
	s1 =	rddreg [dreg:$0x0];
	s7 =	simm.s32 $0x5  }
0x3: {  	s8 =	simm.s32 $0x80;
	s10 =	simm.s32 $0x48;
	s12 =	simm.s32 $0xC8  }
0x4: {  	s13 =	simm.s32 $0x6400;
	s14 =	simm.s32 $0x148;
	s15 =	simm.s32 $0x8400  }
0x5: {  	s16 =	simm.s32 $0x190;
	s17 =	simm.s32 $0x9600;
	s18 =	simm.s32 $0x210  }
0x6: {  	s19 =	simm.s32 $0xB600;
	s20 =	simm.s32 $0xC800;
	s21 =	simm.s32 $0xE800  }
0x7: {  	s22 =	simm.s32 $0x1;
	s23 =	simm.s32 $0x2;
	s24 =	simm.s32 $0x3  }
0x8: {  	s25 =	simm.s32 $0x4;
	s26 =	simm.s32 $0xFA00;
	s0 =	sand.u32 $0x1, s0  }
0x9: {  	s3 =	sshll.u32 s2, $0x7;
	s2 =	simm.s32 $0x0;
	s4 =	sshll.u32 s0, $0x6  }
0xa: {  	s28 =	simm.s32 $0x0;
	[smem:$0x7FF] =	sst s2;
	s3 =	sor.u32 s4, s3  }
0xb: {  	s0 =	ssub.s32 $0x2, s0;
	_ =	strace $0x80000047;
	s4 =	smul.u32 $0x19, s3  }
0xc: {  	s6 =	sshrl.u32 s0, $0x1;
	s5 =	sshll.u32 s3, $0x3;
	s3 =	sadd.s32 $0xF000, s1  }
0xd: {  	s0 =	ssub.s32 s0, s6;
	s4 =	sadd.s32 s4, s1;
	s1 =	sadd.s32 s5, s1  }
0xe: {  	s6 =	smax.u32 s0, $0x1;
	s4 =	sadd.s32 $0x2800, s4;
	s5 =	sadd.s32 $0xD2600, s1  }
.LBB2_1:
0xf: {  	[tilespmem:s2], [sflag:$0x5] =	stream.linear.gather [hbm4b:s4+s2], $0x3200, $0x38;
	[tilespmem:$0x10A00] =	vst v63  }
0x10: {  	_ =	swait.ge [sflag:s7], $0x3200  }
0x11: {  	[sflag:s7] =	ssyncset.done $0x0  }
0x12: {  	s0 =	simm.s32 $0x3200;
	[sflag:s7] =	ssyncadd.s32 $0xFFFFCE00  }
0x13: {  	[tilespmem:s0], [sflag:$0x1] =	stream.indirect.gather [hbm4b:s3+s8], $0x40, s2, s8, $0xb8;
	[tilespmem:$0x10A00] =	vst v63  }
0x14: {  	s31 =	simm.s32 $0x5200  }
0x15: {  	[tilespmem:s31], [sflag:$0x1] =	stream.indirect.gather [hbm4b:s3+s10], $0x40, s8, s10, $0xb8;
	[tilespmem:$0x10A00] =	vst v63  }
0x16: {  	_ = 	snop  }
0x17: {  	[tilespmem:s13], [sflag:$0x2] =	stream.indirect.gather [hbm4b:s3+s8], $0x40, s12, s8, $0xb8;
	[tilespmem:$0x10A00] =	vst v63  }
0x18: {  	_ = 	snop  }
0x19: {  	[tilespmem:s15], [sflag:$0x2] =	stream.indirect.gather [hbm4b:s3+s10], $0x40, s14, s10, $0xb8;
	[tilespmem:$0x10A00] =	vst v63  }
0x1a: {  	_ = 	snop  }
0x1b: {  	[tilespmem:s17], [sflag:$0x3] =	stream.indirect.gather [hbm4b:s3+s8], $0x40, s16, s8, $0xb8;
	[tilespmem:$0x10A00] =	vst v63  }
0x1c: {  	s29 =	simm.s32 $0x0  }
0x1d: {  	[tilespmem:s19], [sflag:$0x3] =	stream.indirect.gather [hbm4b:s3+s10], $0x40, s18, s10, $0xb8;
	[tilespmem:$0x10A00] =	vst v63  }
.LBB2_2:
0x1e: {  	s30 =	sshllo.u32 s29, $0x2  }
0x1f: {  	s0 =	smul.u32 $0x320, s30;
	_ =	sdelay $0x1  }
0x20: {  	s0 =	sshra.s32 s0, $0x2  }
0x21: {  	[tilespmem:s20], [sflag:$0x4] =	stream.indirect.gather [hbm4b:s3+s8], $0x40, s0, s8, $0xb8;
	[tilespmem:$0x10A00] =	vst v63  }
0x22: {  	s0 =	sadd.s32 $0x80, s0  }
0x23: {  	[tilespmem:s21], [sflag:$0x4] =	stream.indirect.gather [hbm4b:s3+s10], $0x40, s0, s10, $0xb8;
	[tilespmem:$0x10A00] =	vst v63  }
0x24: {  	_ =	swait.ge [sflag:s22], $0x3200  }
0x25: {  	[sflag:s22] =	ssyncset.done $0x0  }
0x26: {  	s1 =	simm.s32 $0x0;
	[sflag:s22] =	ssyncadd.s32 $0xFFFFCE00  }
0x27: {  	v1 =	vld [tilespmem:s1+$0x3240]  }
0x28: {  	v0 =	vld [tilespmem:s1+$0x3250]  }
0x29: {  	v2 =	vld [tilespmem:s1+$0x3200]  }
0x2a: {  	v5 =	vimm.f32 $0.0e+00;
	v3 =	vld [tilespmem:s1+$0x3210]  }
0x2b: {  	v6 =	vimm.f32 $0.0e+00;
	v8 =	vimm.f32 $0.0e+00;
	v7 =	vimm.f32 $0.0e+00;
	s0 =	simm.s32 $0x200;
	v4 =	vld [tilespmem:s1+$0x3220]  }
.LBB2_3:
0x2c: {  	p0 =	sne.s32 s0, $0xC600;
	v9 =	vld [tilespmem:s1+$0x3230];
	v10 =	vmov v1  }
0x2d: {  	v11 =	vld [tilespmem:s1+$0x3260];
	v12 =	vmov v0  }
0x2e: {  	v13 =	vld [tilespmem:s1+$0x3270];
	s1 =	sshra.s32 s0, $0x2  }
.Ltmp0:
0x2f: {  	v1 =	vld [tilespmem:s1+$0x3240];
	(pc) =	sbr.rel @p0 .LBB2_3-.Ltmp0, $4  }
0x30: {  	v5 =	vadd.f32 v2, v5;
	v6 =	vadd.f32 v3, v6;
	v0 =	vld [tilespmem:s1+$0x3250]  }
0x31: {  	v8 =	vadd.f32 v4, v8;
	v2 =	vld [tilespmem:s1+$0x3200];
	v7 =	vadd.f32 v9, v7  }
0x32: {  	v5 =	vadd.f32 v10, v5;
	v6 =	vadd.f32 v12, v6;
	v3 =	vld [tilespmem:s1+$0x3210]  }
0x33: {  	s0 =	sadd.s32 $0x200, s0;
	v8 =	vadd.f32 v11, v8;
	v4 =	vld [tilespmem:s1+$0x3220];
	v7 =	vadd.f32 v13, v7  }
0x34: {  	v9 =	vld [tilespmem:s1+$0x3230]  }
0x35: {  	v10 =	vld [tilespmem:s1+$0x3260]  }
0x36: {  	v11 =	vld [tilespmem:s1+$0x3270];
	v2 =	vadd.f32 v2, v5  }
0x37: {  	v3 =	vadd.f32 v3, v6  }
0x38: {  	v4 =	vadd.f32 v4, v8;
	v1 =	vadd.f32 v1, v2  }
0x39: {  	v2 =	vadd.f32 v9, v7;
	v0 =	vadd.f32 v0, v3  }
0x3a: {  	s0 =	sshll.u32 s29, $0x8;
	v3 =	vadd.f32 v10, v4;
	v1 =	vmul.f32 $4.999999890e-03, v1  }
0x3b: {  	p0 =	seq.s32 s29, $0xF;
	s31 =	sand.u32 $0x3FFFFF00, s0;
	v2 =	vadd.f32 v11, v2;
	v0 =	vmul.f32 $4.999999890e-03, v0  }
0x3c: {  	s0 =	smul.u32 @!p0 $0xC80, s29;
	[tilespmem:s31+$0xFA00] =	vst v1;
	v1 =	vmul.f32 $4.999999890e-03, v3  }
0x3d: {  	[tilespmem:s31+$0xFA10] =	vst v0;
	v0 =	vmul.f32 $4.999999890e-03, v2  }
0x3e: {  	s1 =	sshra.s32 @!p0 s0, $0x2;
	[tilespmem:s31+$0xFA20] =	vst v1  }
0x3f: {  	s9 =	simm.s32 @!p0 $0x80;
	s11 =	simm.s32 @!p0 $0x3200;
	s0 =	sadd.s32 @!p0 $0x320, s1;
	[tilespmem:s31+$0xFA30] =	vst v0  }
0x40: {  	[tilespmem:s11], [sflag:$0x1] =	stream.indirect.gather @!p0 [hbm4b:s3+s9], $0x40, s0, s9, $0xb8;
	[tilespmem:$0x10A00] =	vst v63  }
0x41: {  	s0 =	sadd.s32 @!p0 $0x3A0, s1;
	s9 =	simm.s32 @!p0 $0x48;
	s11 =	simm.s32 @!p0 $0x5200  }
0x42: {  	[tilespmem:s11], [sflag:$0x1] =	stream.indirect.gather @!p0 [hbm4b:s3+s9], $0x40, s0, s9, $0xb8;
	[tilespmem:$0x10A00] =	vst v63  }
0x43: {  	_ =	swait.ge [sflag:s23], $0x3200  }
0x44: {  	[sflag:s23] =	ssyncset.done $0x0  }
0x45: {  	s0 =	simm.s32 $0x0;
	[sflag:s23] =	ssyncadd.s32 $0xFFFFCE00  }
0x46: {  	v1 =	vld [tilespmem:s0+$0x6440]  }
0x47: {  	v0 =	vld [tilespmem:s0+$0x6450]  }
0x48: {  	v2 =	vld [tilespmem:s0+$0x6400]  }
0x49: {  	v5 =	vimm.f32 $0.0e+00;
	v3 =	vld [tilespmem:s0+$0x6410]  }
0x4a: {  	v6 =	vimm.f32 $0.0e+00;
	v8 =	vimm.f32 $0.0e+00;
	v7 =	vimm.f32 $0.0e+00;
	s9 =	simm.s32 $0x200;
	v4 =	vld [tilespmem:s0+$0x6420]  }
.LBB2_5:
0x4b: {  	p1 =	sne.s32 s9, $0xC600;
	v9 =	vld [tilespmem:s0+$0x6430];
	v10 =	vmov v1  }
0x4c: {  	v11 =	vld [tilespmem:s0+$0x6460];
	v12 =	vmov v0  }
0x4d: {  	v13 =	vld [tilespmem:s0+$0x6470];
	s0 =	sshra.s32 s9, $0x2  }
.Ltmp1:
0x4e: {  	v1 =	vld [tilespmem:s0+$0x6440];
	(pc) =	sbr.rel @p1 .LBB2_5-.Ltmp1, $4  }
0x4f: {  	v5 =	vadd.f32 v2, v5;
	v6 =	vadd.f32 v3, v6;
	v0 =	vld [tilespmem:s0+$0x6450]  }
0x50: {  	v8 =	vadd.f32 v4, v8;
	v2 =	vld [tilespmem:s0+$0x6400];
	v7 =	vadd.f32 v9, v7  }
0x51: {  	v5 =	vadd.f32 v10, v5;
	v6 =	vadd.f32 v12, v6;
	v3 =	vld [tilespmem:s0+$0x6410]  }
0x52: {  	s9 =	sadd.s32 $0x200, s9;
	v8 =	vadd.f32 v11, v8;
	v4 =	vld [tilespmem:s0+$0x6420];
	v7 =	vadd.f32 v13, v7  }
0x53: {  	v9 =	vld [tilespmem:s0+$0x6430]  }
0x54: {  	v10 =	vld [tilespmem:s0+$0x6460]  }
0x55: {  	v11 =	vld [tilespmem:s0+$0x6470];
	v2 =	vadd.f32 v2, v5  }
0x56: {  	v3 =	vadd.f32 v3, v6  }
0x57: {  	v4 =	vadd.f32 v4, v8;
	v1 =	vadd.f32 v1, v2  }
0x58: {  	v2 =	vadd.f32 v9, v7;
	v0 =	vadd.f32 v0, v3  }
0x59: {  	v3 =	vadd.f32 v10, v4;
	v1 =	vmul.f32 $4.999999890e-03, v1  }
0x5a: {  	v2 =	vadd.f32 v11, v2;
	v0 =	vmul.f32 $4.999999890e-03, v0  }
0x5b: {  	[tilespmem:s31+$0xFA40] =	vst v1;
	v1 =	vmul.f32 $4.999999890e-03, v3  }
0x5c: {  	[tilespmem:s31+$0xFA50] =	vst v0;
	v0 =	vmul.f32 $4.999999890e-03, v2  }
0x5d: {  	[tilespmem:s31+$0xFA60] =	vst v1  }
0x5e: {  	s0 =	sadd.s32 @!p0 $0x3E8, s1;
	s9 =	simm.s32 @!p0 $0x80;
	s11 =	simm.s32 @!p0 $0x6400;
	[tilespmem:s31+$0xFA70] =	vst v0  }
0x5f: {  	[tilespmem:s11], [sflag:$0x2] =	stream.indirect.gather @!p0 [hbm4b:s3+s9], $0x40, s0, s9, $0xb8;
	[tilespmem:$0x10A00] =	vst v63  }
0x60: {  	s0 =	sadd.s32 @!p0 $0x468, s1;
	s9 =	simm.s32 @!p0 $0x48;
	s11 =	simm.s32 @!p0 $0x8400  }
0x61: {  	[tilespmem:s11], [sflag:$0x2] =	stream.indirect.gather @!p0 [hbm4b:s3+s9], $0x40, s0, s9, $0xb8;
	[tilespmem:$0x10A00] =	vst v63  }
0x62: {  	_ =	swait.ge [sflag:s24], $0x3200  }
0x63: {  	[sflag:s24] =	ssyncset.done $0x0  }
0x64: {  	s0 =	simm.s32 $0x0;
	[sflag:s24] =	ssyncadd.s32 $0xFFFFCE00  }
0x65: {  	v1 =	vld [tilespmem:s0+$0x9640]  }
0x66: {  	v0 =	vld [tilespmem:s0+$0x9650]  }
0x67: {  	v2 =	vld [tilespmem:s0+$0x9600]  }
0x68: {  	v5 =	vimm.f32 $0.0e+00;
	v3 =	vld [tilespmem:s0+$0x9610]  }
0x69: {  	v6 =	vimm.f32 $0.0e+00;
	v8 =	vimm.f32 $0.0e+00;
	v7 =	vimm.f32 $0.0e+00;
	s9 =	simm.s32 $0x200;
	v4 =	vld [tilespmem:s0+$0x9620]  }
.LBB2_7:
0x6a: {  	p1 =	sne.s32 s9, $0xC600;
	v9 =	vld [tilespmem:s0+$0x9630];
	v10 =	vmov v1  }
0x6b: {  	v11 =	vld [tilespmem:s0+$0x9660];
	v12 =	vmov v0  }
0x6c: {  	v13 =	vld [tilespmem:s0+$0x9670];
	s0 =	sshra.s32 s9, $0x2  }
.Ltmp2:
0x6d: {  	v1 =	vld [tilespmem:s0+$0x9640];
	(pc) =	sbr.rel @p1 .LBB2_7-.Ltmp2, $4  }
0x6e: {  	v5 =	vadd.f32 v2, v5;
	v6 =	vadd.f32 v3, v6;
	v0 =	vld [tilespmem:s0+$0x9650]  }
0x6f: {  	v8 =	vadd.f32 v4, v8;
	v2 =	vld [tilespmem:s0+$0x9600];
	v7 =	vadd.f32 v9, v7  }
0x70: {  	v5 =	vadd.f32 v10, v5;
	v6 =	vadd.f32 v12, v6;
	v3 =	vld [tilespmem:s0+$0x9610]  }
0x71: {  	s9 =	sadd.s32 $0x200, s9;
	v8 =	vadd.f32 v11, v8;
	v4 =	vld [tilespmem:s0+$0x9620];
	v7 =	vadd.f32 v13, v7  }
0x72: {  	v9 =	vld [tilespmem:s0+$0x9630]  }
0x73: {  	v10 =	vld [tilespmem:s0+$0x9660]  }
0x74: {  	v11 =	vld [tilespmem:s0+$0x9670];
	v2 =	vadd.f32 v2, v5  }
0x75: {  	v3 =	vadd.f32 v3, v6  }
0x76: {  	v4 =	vadd.f32 v4, v8;
	v1 =	vadd.f32 v1, v2  }
0x77: {  	v2 =	vadd.f32 v9, v7;
	v0 =	vadd.f32 v0, v3  }
0x78: {  	v3 =	vadd.f32 v10, v4;
	v1 =	vmul.f32 $4.999999890e-03, v1  }
0x79: {  	v2 =	vadd.f32 v11, v2;
	v0 =	vmul.f32 $4.999999890e-03, v0  }
0x7a: {  	[tilespmem:s31+$0xFA80] =	vst v1;
	v1 =	vmul.f32 $4.999999890e-03, v3  }
0x7b: {  	[tilespmem:s31+$0xFA90] =	vst v0;
	v0 =	vmul.f32 $4.999999890e-03, v2  }
0x7c: {  	[tilespmem:s31+$0xFAA0] =	vst v1  }
0x7d: {  	s0 =	sadd.s32 @!p0 $0x4B0, s1;
	s9 =	simm.s32 @!p0 $0x80;
	s11 =	simm.s32 @!p0 $0x9600;
	[tilespmem:s31+$0xFAB0] =	vst v0  }
0x7e: {  	[tilespmem:s11], [sflag:$0x3] =	stream.indirect.gather @!p0 [hbm4b:s3+s9], $0x40, s0, s9, $0xb8;
	[tilespmem:$0x10A00] =	vst v63  }
0x7f: {  	s0 =	sadd.s32 @!p0 $0x530, s1;
	s1 =	simm.s32 @!p0 $0x48;
	s9 =	simm.s32 @!p0 $0xB600  }
0x80: {  	[tilespmem:s9], [sflag:$0x3] =	stream.indirect.gather @!p0 [hbm4b:s3+s1], $0x40, s0, s1, $0xb8;
	[tilespmem:$0x10A00] =	vst v63  }
0x81: {  	_ =	swait.ge [sflag:s25], $0x3200  }
0x82: {  	[sflag:s25] =	ssyncset.done $0x0  }
0x83: {  	s0 =	simm.s32 $0x0;
	[sflag:s25] =	ssyncadd.s32 $0xFFFFCE00  }
0x84: {  	v1 =	vld [tilespmem:s0+$0xC840]  }
0x85: {  	v0 =	vld [tilespmem:s0+$0xC850]  }
0x86: {  	v2 =	vld [tilespmem:s0+$0xC800]  }
0x87: {  	v5 =	vimm.f32 $0.0e+00;
	v3 =	vld [tilespmem:s0+$0xC810]  }
0x88: {  	v6 =	vimm.f32 $0.0e+00;
	v8 =	vimm.f32 $0.0e+00;
	v7 =	vimm.f32 $0.0e+00;
	s1 =	simm.s32 $0x200;
	v4 =	vld [tilespmem:s0+$0xC820]  }
.LBB2_9:
0x89: {  	p0 =	sne.s32 s1, $0xC600;
	v9 =	vld [tilespmem:s0+$0xC830];
	v10 =	vmov v1  }
0x8a: {  	v11 =	vld [tilespmem:s0+$0xC860];
	v12 =	vmov v0  }
0x8b: {  	v13 =	vld [tilespmem:s0+$0xC870];
	s0 =	sshra.s32 s1, $0x2  }
.Ltmp3:
0x8c: {  	v1 =	vld [tilespmem:s0+$0xC840];
	(pc) =	sbr.rel @p0 .LBB2_9-.Ltmp3, $4  }
0x8d: {  	v5 =	vadd.f32 v2, v5;
	v6 =	vadd.f32 v3, v6;
	v0 =	vld [tilespmem:s0+$0xC850]  }
0x8e: {  	v8 =	vadd.f32 v4, v8;
	v2 =	vld [tilespmem:s0+$0xC800];
	v7 =	vadd.f32 v9, v7  }
0x8f: {  	v5 =	vadd.f32 v10, v5;
	v6 =	vadd.f32 v12, v6;
	v3 =	vld [tilespmem:s0+$0xC810]  }
0x90: {  	s1 =	sadd.s32 $0x200, s1;
	v8 =	vadd.f32 v11, v8;
	v4 =	vld [tilespmem:s0+$0xC820];
	v7 =	vadd.f32 v13, v7  }
0x91: {  	v9 =	vld [tilespmem:s0+$0xC830]  }
0x92: {  	v10 =	vld [tilespmem:s0+$0xC860]  }
0x93: {  	v11 =	vld [tilespmem:s0+$0xC870];
	v2 =	vadd.f32 v2, v5  }
0x94: {  	v3 =	vadd.f32 v3, v6  }
0x95: {  	v4 =	vadd.f32 v4, v8;
	v1 =	vadd.f32 v1, v2  }
0x96: {  	s29 =	sadd.s32 $0x1, s29;
	v60 =	vadd.f32 v9, v7;
	v0 =	vadd.f32 v0, v3  }
0x97: {  	s31 =	sshll.u32 s30, $0x6;
	p0 =	sne.s32 s29, $0x10;
	v61 =	vadd.f32 v10, v4;
	v1 =	vmul.f32 $4.999999890e-03, v1  }
.Ltmp4:
0x98: {  	s0 =	sand.u32 $0x3FFFFFC0, s31;
	v2 =	vadd.f32 v11, v60;
	v0 =	vmul.f32 $4.999999890e-03, v0;
	(pc) =	sbr.rel @p0 .LBB2_2-.Ltmp4, $4  }
0x99: {  	[tilespmem:s0+$0xFA00] =	vst v1;
	v62 =	vmul.f32 $4.999999890e-03, v61  }
0x9a: {  	[tilespmem:s0+$0xFA10] =	vst v0;
	v63 =	vmul.f32 $4.999999890e-03, v2  }
0x9b: {  	[tilespmem:s0+$0xFA20] =	vst v62  }
0x9c: {  	[tilespmem:s0+$0xFA30] =	vst v63  }
0x9d: {  	s28 =	sadd.s32 $0x1, s28  }
0x9e: {  	p0 =	sne.s32 s28, s6  }
.Ltmp5:
0x9f: {  	_ = 	snop;
	(pc) =	sbr.rel @p0 .LBB2_1-.Ltmp5, $4  }
0xa0: {  	[hbm4b:s5+s2] =	stream.linear.scatter [tilespmem:s26], [sflag:$0x5], $0x1000, $0x38;
	[tilespmem:$0x10A00] =	vst v63  }
0xa1: {  	_ =	swait.ge [sflag:s7], $0x1000  }
0xa2: {  	[sflag:s7] =	ssyncset.done $0x0  }
0xa3: {  	[sflag:s7] =	ssyncadd.s32 $0xFFFFF000  }
0xa4: {  	_ =	sfence.sel $0x180000  }
0xa5: {  	[bflag:$0x0] =	sbarrier.arrive $0xFFFF  }
0xa6: {  	_ =	strace $0x90000047  }
0xa7: {  	s0 =	stileid.u32;
	[bflag:$0x2] =	sbarrier.arrive $0xFFFF  }
0xa8: {  	p0 =	sne.s32 s0, $0x0;
	s0 =	rddreg [dreg:$0x1]  }
0xa9: {  	s0 =	sadd.s32 @!p0 $0x100000, s0  }
0xaa: {  	[sflag:s0] =	ssyncadd.tile.s32 @!p0 $0x1;
	_ =	shalt  }
.Lfunc_end2:
_tile_overlayer_lowered:
.L_overlay_start_2:
0xab: {  	(tag) =	ssettag $0x2  }
0xac: {  	s0 =	rddreg [dreg:$0x0];
	s2 =	stileid.u32  }
0xad: {  	s1 =	rddreg [dreg:$0x1];
	p0 =	sne.s32 s2, $0x0  }
0xae: {  	s3 =	rddreg [dreg:$0x2];
	[bflag:$0x3] =	sbarrier.arrive $0xFFFF;
	s2 =	simm.s32 @!p0 $0x1C05  }
0xaf: {  	[timem:s3], [sflag:s2] =	dma.local @!p0 [hbm:s0], s1  }
0xb0: {  	s0 =	simm.s32 @!p0 $0x5  }
0xb1: {  	_ =	swait.ge @!p0 [sflag:s0], s1  }
0xb2: {  	s1 =	ssub.s32 @!p0 $0x0, s1;
	[sflag:s0] =	ssyncset.done @!p0 $0x0  }
0xb3: {  	[sflag:s0] =	ssyncadd.s32 @!p0 s1  }
0xb4: {  	[bflag:$0x3] =	sbarrier.arrive $0xFFFF  }
0xb5: {  	_ =	shalt  }

// kernel: kernel.7.cloned.1.call-start
scs
__scs_entry_jumppad:
0x0: {  	(pc) =	sbr.rel $0x88, $3  }
0x1: {  	(tag) =	ssettag $0x0;
	lr =	simm.s32 $0x1  }
0x2: {  	[smem:$0x3F9D] =	sst lr;
	_ =	strace $0xD0000000  }
0x3: {  	_ = 	snop  }
0x4: {  	_ = 	snop  }
0x5: {  	_ = 	snop  }
0x6: {  	_ = 	snop  }
0x7: {  	_ = 	snop  }
__scs_overlays_trampoline_lowered:
0x8: {  	[smem:$0x3FAC] =	sst s0  }
0x9: {  	[smem:$0x3FAD] =	sst s1  }
0xa: {  	[smem:$0x3FAE] =	sst s2  }
0xb: {  	[smem:$0x3FAF] =	sst s3  }
0xc: {  	[smem:$0x3FB0] =	sst s4  }
0xd: {  	[smem:$0x3FB1] =	sst s5  }
0xe: {  	[smem:$0x3FB2] =	sst s6  }
0xf: {  	[smem:$0x3FB3] =	sst s7  }
0x10: {  	[smem:$0x3FB4] =	sst s8  }
0x11: {  	[smem:$0x3FB5] =	sst s9;
	s0 =	simm.s32 @!p0 $0x0  }
0x12: {  	s1 =	sld [smem:$0x3F9B];
	s0 =	simm.s32 @p0 $0x1  }
0x13: {  	[smem:$0x3FB6] =	sst s0;
	s0 =	simm.s32 @!p1 $0x0  }
0x14: {  	s2 =	sld [smem:$0x3F9A];
	s0 =	simm.s32 @p1 $0x1  }
0x15: {  	[smem:$0x3FB7] =	sst s0;
	s0 =	simm.s32 @!p2 $0x0  }
0x16: {  	s3 =	sld [smem:$0x3FDB];
	s0 =	simm.s32 @p2 $0x1  }
0x17: {  	s4 =	simm.s32 $0x1BF5;
	[smem:$0x3FB9] =	sst s0  }
0x18: {  	s0 =	sld [smem:$0x3F9C];
	_ =	swait.ge [sflag:s4], $0x0  }
0x19: {  	s7 =	sld [smem:$0x3F9D]  }
0x1a: {  	s8 =	sadd.s32 $0xFFFFE003, lr  }
0x1b: {  	s9 =	sadd.s32 $0xFFFFFEF7, lr;
	s5 =	simm.s32 $0xFFFFFFFF;
	p2 =	slt.u32 s8, $0xFFFFF086  }
0x1c: {  	p1 =	slt.u32 s9, $0xF7A;
	s5 =	simm.s32 @!p2 $0x0  }
0x1d: {  	s5 =	simm.s32 @p1 $0x1;
	p0 =	seq.s32 s7, s2  }
0x1e: {  	s7 =	smul.u32 @!p0 $0xF7A, s2;
	p2 =	seq.s32 @!p0 s5, $0x0  }
0x1f: {  	s9 =	smul.u32 $0xF7A, s1;
	s8 =	simm.s32 @!p0 $0x1BF5;
	p2 =	por !p2, p0  }
0x20: {  	[sflag:s8] =	ssyncset.s32 @!p0 $0xFFFFF086;
	s6 =	sadd.s32 @!p0 s3, s7;
	s7 =	simm.s32 @!p0 $0x108  }
0x21: {  	s3 =	sadd.s32 s3, s9;
	s6 =	sadd.s32 @!p0 $0x88, s6;
	s7 =	simm.s32 @p2 $0x1082  }
0x22: {  	[simem:s7], [sflag:s8] =	dma.local @!p0 [hbm:s6], $0xF7A  }
0x23: {  	s9 =	sor.u32 $0xD0000000, s2;
	s6 =	simm.s32 $0x108;
	_ =	swait.ge @!p0 [sflag:s8], $0x0  }
0x24: {  	s3 =	sadd.s32 $0x88, s3;
	s6 =	simm.s32 @!p1 $0x1082;
	[sflag:s4] =	ssyncset.s32 $0xFFFFF086  }
0x25: {  	[simem:s6], [sflag:s4] =	dma.local [hbm:s3], $0xF7A  }
0x26: {  	[smem:$0x3F9D] =	sst s1;
	(tag) =	ssettag s2;
	_ =	strace s9  }
0x27: {  	s1 =	sld [smem:$0x3FAD]  }
0x28: {  	s2 =	sld [smem:$0x3FAE]  }
0x29: {  	s4 =	sld [smem:$0x3FB0]  }
0x2a: {  	p0 =	seq.s32 s5, $0x0;
	s5 =	sld [smem:$0x3FB1]  }
0x2b: {  	s6 =	sld [smem:$0x3FB2]  }
0x2c: {  	s7 =	sld [smem:$0x3FB3]  }
0x2d: {  	s3 =	simm.s32 $0x108;
	s8 =	sld [smem:$0x3FB4]  }
0x2e: {  	s3 =	simm.s32 @!p0 $0x1082;
	s9 =	sld [smem:$0x3FB5]  }
0x2f: {  	lr =	sadd.s32 s0, s3;
	s0 =	sld [smem:$0x3FAC]  }
0x30: {  	s3 =	sld [smem:$0x3FAF]  }
0x31: {  	[smem:$0x3FB8] =	sst s10  }
0x32: {  	s10 =	sld [smem:$0x3FB6];
	_ =	sdelay $0x3  }
0x33: {  	p0 =	seq.s32 s10, $0x1;
	s10 =	sld [smem:$0x3FB8];
	_ =	sdelay $0x3  }
0x34: {  	[smem:$0x3FB8] =	sst s10  }
0x35: {  	s10 =	sld [smem:$0x3FB7];
	_ =	sdelay $0x3  }
0x36: {  	p1 =	seq.s32 s10, $0x1;
	s10 =	sld [smem:$0x3FB8];
	_ =	sdelay $0x3  }
0x37: {  	[smem:$0x3FB8] =	sst s10  }
0x38: {  	s10 =	sld [smem:$0x3FB9]  }
0x39: {  	_ = 	snop;
	(pc) =	sbr.ind lr, $3  }
0x3a: {  	_ = 	snop  }
0x3b: {  	_ = 	snop  }
0x3c: {  	p2 =	seq.s32 s10, $0x1;
	s10 =	sld [smem:$0x3FB8]  }
0x3d: {  	_ =	shalt  }
0x3e: {  	_ =	shalt  }
0x3f: {  	_ =	shalt  }
0x40: {  	_ =	shalt  }
0x41: {  	_ =	shalt  }
0x42: {  	_ =	shalt  }
0x43: {  	_ =	shalt  }
0x44: {  	_ =	shalt  }
0x45: {  	_ =	shalt  }
0x46: {  	_ =	shalt  }
0x47: {  	_ =	shalt  }
0x48: {  	_ =	shalt  }
0x49: {  	_ =	shalt  }
0x4a: {  	_ =	shalt  }
0x4b: {  	_ =	shalt  }
0x4c: {  	_ =	shalt  }
0x4d: {  	_ =	shalt  }
0x4e: {  	_ =	shalt  }
0x4f: {  	_ =	shalt  }
0x50: {  	_ =	shalt  }
0x51: {  	_ =	shalt  }
0x52: {  	_ =	shalt  }
0x53: {  	_ =	shalt  }
0x54: {  	_ =	shalt  }
0x55: {  	_ =	shalt  }
0x56: {  	_ =	shalt  }
0x57: {  	_ =	shalt  }
0x58: {  	_ =	shalt  }
0x59: {  	_ =	shalt  }
0x5a: {  	_ =	shalt  }
0x5b: {  	_ =	shalt  }
0x5c: {  	_ =	shalt  }
0x5d: {  	_ =	shalt  }
0x5e: {  	_ =	shalt  }
0x5f: {  	_ =	shalt  }
0x60: {  	_ =	shalt  }
0x61: {  	_ =	shalt  }
0x62: {  	_ =	shalt  }
0x63: {  	_ =	shalt  }
0x64: {  	_ =	shalt  }
0x65: {  	_ =	shalt  }
0x66: {  	_ =	shalt  }
0x67: {  	_ =	shalt  }
0x68: {  	_ =	shalt  }
0x69: {  	_ =	shalt  }
0x6a: {  	_ =	shalt  }
0x6b: {  	_ =	shalt  }
0x6c: {  	_ =	shalt  }
0x6d: {  	_ =	shalt  }
0x6e: {  	_ =	shalt  }
0x6f: {  	_ =	shalt  }
0x70: {  	_ =	shalt  }
0x71: {  	_ =	shalt  }
0x72: {  	_ =	shalt  }
0x73: {  	_ =	shalt  }
0x74: {  	_ =	shalt  }
0x75: {  	_ =	shalt  }
0x76: {  	_ =	shalt  }
0x77: {  	_ =	shalt  }
0x78: {  	_ =	shalt  }
0x79: {  	_ =	shalt  }
0x7a: {  	_ =	shalt  }
0x7b: {  	_ =	shalt  }
0x7c: {  	_ =	shalt  }
0x7d: {  	_ =	shalt  }
0x7e: {  	_ =	shalt  }
0x7f: {  	_ =	shalt  }
0x80: {  	_ =	shalt  }
0x81: {  	_ =	shalt  }
0x82: {  	_ =	shalt  }
0x83: {  	_ =	shalt  }
0x84: {  	_ =	shalt  }
0x85: {  	_ =	shalt  }
0x86: {  	_ =	shalt  }
0x87: {  	_ =	shalt  }
.Lfunc_end0:
.L_simem_size_0:
called_computation_lowered:
.L_overlay_start_0:
0x88: {  	s2 =	sld [smem:$0x3FD9]  }
0x89: {  	s3 =	sld [smem:$0x3FFE];
	_ =	sdelay $0x1  }
0x8a: {  	s1 =	srdreg.scid  }
0x8b: {  	s0 =	sand.u32 $0x1, s1  }
0x8c: {  	s17 =	sshll.u32 s0, $0xA;
	s2 =	sadd.s32 s3, s2  }
0x8d: {  	s2 =	sadd.s32 s2, s17  }
0x8e: {  	[smem:$0x3FC4] =	sst s2  }
0x8f: {  	_ = 	snop  }
0x90: {  	(tm) =	ssettm $0x1  }
0x91: {  	s18 =	sld [smem:$0x3FFB];
	_ =	sdelay $0x3  }
0x92: {  	_ =	strace s18  }
0x93: {  	s2 =	sld [smem:$0x3FFC];
	_ =	sdelay $0x3  }
0x94: {  	_ =	strace s2  }
0x95: {  	s2 =	sld [smem:$0x3FFD];
	_ =	sdelay $0x3  }
0x96: {  	_ =	strace s2  }
0x97: {  	_ =	strace $0x8FFFFFFF  }
0x98: {  	s19 =	sld [smem:$0x3FDB];
	_ =	sdelay $0x1  }
0x99: {  	s20 =	simm.s32 $_scs_section_size  }
0x9a: {  	s4 =	simm.s32 $_size__tile_overlayer_lowered;
	s5 =	simm.s32 $_tile_overlayer_lowered  }
0x9b: {  	s6 =	simm.s32 $0x1BFF;
	s21 =	sshll.u32 s5, $0x1;
	s3 =	sadd.s32 s20, s19  }
0x9c: {  	s22 =	simm.s32 $0x0;
	s4 =	sshll.u32 s4, $0x1;
	s5 =	sadd.s32 s21, s3  }
0x9d: {  	[timem:s22], [sflag:s6] =	dma.local [hbm:s5], s4  }
0x9e: {  	_ =	swait.ge [sflag:s6], s4  }
0x9f: {  	s4 =	ssub.s32 $0x0, s4;
	[sflag:s6] =	ssyncset.done $0x0  }
0xa0: {  	[sflag:s6] =	ssyncadd.s32 s4;
	_ =	sdelay $0x1  }
0xa1: {  	s23 =	simm.s32 $0x1B8B  }
0xa2: {  	_ =	swait.ge [sflag:s23], $0x1  }
0xa3: {  	[sflag:s23] =	ssyncset.done $0x0  }
0xa4: {  	[sflag:s23] =	ssyncadd.s32 $0xFFFFFFFF  }
0xa5: {  	s4 =	sld [smem:$0x0]  }
0xa6: {  	s5 =	sand.u32 $0xFFFFFFFE, s1  }
0xa7: {  	p0 =	sne.s32 s1, s5  }
0xa8: {  	s5 =	sshll.u32 @p0 s5, $0xE  }
0xa9: {  	s5 =	sadd.s32 @p0 $0x11B8D, s5;
	s6 =	sshll.u32 @p0 s4, $0x11  }
0xaa: {  	s5 =	sor.u32 @p0 s6, s5  }
0xab: {  	[sflag:s5] =	ssyncadd.remote.s32 @p0 $0x1;
	_ =	sdelay $0x1  }
0xac: {  	s5 =	simm.s32 @p0 $0x1B8D  }
0xad: {  	_ =	swait.eq @p0 [sflag:s5], $0x1  }
0xae: {  	[sflag:s5] =	ssyncadd.s32 @p0 $0xFFFFFFFF  }
0xaf: {  	s6 =	sshll.u32 @!p0 s1, $0xE  }
0xb0: {  	s6 =	sor.u32 @!p0 $0x4000, s6;
	s5 =	simm.s32 @!p0 $0x1B8D  }
0xb1: {  	s4 =	sshll.u32 @!p0 s4, $0x11;
	s6 =	sadd.s32 @!p0 $0x11B8D, s6;
	_ =	swait.eq @!p0 [sflag:s5], $0x1  }
0xb2: {  	s4 =	sor.u32 @!p0 s4, s6;
	[sflag:s5] =	ssyncadd.s32 @!p0 $0xFFFFFFFF  }
0xb3: {  	s25 =	simm.s32 $0x1B8E;
	s24 =	sld [smem:$0x3FFE];
	[sflag:s4] =	ssyncadd.remote.s32 @!p0 $0x1  }
0xb4: {  	s26 =	simm.s32 $execute0_lowered;
	[smem:$0x3FD2] =	sst s25  }
0xb5: {  	s5 =	sshll.u32 s26, $0x1;
	_ =	strace $0x80000049;
	[dreg:$0x1] =	wrdreg $0xFFFFFFFF  }
0xb6: {  	s28 =	simm.s32 $_size_execute0_lowered;
	s3 =	sadd.s32 s3, s5;
	[dreg:$0x0] =	wrdreg $0x0  }
0xb7: {  	s5 =	sshll.u32 s28, $0x1;
	[dreg:$0x2] =	wrdreg s3  }
0xb8: {  	[dreg:$0x3] =	wrdreg s5  }
0xb9: {  	[dreg:$0x4] =	wrdreg $0xC0  }
0xba: {  	_ =	task [dreg:s22], $0x5FFFF  }
0xbb: {  	[dreg:$0x1] =	wrdreg $0xFFFFFFFF  }
0xbc: {  	[dreg:$0x0] =	wrdreg $0x60  }
0xbd: {  	[dreg:$0x2] =	wrdreg s24  }
0xbe: {  	[dreg:$0x3] =	wrdreg $0x9  }
0xbf: {  	_ =	task.clear_ibuf [dreg:s22], $0x4FFFF;
	_ =	strace $0x90000049  }
0xc0: {  	s29 =	simm.s32 $0x9;
	_ =	strace $0x8000004B  }
0xc1: {  	_ =	swait.ge [sflag:s29], $0x1  }
0xc2: {  	[sflag:s29] =	ssyncadd.s32 $0xFFFFFFFF  }
0xc3: {  	_ =	strace $0x9000004B  }
0xc4: {  	_ =	sfence  }
0xc5: {  	s30 =	sld [smem:$0x0];
	_ =	sdelay $0x2  }
0xc6: {  	s31 =	sshll.u32 s1, $0xD;
	s1 =	sshrl.u32 s1, $0x2  }
0xc7: {  	s4 =	sand.u32 $0x4000, s31;
	s1 =	sadd.s32 s1, s30  }
0xc8: {  	s0 =	sor.u32 s4, s0;
	s1 =	sshll.u32 s1, $0x11  }
0xc9: {  	s0 =	sor.u32 s1, s0  }
0xca: {  	s0 =	sadd.s32 $0x8F2B, s0  }
0xcb: {  	[sflag:s0] =	ssyncadd.remote.s32 $0x1  }
0xcc: {  	_ =	sfence.sel $0xFFFF  }
0xcd: {  	[dreg:$0x0] =	wrdreg $0xFFFFFFFF;
	(pc) =	sbr.abs _section_cstart, $3  }
0xce: {  	[dreg:$0x1] =	wrdreg $0xFFFFFFFF  }
0xcf: {  	_ =	task.clear_ibuf [dreg:s22], $0x2FFFF;
	_ =	strace $0x9FFFFFFF  }
0xd0: {  	(tm) =	ssettm $0x7FFFFFFF  }
0xd1: {  	_ =	shalt  }
tec
execute0_lowered:
.L_overlay_start_1:
0x0: {  	(tag) =	ssettag $0x1  }
0x1: {  	s0 =	srdreg.scid  }
0x2: {  	s2 =	stileid.u32;
	s1 =	rddreg [dreg:$0x0];
	s7 =	simm.s32 $0x5  }
0x3: {  	s8 =	simm.s32 $0x80;
	s10 =	simm.s32 $0x48;
	s12 =	simm.s32 $0xC8  }
0x4: {  	s13 =	simm.s32 $0x6400;
	s14 =	simm.s32 $0x148;
	s15 =	simm.s32 $0x8400  }
0x5: {  	s16 =	simm.s32 $0x190;
	s17 =	simm.s32 $0x9600;
	s18 =	simm.s32 $0x210  }
0x6: {  	s19 =	simm.s32 $0xB600;
	s20 =	simm.s32 $0xC800;
	s21 =	simm.s32 $0xE800  }
0x7: {  	s22 =	simm.s32 $0x1;
	s23 =	simm.s32 $0x2;
	s24 =	simm.s32 $0x3  }
0x8: {  	s25 =	simm.s32 $0x4;
	s26 =	simm.s32 $0xFA00;
	s0 =	sand.u32 $0x1, s0  }
0x9: {  	s3 =	sshll.u32 s2, $0x7;
	s2 =	simm.s32 $0x0;
	s4 =	sshll.u32 s0, $0x6  }
0xa: {  	s28 =	simm.s32 $0x0;
	[smem:$0x7FF] =	sst s2;
	s3 =	sor.u32 s4, s3  }
0xb: {  	s0 =	ssub.s32 $0x2, s0;
	_ =	strace $0x8000004A;
	s4 =	smul.u32 $0x19, s3  }
0xc: {  	s6 =	sshrl.u32 s0, $0x1;
	s5 =	sshll.u32 s3, $0x3;
	s3 =	sadd.s32 $0xF000, s1  }
0xd: {  	s0 =	ssub.s32 s0, s6;
	s4 =	sadd.s32 s4, s1;
	s1 =	sadd.s32 s5, s1  }
0xe: {  	s6 =	smax.u32 s0, $0x1;
	s4 =	sadd.s32 $0xD6600, s4;
	s5 =	sadd.s32 $0xE2E00, s1  }
.LBB2_1:
0xf: {  	[tilespmem:s2], [sflag:$0x5] =	stream.linear.gather [hbm4b:s4+s2], $0x3200, $0x38;
	[tilespmem:$0x10A00] =	vst v63  }
0x10: {  	_ =	swait.ge [sflag:s7], $0x3200  }
0x11: {  	[sflag:s7] =	ssyncset.done $0x0  }
0x12: {  	s0 =	simm.s32 $0x3200;
	[sflag:s7] =	ssyncadd.s32 $0xFFFFCE00  }
0x13: {  	[tilespmem:s0], [sflag:$0x1] =	stream.indirect.gather [hbm4b:s3+s8], $0x40, s2, s8, $0xb8;
	[tilespmem:$0x10A00] =	vst v63  }
0x14: {  	s31 =	simm.s32 $0x5200  }
0x15: {  	[tilespmem:s31], [sflag:$0x1] =	stream.indirect.gather [hbm4b:s3+s10], $0x40, s8, s10, $0xb8;
	[tilespmem:$0x10A00] =	vst v63  }
0x16: {  	_ = 	snop  }
0x17: {  	[tilespmem:s13], [sflag:$0x2] =	stream.indirect.gather [hbm4b:s3+s8], $0x40, s12, s8, $0xb8;
	[tilespmem:$0x10A00] =	vst v63  }
0x18: {  	_ = 	snop  }
0x19: {  	[tilespmem:s15], [sflag:$0x2] =	stream.indirect.gather [hbm4b:s3+s10], $0x40, s14, s10, $0xb8;
	[tilespmem:$0x10A00] =	vst v63  }
0x1a: {  	_ = 	snop  }
0x1b: {  	[tilespmem:s17], [sflag:$0x3] =	stream.indirect.gather [hbm4b:s3+s8], $0x40, s16, s8, $0xb8;
	[tilespmem:$0x10A00] =	vst v63  }
0x1c: {  	s29 =	simm.s32 $0x0  }
0x1d: {  	[tilespmem:s19], [sflag:$0x3] =	stream.indirect.gather [hbm4b:s3+s10], $0x40, s18, s10, $0xb8;
	[tilespmem:$0x10A00] =	vst v63  }
.LBB2_2:
0x1e: {  	s30 =	sshllo.u32 s29, $0x2  }
0x1f: {  	s0 =	smul.u32 $0x320, s30;
	_ =	sdelay $0x1  }
0x20: {  	s0 =	sshra.s32 s0, $0x2  }
0x21: {  	[tilespmem:s20], [sflag:$0x4] =	stream.indirect.gather [hbm4b:s3+s8], $0x40, s0, s8, $0xb8;
	[tilespmem:$0x10A00] =	vst v63  }
0x22: {  	s0 =	sadd.s32 $0x80, s0  }
0x23: {  	[tilespmem:s21], [sflag:$0x4] =	stream.indirect.gather [hbm4b:s3+s10], $0x40, s0, s10, $0xb8;
	[tilespmem:$0x10A00] =	vst v63  }
0x24: {  	_ =	swait.ge [sflag:s22], $0x3200  }
0x25: {  	[sflag:s22] =	ssyncset.done $0x0  }
0x26: {  	s1 =	simm.s32 $0x0;
	[sflag:s22] =	ssyncadd.s32 $0xFFFFCE00  }
0x27: {  	v1 =	vld [tilespmem:s1+$0x3240]  }
0x28: {  	v0 =	vld [tilespmem:s1+$0x3250]  }
0x29: {  	v2 =	vld [tilespmem:s1+$0x3200]  }
0x2a: {  	v5 =	vimm.f32 $0.0e+00;
	v3 =	vld [tilespmem:s1+$0x3210]  }
0x2b: {  	v6 =	vimm.f32 $0.0e+00;
	v8 =	vimm.f32 $0.0e+00;
	v7 =	vimm.f32 $0.0e+00;
	s0 =	simm.s32 $0x200;
	v4 =	vld [tilespmem:s1+$0x3220]  }
.LBB2_3:
0x2c: {  	p0 =	sne.s32 s0, $0xC600;
	v9 =	vld [tilespmem:s1+$0x3230];
	v10 =	vmov v1  }
0x2d: {  	v11 =	vld [tilespmem:s1+$0x3260];
	v12 =	vmov v0  }
0x2e: {  	v13 =	vld [tilespmem:s1+$0x3270];
	s1 =	sshra.s32 s0, $0x2  }
.Ltmp0:
0x2f: {  	v1 =	vld [tilespmem:s1+$0x3240];
	(pc) =	sbr.rel @p0 .LBB2_3-.Ltmp0, $4  }
0x30: {  	v5 =	vadd.f32 v2, v5;
	v6 =	vadd.f32 v3, v6;
	v0 =	vld [tilespmem:s1+$0x3250]  }
0x31: {  	v8 =	vadd.f32 v4, v8;
	v2 =	vld [tilespmem:s1+$0x3200];
	v7 =	vadd.f32 v9, v7  }
0x32: {  	v5 =	vadd.f32 v10, v5;
	v6 =	vadd.f32 v12, v6;
	v3 =	vld [tilespmem:s1+$0x3210]  }
0x33: {  	s0 =	sadd.s32 $0x200, s0;
	v8 =	vadd.f32 v11, v8;
	v4 =	vld [tilespmem:s1+$0x3220];
	v7 =	vadd.f32 v13, v7  }
0x34: {  	v9 =	vld [tilespmem:s1+$0x3230]  }
0x35: {  	v10 =	vld [tilespmem:s1+$0x3260]  }
0x36: {  	v11 =	vld [tilespmem:s1+$0x3270];
	v2 =	vadd.f32 v2, v5  }
0x37: {  	v3 =	vadd.f32 v3, v6  }
0x38: {  	v4 =	vadd.f32 v4, v8;
	v1 =	vadd.f32 v1, v2  }
0x39: {  	v2 =	vadd.f32 v9, v7;
	v0 =	vadd.f32 v0, v3  }
0x3a: {  	s0 =	sshll.u32 s29, $0x8;
	v3 =	vadd.f32 v10, v4;
	v1 =	vmul.f32 $4.999999890e-03, v1  }
0x3b: {  	p0 =	seq.s32 s29, $0xF;
	s31 =	sand.u32 $0x3FFFFF00, s0;
	v2 =	vadd.f32 v11, v2;
	v0 =	vmul.f32 $4.999999890e-03, v0  }
0x3c: {  	s0 =	smul.u32 @!p0 $0xC80, s29;
	[tilespmem:s31+$0xFA00] =	vst v1;
	v1 =	vmul.f32 $4.999999890e-03, v3  }
0x3d: {  	[tilespmem:s31+$0xFA10] =	vst v0;
	v0 =	vmul.f32 $4.999999890e-03, v2  }
0x3e: {  	s1 =	sshra.s32 @!p0 s0, $0x2;
	[tilespmem:s31+$0xFA20] =	vst v1  }
0x3f: {  	s9 =	simm.s32 @!p0 $0x80;
	s11 =	simm.s32 @!p0 $0x3200;
	s0 =	sadd.s32 @!p0 $0x320, s1;
	[tilespmem:s31+$0xFA30] =	vst v0  }
0x40: {  	[tilespmem:s11], [sflag:$0x1] =	stream.indirect.gather @!p0 [hbm4b:s3+s9], $0x40, s0, s9, $0xb8;
	[tilespmem:$0x10A00] =	vst v63  }
0x41: {  	s0 =	sadd.s32 @!p0 $0x3A0, s1;
	s9 =	simm.s32 @!p0 $0x48;
	s11 =	simm.s32 @!p0 $0x5200  }
0x42: {  	[tilespmem:s11], [sflag:$0x1] =	stream.indirect.gather @!p0 [hbm4b:s3+s9], $0x40, s0, s9, $0xb8;
	[tilespmem:$0x10A00] =	vst v63  }
0x43: {  	_ =	swait.ge [sflag:s23], $0x3200  }
0x44: {  	[sflag:s23] =	ssyncset.done $0x0  }
0x45: {  	s0 =	simm.s32 $0x0;
	[sflag:s23] =	ssyncadd.s32 $0xFFFFCE00  }
0x46: {  	v1 =	vld [tilespmem:s0+$0x6440]  }
0x47: {  	v0 =	vld [tilespmem:s0+$0x6450]  }
0x48: {  	v2 =	vld [tilespmem:s0+$0x6400]  }
0x49: {  	v5 =	vimm.f32 $0.0e+00;
	v3 =	vld [tilespmem:s0+$0x6410]  }
0x4a: {  	v6 =	vimm.f32 $0.0e+00;
	v8 =	vimm.f32 $0.0e+00;
	v7 =	vimm.f32 $0.0e+00;
	s9 =	simm.s32 $0x200;
	v4 =	vld [tilespmem:s0+$0x6420]  }
.LBB2_5:
0x4b: {  	p1 =	sne.s32 s9, $0xC600;
	v9 =	vld [tilespmem:s0+$0x6430];
	v10 =	vmov v1  }
0x4c: {  	v11 =	vld [tilespmem:s0+$0x6460];
	v12 =	vmov v0  }
0x4d: {  	v13 =	vld [tilespmem:s0+$0x6470];
	s0 =	sshra.s32 s9, $0x2  }
.Ltmp1:
0x4e: {  	v1 =	vld [tilespmem:s0+$0x6440];
	(pc) =	sbr.rel @p1 .LBB2_5-.Ltmp1, $4  }
0x4f: {  	v5 =	vadd.f32 v2, v5;
	v6 =	vadd.f32 v3, v6;
	v0 =	vld [tilespmem:s0+$0x6450]  }
0x50: {  	v8 =	vadd.f32 v4, v8;
	v2 =	vld [tilespmem:s0+$0x6400];
	v7 =	vadd.f32 v9, v7  }
0x51: {  	v5 =	vadd.f32 v10, v5;
	v6 =	vadd.f32 v12, v6;
	v3 =	vld [tilespmem:s0+$0x6410]  }
0x52: {  	s9 =	sadd.s32 $0x200, s9;
	v8 =	vadd.f32 v11, v8;
	v4 =	vld [tilespmem:s0+$0x6420];
	v7 =	vadd.f32 v13, v7  }
0x53: {  	v9 =	vld [tilespmem:s0+$0x6430]  }
0x54: {  	v10 =	vld [tilespmem:s0+$0x6460]  }
0x55: {  	v11 =	vld [tilespmem:s0+$0x6470];
	v2 =	vadd.f32 v2, v5  }
0x56: {  	v3 =	vadd.f32 v3, v6  }
0x57: {  	v4 =	vadd.f32 v4, v8;
	v1 =	vadd.f32 v1, v2  }
0x58: {  	v2 =	vadd.f32 v9, v7;
	v0 =	vadd.f32 v0, v3  }
0x59: {  	v3 =	vadd.f32 v10, v4;
	v1 =	vmul.f32 $4.999999890e-03, v1  }
0x5a: {  	v2 =	vadd.f32 v11, v2;
	v0 =	vmul.f32 $4.999999890e-03, v0  }
0x5b: {  	[tilespmem:s31+$0xFA40] =	vst v1;
	v1 =	vmul.f32 $4.999999890e-03, v3  }
0x5c: {  	[tilespmem:s31+$0xFA50] =	vst v0;
	v0 =	vmul.f32 $4.999999890e-03, v2  }
0x5d: {  	[tilespmem:s31+$0xFA60] =	vst v1  }
0x5e: {  	s0 =	sadd.s32 @!p0 $0x3E8, s1;
	s9 =	simm.s32 @!p0 $0x80;
	s11 =	simm.s32 @!p0 $0x6400;
	[tilespmem:s31+$0xFA70] =	vst v0  }
0x5f: {  	[tilespmem:s11], [sflag:$0x2] =	stream.indirect.gather @!p0 [hbm4b:s3+s9], $0x40, s0, s9, $0xb8;
	[tilespmem:$0x10A00] =	vst v63  }
0x60: {  	s0 =	sadd.s32 @!p0 $0x468, s1;
	s9 =	simm.s32 @!p0 $0x48;
	s11 =	simm.s32 @!p0 $0x8400  }
0x61: {  	[tilespmem:s11], [sflag:$0x2] =	stream.indirect.gather @!p0 [hbm4b:s3+s9], $0x40, s0, s9, $0xb8;
	[tilespmem:$0x10A00] =	vst v63  }
0x62: {  	_ =	swait.ge [sflag:s24], $0x3200  }
0x63: {  	[sflag:s24] =	ssyncset.done $0x0  }
0x64: {  	s0 =	simm.s32 $0x0;
	[sflag:s24] =	ssyncadd.s32 $0xFFFFCE00  }
0x65: {  	v1 =	vld [tilespmem:s0+$0x9640]  }
0x66: {  	v0 =	vld [tilespmem:s0+$0x9650]  }
0x67: {  	v2 =	vld [tilespmem:s0+$0x9600]  }
0x68: {  	v5 =	vimm.f32 $0.0e+00;
	v3 =	vld [tilespmem:s0+$0x9610]  }
0x69: {  	v6 =	vimm.f32 $0.0e+00;
	v8 =	vimm.f32 $0.0e+00;
	v7 =	vimm.f32 $0.0e+00;
	s9 =	simm.s32 $0x200;
	v4 =	vld [tilespmem:s0+$0x9620]  }
.LBB2_7:
0x6a: {  	p1 =	sne.s32 s9, $0xC600;
	v9 =	vld [tilespmem:s0+$0x9630];
	v10 =	vmov v1  }
0x6b: {  	v11 =	vld [tilespmem:s0+$0x9660];
	v12 =	vmov v0  }
0x6c: {  	v13 =	vld [tilespmem:s0+$0x9670];
	s0 =	sshra.s32 s9, $0x2  }
.Ltmp2:
0x6d: {  	v1 =	vld [tilespmem:s0+$0x9640];
	(pc) =	sbr.rel @p1 .LBB2_7-.Ltmp2, $4  }
0x6e: {  	v5 =	vadd.f32 v2, v5;
	v6 =	vadd.f32 v3, v6;
	v0 =	vld [tilespmem:s0+$0x9650]  }
0x6f: {  	v8 =	vadd.f32 v4, v8;
	v2 =	vld [tilespmem:s0+$0x9600];
	v7 =	vadd.f32 v9, v7  }
0x70: {  	v5 =	vadd.f32 v10, v5;
	v6 =	vadd.f32 v12, v6;
	v3 =	vld [tilespmem:s0+$0x9610]  }
0x71: {  	s9 =	sadd.s32 $0x200, s9;
	v8 =	vadd.f32 v11, v8;
	v4 =	vld [tilespmem:s0+$0x9620];
	v7 =	vadd.f32 v13, v7  }
0x72: {  	v9 =	vld [tilespmem:s0+$0x9630]  }
0x73: {  	v10 =	vld [tilespmem:s0+$0x9660]  }
0x74: {  	v11 =	vld [tilespmem:s0+$0x9670];
	v2 =	vadd.f32 v2, v5  }
0x75: {  	v3 =	vadd.f32 v3, v6  }
0x76: {  	v4 =	vadd.f32 v4, v8;
	v1 =	vadd.f32 v1, v2  }
0x77: {  	v2 =	vadd.f32 v9, v7;
	v0 =	vadd.f32 v0, v3  }
0x78: {  	v3 =	vadd.f32 v10, v4;
	v1 =	vmul.f32 $4.999999890e-03, v1  }
0x79: {  	v2 =	vadd.f32 v11, v2;
	v0 =	vmul.f32 $4.999999890e-03, v0  }
0x7a: {  	[tilespmem:s31+$0xFA80] =	vst v1;
	v1 =	vmul.f32 $4.999999890e-03, v3  }
0x7b: {  	[tilespmem:s31+$0xFA90] =	vst v0;
	v0 =	vmul.f32 $4.999999890e-03, v2  }
0x7c: {  	[tilespmem:s31+$0xFAA0] =	vst v1  }
0x7d: {  	s0 =	sadd.s32 @!p0 $0x4B0, s1;
	s9 =	simm.s32 @!p0 $0x80;
	s11 =	simm.s32 @!p0 $0x9600;
	[tilespmem:s31+$0xFAB0] =	vst v0  }
0x7e: {  	[tilespmem:s11], [sflag:$0x3] =	stream.indirect.gather @!p0 [hbm4b:s3+s9], $0x40, s0, s9, $0xb8;
	[tilespmem:$0x10A00] =	vst v63  }
0x7f: {  	s0 =	sadd.s32 @!p0 $0x530, s1;
	s1 =	simm.s32 @!p0 $0x48;
	s9 =	simm.s32 @!p0 $0xB600  }
0x80: {  	[tilespmem:s9], [sflag:$0x3] =	stream.indirect.gather @!p0 [hbm4b:s3+s1], $0x40, s0, s1, $0xb8;
	[tilespmem:$0x10A00] =	vst v63  }
0x81: {  	_ =	swait.ge [sflag:s25], $0x3200  }
0x82: {  	[sflag:s25] =	ssyncset.done $0x0  }
0x83: {  	s0 =	simm.s32 $0x0;
	[sflag:s25] =	ssyncadd.s32 $0xFFFFCE00  }
0x84: {  	v1 =	vld [tilespmem:s0+$0xC840]  }
0x85: {  	v0 =	vld [tilespmem:s0+$0xC850]  }
0x86: {  	v2 =	vld [tilespmem:s0+$0xC800]  }
0x87: {  	v5 =	vimm.f32 $0.0e+00;
	v3 =	vld [tilespmem:s0+$0xC810]  }
0x88: {  	v6 =	vimm.f32 $0.0e+00;
	v8 =	vimm.f32 $0.0e+00;
	v7 =	vimm.f32 $0.0e+00;
	s1 =	simm.s32 $0x200;
	v4 =	vld [tilespmem:s0+$0xC820]  }
.LBB2_9:
0x89: {  	p0 =	sne.s32 s1, $0xC600;
	v9 =	vld [tilespmem:s0+$0xC830];
	v10 =	vmov v1  }
0x8a: {  	v11 =	vld [tilespmem:s0+$0xC860];
	v12 =	vmov v0  }
0x8b: {  	v13 =	vld [tilespmem:s0+$0xC870];
	s0 =	sshra.s32 s1, $0x2  }
.Ltmp3:
0x8c: {  	v1 =	vld [tilespmem:s0+$0xC840];
	(pc) =	sbr.rel @p0 .LBB2_9-.Ltmp3, $4  }
0x8d: {  	v5 =	vadd.f32 v2, v5;
	v6 =	vadd.f32 v3, v6;
	v0 =	vld [tilespmem:s0+$0xC850]  }
0x8e: {  	v8 =	vadd.f32 v4, v8;
	v2 =	vld [tilespmem:s0+$0xC800];
	v7 =	vadd.f32 v9, v7  }
0x8f: {  	v5 =	vadd.f32 v10, v5;
	v6 =	vadd.f32 v12, v6;
	v3 =	vld [tilespmem:s0+$0xC810]  }
0x90: {  	s1 =	sadd.s32 $0x200, s1;
	v8 =	vadd.f32 v11, v8;
	v4 =	vld [tilespmem:s0+$0xC820];
	v7 =	vadd.f32 v13, v7  }
0x91: {  	v9 =	vld [tilespmem:s0+$0xC830]  }
0x92: {  	v10 =	vld [tilespmem:s0+$0xC860]  }
0x93: {  	v11 =	vld [tilespmem:s0+$0xC870];
	v2 =	vadd.f32 v2, v5  }
0x94: {  	v3 =	vadd.f32 v3, v6  }
0x95: {  	v4 =	vadd.f32 v4, v8;
	v1 =	vadd.f32 v1, v2  }
0x96: {  	s29 =	sadd.s32 $0x1, s29;
	v60 =	vadd.f32 v9, v7;
	v0 =	vadd.f32 v0, v3  }
0x97: {  	s31 =	sshll.u32 s30, $0x6;
	p0 =	sne.s32 s29, $0x10;
	v61 =	vadd.f32 v10, v4;
	v1 =	vmul.f32 $4.999999890e-03, v1  }
.Ltmp4:
0x98: {  	s0 =	sand.u32 $0x3FFFFFC0, s31;
	v2 =	vadd.f32 v11, v60;
	v0 =	vmul.f32 $4.999999890e-03, v0;
	(pc) =	sbr.rel @p0 .LBB2_2-.Ltmp4, $4  }
0x99: {  	[tilespmem:s0+$0xFA00] =	vst v1;
	v62 =	vmul.f32 $4.999999890e-03, v61  }
0x9a: {  	[tilespmem:s0+$0xFA10] =	vst v0;
	v63 =	vmul.f32 $4.999999890e-03, v2  }
0x9b: {  	[tilespmem:s0+$0xFA20] =	vst v62  }
0x9c: {  	[tilespmem:s0+$0xFA30] =	vst v63  }
0x9d: {  	s28 =	sadd.s32 $0x1, s28  }
0x9e: {  	p0 =	sne.s32 s28, s6  }
.Ltmp5:
0x9f: {  	_ = 	snop;
	(pc) =	sbr.rel @p0 .LBB2_1-.Ltmp5, $4  }
0xa0: {  	[hbm4b:s5+s2] =	stream.linear.scatter [tilespmem:s26], [sflag:$0x5], $0x1000, $0x38;
	[tilespmem:$0x10A00] =	vst v63  }
0xa1: {  	_ =	swait.ge [sflag:s7], $0x1000  }
0xa2: {  	[sflag:s7] =	ssyncset.done $0x0  }
0xa3: {  	[sflag:s7] =	ssyncadd.s32 $0xFFFFF000  }
0xa4: {  	_ =	sfence.sel $0x180000  }
0xa5: {  	[bflag:$0x0] =	sbarrier.arrive $0xFFFF  }
0xa6: {  	_ =	strace $0x9000004A  }
0xa7: {  	s0 =	stileid.u32;
	[bflag:$0x2] =	sbarrier.arrive $0xFFFF  }
0xa8: {  	p0 =	sne.s32 s0, $0x0;
	s0 =	rddreg [dreg:$0x1]  }
0xa9: {  	s0 =	sadd.s32 @!p0 $0x100000, s0  }
0xaa: {  	[sflag:s0] =	ssyncadd.tile.s32 @!p0 $0x1;
	_ =	shalt  }
.Lfunc_end2:
_tile_overlayer_lowered:
.L_overlay_start_2:
0xab: {  	(tag) =	ssettag $0x2  }
0xac: {  	s0 =	rddreg [dreg:$0x0];
	s2 =	stileid.u32  }
0xad: {  	s1 =	rddreg [dreg:$0x1];
	p0 =	sne.s32 s2, $0x0  }
0xae: {  	s3 =	rddreg [dreg:$0x2];
	[bflag:$0x3] =	sbarrier.arrive $0xFFFF;
	s2 =	simm.s32 @!p0 $0x1C05  }
0xaf: {  	[timem:s3], [sflag:s2] =	dma.local @!p0 [hbm:s0], s1  }
0xb0: {  	s0 =	simm.s32 @!p0 $0x5  }
0xb1: {  	_ =	swait.ge @!p0 [sflag:s0], s1  }
0xb2: {  	s1 =	ssub.s32 @!p0 $0x0, s1;
	[sflag:s0] =	ssyncset.done @!p0 $0x0  }
0xb3: {  	[sflag:s0] =	ssyncadd.s32 @!p0 s1  }
0xb4: {  	[bflag:$0x3] =	sbarrier.arrive $0xFFFF  }
0xb5: {  	_ =	shalt  }

</sc_bundles>
